<compile_context>
chip_gen: v7x
topology: tpu7x:2x2x1
jax: 0.10.2.dev20260603
libtpu: 0.0.44.dev20260713+nightly
codegen_flags: <defaults>
</compile_context>

<pallas_src>
import functools

import jax
import jax.numpy as jnp
from jax import lax
from jax.experimental import pallas as pl
from jax.experimental.pallas import tpu as pltpu
from jax.experimental.pallas import tpu_sc as plsc

_C = 20
_N = 20000
_NPAD = 20480
_ROWS = 160
_LANES = 128
_K = 1024
_TOPK = 1000
_NMS_T = 0.3
_SCORE_T = 0.05
_NCHUNK = 10
_CHUNK = 2048
_B = 128
_NB = _K // _B

_HI = jax.lax.Precision.HIGHEST


def _select_kernel(s_ref, pos_ref, m_ref):
    s = s_ref[...]
    m = jnp.where(s > _SCORE_T, s, 0.0)
    key = lax.bitcast_convert_type(m, jnp.int32)
    ii = (lax.broadcasted_iota(jnp.int32, (_C, _ROWS, _LANES), 1) * _LANES
          + lax.broadcasted_iota(jnp.int32, (_C, _ROWS, _LANES), 2))

    def bs_body(_, c):
        lo, hi = c
        mid = lo + (hi - lo) // 2
        cnt = jnp.sum((key >= mid).astype(jnp.int32), axis=(1, 2),
                      keepdims=True)
        pred = cnt >= _K
        return jnp.where(pred, mid, lo), jnp.where(pred, hi, mid)

    lo0 = jnp.zeros((_C, 1, 1), jnp.int32)
    hi0 = jnp.full((_C, 1, 1), 0x7FFFFFFF, jnp.int32)
    vstar, _ = lax.fori_loop(0, 31, bs_body, (lo0, hi0))

    c_gt = jnp.sum((key > vstar).astype(jnp.int32), axis=(1, 2),
                   keepdims=True)
    need_eq = _K - c_gt
    eq = key == vstar

    def ts_body(_, c):
        lo, hi = c
        mid = lo + (hi - lo) // 2
        cnt = jnp.sum((eq & (ii < mid)).astype(jnp.int32), axis=(1, 2),
                      keepdims=True)
        pred = cnt >= need_eq
        return jnp.where(pred, lo, mid), jnp.where(pred, mid, hi)

    lo0 = jnp.zeros((_C, 1, 1), jnp.int32)
    hi0 = jnp.full((_C, 1, 1), _NPAD, jnp.int32)
    _, tstar = lax.fori_loop(0, 15, ts_body, (lo0, hi0))

    mask = (key > vstar) | (eq & (ii < tstar))
    mf = mask.astype(jnp.float32)

    u128 = (lax.broadcasted_iota(jnp.int32, (_LANES, _LANES), 0)
            < lax.broadcasted_iota(jnp.int32, (_LANES, _LANES), 1))
    lane_ex = lax.dot_general(mf.reshape(_C * _ROWS, _LANES),
                              u128.astype(jnp.float32),
                              (((1,), (0,)), ((), ())), precision=_HI,
                              preferred_element_type=jnp.float32)
    lane_ex = lane_ex.reshape(_C, _ROWS, _LANES)
    rowsum = jnp.sum(mf, axis=2, keepdims=True)
    rs = jnp.concatenate(
        [jnp.zeros((_C, 1, 1), jnp.float32), rowsum[:, :-1, :]], axis=1)
    d = 1
    while d < _ROWS:
        shifted = jnp.concatenate(
            [jnp.zeros((_C, d, 1), jnp.float32), rs[:, :-d, :]], axis=1)
        rs = rs + shifted
        d *= 2
    pos = lane_ex + rs
    pos_ref[...] = jnp.where(mask, pos.astype(jnp.int32), -1)
    m_ref[...] = m


_NSLICE = _NPAD // 16
_SC_MESH = plsc.VectorSubcoreMesh(core_axis_name="c", subcore_axis_name="s")


_NTASK = _C * 5
_NWORKER = 32


@functools.partial(
    pl.kernel,
    mesh=_SC_MESH,
    out_type=jax.ShapeDtypeStruct((_C, 6, _K), jnp.float32),
    compiler_params=pltpu.CompilerParams(needs_layout_passes=False),
    scratch_types=[
        pltpu.VMEM((_NPAD,), jnp.int32),
        pltpu.VMEM((_NPAD,), jnp.float32),
        pltpu.VMEM((_K,), jnp.float32),
    ],
)
def _sc_compact(pos_hbm, vals_hbm, out_hbm, pos_v, val_v, a_v):
    wid = lax.axis_index("s") * 2 + lax.axis_index("c")

    for j in range((_NTASK + _NWORKER - 1) // _NWORKER):
        t = wid + _NWORKER * j

        @pl.when(t < _NTASK)
        def _(t=t):
            c = t // 5
            k = t - 5 * c
            pltpu.sync_copy(pos_hbm.at[c], pos_v)
            pltpu.sync_copy(vals_hbm.at[c, k], val_v)

            @plsc.parallel_loop(0, _NSLICE, 1, unroll=8)
            def body(i):
                idx = pos_v[pl.ds(i * 16, 16)]
                v16 = val_v[pl.ds(i * 16, 16)]
                plsc.store_scatter(a_v, [idx], v16, mask=idx >= 0)

            pltpu.sync_copy(a_v, out_hbm.at[c, k])


def _nms_kernel(a_ref, at_ref, boxes_ref, labels_ref, keep_ref, scores_ref,
                s8_scr, valid_scr, ms_scr):
    a = a_ref[...].reshape(6, _K)
    at = at_ref[...].reshape(_K, 6)
    m_row = a[0:1, :]
    m_col = at[:, 0:1]
    q_row = lax.broadcasted_iota(jnp.int32, (1, _K), 1)
    p_col = lax.broadcasted_iota(jnp.int32, (_K, 1), 0)

    cmp = (m_row > m_col) | ((m_row == m_col) & (q_row < p_col))
    rank = jnp.sum(cmp.astype(jnp.int32), axis=1, keepdims=True)
    r_row = lax.broadcasted_iota(jnp.int32, (1, _K), 1)
    onehot2 = (rank == r_row).astype(jnp.float32)

    sorted_row = lax.dot_general(a[0:5, :], onehot2, (((1,), (0,)), ((), ())),
                                 precision=_HI,
                                 preferred_element_type=jnp.float32)
    sorted_col = lax.dot_general(onehot2, at[:, 0:5],
                                 (((0,), (0,)), ((), ())), precision=_HI,
                                 preferred_element_type=jnp.float32)

    ms_row = sorted_row[0:1, :]
    y1r, x1r = sorted_row[1:2, :], sorted_row[2:3, :]
    y2r, x2r = sorted_row[3:4, :], sorted_row[4:5, :]
    y1c, x1c = sorted_col[:, 1:2], sorted_col[:, 2:3]
    y2c, x2c = sorted_col[:, 3:4], sorted_col[:, 4:5]

    r_i32 = lax.broadcasted_iota(jnp.int32, (1, _K), 1)
    valid = (ms_row > _SCORE_T) & (r_i32 < _TOPK)

    area_c = (y2c - y1c) * (x2c - x1c)
    area_r = (y2r - y1r) * (x2r - x1r)

    cls = pl.program_id(0)
    s8_scr[cls] = jnp.zeros((_K, _K), jnp.int8)
    ib = lax.broadcasted_iota(jnp.int32, (_B, _B), 0)
    jb = lax.broadcasted_iota(jnp.int32, (_B, _B), 1)
    for bi in range(_NB):
        r0 = bi * _B
        y1cb, x1cb = y1c[r0:r0 + _B, :], x1c[r0:r0 + _B, :]
        y2cb, x2cb = y2c[r0:r0 + _B, :], x2c[r0:r0 + _B, :]
        acb = area_c[r0:r0 + _B, :]
        for bj in range(bi, _NB):
            c0 = bj * _B
            yy1 = jnp.maximum(y1cb, y1r[:, c0:c0 + _B])
            xx1 = jnp.maximum(x1cb, x1r[:, c0:c0 + _B])
            yy2 = jnp.minimum(y2cb, y2r[:, c0:c0 + _B])
            xx2 = jnp.minimum(x2cb, x2r[:, c0:c0 + _B])
            inter = (jnp.clip(yy2 - yy1, 0.0) * jnp.clip(xx2 - xx1, 0.0))
            union = acb + area_r[:, c0:c0 + _B] - inter
            iou = inter / jnp.maximum(union, 1e-9)
            supb = iou > _NMS_T
            if bi == bj:
                supb = supb & (jb > ib)
            s8_scr[cls, r0:r0 + _B, c0:c0 + _B] = supb.astype(jnp.int8)

    boxes_ref[...] = sorted_col[:_TOPK, 1:5].reshape(1, _TOPK, 4)
    labels_ref[...] = jnp.full((1, 1, _TOPK), cls, jnp.int32)
    valid_scr[cls] = valid.astype(jnp.int8)
    ms_scr[cls] = ms_row

    @pl.when(cls == _C - 1)
    def _():
        s8 = s8_scr[...]
        valid_all = valid_scr[...].astype(jnp.int32) > 0
        ms_all = ms_scr[...]

        def cond(c):
            return jnp.logical_not(c[1])

        def body(c):
            k, _ = c
            s = lax.dot_general(k, s8, (((2,), (1,)), ((0,), (0,))),
                                preferred_element_type=jnp.int32)
            k_new = ((s == 0) & valid_all).astype(jnp.int8)
            done = jnp.sum(jnp.abs(k_new.astype(jnp.int32)
                                   - k.astype(jnp.int32))) == 0
            return k_new, done

        k0 = valid_all.astype(jnp.int8)
        k_fix, _ = lax.while_loop(cond, body, (k0, jnp.bool_(False)))
        keep = k_fix.astype(jnp.int32) > 0

        keep_ref[...] = keep[..., :_TOPK].astype(jnp.int32)
        scores_ref[...] = jnp.where(keep, ms_all, 0.0)[..., :_TOPK]


@jax.jit
def kernel(raw_cls_bbox, raw_prob):
    scores_t = jnp.pad(raw_prob[:, 1:].T, ((0, 0), (0, _NPAD - _N)))
    scores3 = scores_t.reshape(_C, _ROWS, _LANES)
    boxes = raw_cls_bbox.reshape(_N, _C + 1, 4)[:, 1:, :]
    boxes_t = jnp.pad(jnp.transpose(boxes, (1, 2, 0)),
                      ((0, 0), (0, 0), (0, _NPAD - _N)))

    pos, m3 = pl.pallas_call(
        _select_kernel,
        out_shape=[
            jax.ShapeDtypeStruct((_C, _ROWS, _LANES), jnp.int32),
            jax.ShapeDtypeStruct((_C, _ROWS, _LANES), jnp.float32),
        ],
    )(scores3)

    vals = jnp.concatenate(
        [m3.reshape(_C, 1, _NPAD), boxes_t], axis=1)
    a6 = _sc_compact(pos.reshape(_C, _NPAD), vals)
    a6_t = jnp.transpose(a6, (0, 2, 1))

    top_boxes, labels, keep_i32, out_scores = pl.pallas_call(
        _nms_kernel,
        grid=(_C,),
        in_specs=[
            pl.BlockSpec((1, 6, _K), lambda c: (c, 0, 0)),
            pl.BlockSpec((1, _K, 6), lambda c: (c, 0, 0)),
        ],
        out_specs=[
            pl.BlockSpec((1, _TOPK, 4), lambda c: (c, 0, 0)),
            pl.BlockSpec((1, 1, _TOPK), lambda c: (c, 0, 0)),
            pl.BlockSpec((_C, 1, _TOPK), lambda c: (0, 0, 0)),
            pl.BlockSpec((_C, 1, _TOPK), lambda c: (0, 0, 0)),
        ],
        out_shape=[
            jax.ShapeDtypeStruct((_C, _TOPK, 4), jnp.float32),
            jax.ShapeDtypeStruct((_C, 1, _TOPK), jnp.int32),
            jax.ShapeDtypeStruct((_C, 1, _TOPK), jnp.int32),
            jax.ShapeDtypeStruct((_C, 1, _TOPK), jnp.float32),
        ],
        scratch_shapes=[
            pltpu.VMEM((_C, _K, _K), jnp.int8),
            pltpu.VMEM((_C, 1, _K), jnp.int8),
            pltpu.VMEM((_C, 1, _K), jnp.float32),
        ],
        compiler_params=pltpu.CompilerParams(
            vmem_limit_bytes=100 * 1024 * 1024),
    )(a6, a6_t)

    return (top_boxes, out_scores.reshape(_C, _TOPK),
            labels.reshape(_C, _TOPK),
            keep_i32.reshape(_C, _TOPK).astype(bool))

# --- scband reference (transcript-rebuilt; emitter-appended) ---
"""Pipeline reference for scband-faster-rcnn-10728828305569 (READ-ONLY COPY).

The authoritative reference and input builder live on the scoring server;
editing this copy changes nothing except your own understanding.
"""

import jax, jax.numpy as jnp
import numpy as np

N_CLASS = 21
NMS_THRESH = 0.3
SCORE_THRESH = 0.05
TOPK = 1000


def setup_inputs(seed: int = 0) -> dict:
    key = jax.random.key(seed)
    k1, k2 = jax.random.split(key)
    # Random corner pairs -> valid (y1, x1, y2, x2) boxes on a ~512px image.
    raw = jax.random.uniform(k1, (20000, N_CLASS, 2, 2), dtype=jnp.float32) * 512.0
    lo = jnp.min(raw, axis=2)  # (y1, x1)
    hi = jnp.max(raw, axis=2)  # (y2, x2)
    boxes = jnp.concatenate([lo, hi], axis=-1).reshape(20000, N_CLASS * 4)
    logits = jax.random.normal(k2, (20000, N_CLASS), dtype=jnp.float32)
    prob = jax.nn.softmax(logits, axis=1)
    return {"raw_cls_bbox": boxes, "raw_prob": prob}


def _iou_matrix(boxes):
    # boxes: [K, 4] in (y1, x1, y2, x2)
    y1, x1, y2, x2 = boxes[:, 0], boxes[:, 1], boxes[:, 2], boxes[:, 3]
    area = (y2 - y1) * (x2 - x1)
    yy1 = jnp.maximum(y1[:, None], y1[None, :])
    xx1 = jnp.maximum(x1[:, None], x1[None, :])
    yy2 = jnp.minimum(y2[:, None], y2[None, :])
    xx2 = jnp.minimum(x2[:, None], x2[None, :])
    inter = jnp.clip(yy2 - yy1, 0.0) * jnp.clip(xx2 - xx1, 0.0)
    union = area[:, None] + area[None, :] - inter
    return inter / jnp.maximum(union, 1e-9)


def _nms_one_class(boxes, scores):
    # boxes: [N, 4], scores: [N]
    masked = jnp.where(scores > SCORE_THRESH, scores, -jnp.inf)
    top_scores, top_idx = jax.lax.top_k(masked, TOPK)
    top_boxes = jnp.take(boxes, top_idx, axis=0)
    valid = top_scores > SCORE_THRESH
    iou = _iou_matrix(top_boxes)
    idx = jnp.arange(TOPK)

    def body(i, keep):
        cur = keep[i] & valid[i]
        sup = (iou[i] > NMS_THRESH) & (idx > i)
        return jnp.where(cur & sup, False, keep)

    keep = jax.lax.fori_loop(0, TOPK, body, valid)
    out_scores = jnp.where(keep, top_scores, 0.0)
    out_scores = jnp.where(jnp.isfinite(out_scores), out_scores, 0.0)
    return top_boxes, out_scores, keep


def reference(raw_cls_bbox, raw_prob):
    # Faithful to FasterRCNN._supress with 'evaluate' preset:
    # per-class score threshold + greedy NMS over classes 1..n_class-1.
    cls_bbox = raw_cls_bbox.reshape(-1, N_CLASS, 4)
    boxes_c = jnp.transpose(cls_bbox[:, 1:, :], (1, 0, 2))  # [C-1, N, 4]
    probs_c = jnp.transpose(raw_prob[:, 1:], (1, 0))        # [C-1, N]
    top_boxes, out_scores, keep = jax.vmap(_nms_one_class)(boxes_c, probs_c)
    labels = jnp.broadcast_to(jnp.arange(N_CLASS - 1, dtype=jnp.int32)[:, None], (N_CLASS - 1, TOPK))
    return (top_boxes, out_scores, labels, keep)

if __name__ == "__main__":
    import jax
    _d = setup_inputs()
    print(jax.jit(kernel)(*tuple(_d.values())))

</pallas_src>

<mosaic_0001>
#map = affine_map<(d0, d1) -> (0, 0)>
#map1 = affine_map<(d0, d1) -> (0, 0, 0)>
module attributes {stable_mosaic.version = 14 : i64} {
  func.func @_sc_compact(%arg0: i32, %arg1: i32, %arg2: memref<20x20480xi32, #tpu.memory_space<hbm>>, %arg3: memref<20x5x20480xf32, #tpu.memory_space<hbm>>, %arg4: memref<20x6x1024xf32, #tpu.memory_space<hbm>>, %arg5: memref<20480xi32, #tpu.memory_space<vmem>>, %arg6: memref<20480xf32, #tpu.memory_space<vmem>>, %arg7: memref<1024xf32, #tpu.memory_space<vmem>>) attributes {dimension_semantics = [#tpu.dimension_semantics<core_parallel>, #tpu.dimension_semantics<subcore_parallel>], iteration_bounds = array<i64: 2, 16>, scalar_prefetch = 0 : i64, scratch_operands = 3 : i64, tpu.core_type = #tpu.core_type<sc_vector_subcore>, window_params = [{transform_indices = #map}, {transform_indices = #map1}, {transform_indices = #map1}]} {
    %mul3A = arith.constant 2 : i32
    %mul3A_0 = arith.muli %arg1, %mul3A : i32
    %add3A = arith.addi %mul3A_0, %arg0 : i32
    %add3A_1 = arith.constant 0 : i32
    %add3A_2 = arith.addi %add3A, %add3A_1 : i32
    %lt3A = arith.constant 100 : i32
    %lt3A_3 = arith.cmpi slt, %add3A_2, %lt3A : i32
    %convert_element_type3A = arith.extui %lt3A_3 : i1 to i32
    %cond3A = arith.constant 0 : i32
    %cond3A_4 = arith.cmpi ne, %convert_element_type3A, %cond3A : i32
    scf.if %cond3A_4 {
      %jit3A = arith.constant 5 : i32
      %div3A = arith.divsi %add3A_2, %jit3A : i32
      %sign3A = arith.constant 0 : i32
      %sign3A_26 = arith.cmpi sgt, %add3A_2, %sign3A : i32
      %sign3A_27 = arith.extui %sign3A_26 : i1 to i32
      %sign3A_28 = arith.constant 0 : i32
      %sign3A_29 = arith.cmpi slt, %add3A_2, %sign3A_28 : i32
      %sign3A_30 = arith.extui %sign3A_29 : i1 to i32
      %sign3A_31 = arith.subi %sign3A_27, %sign3A_30 : i32
      %sign3A_32 = arith.constant 0 : i32
      %sign3A_33 = arith.cmpi sgt, %jit3A, %sign3A_32 : i32
      %sign3A_34 = arith.extui %sign3A_33 : i1 to i32
      %sign3A_35 = arith.constant 0 : i32
      %sign3A_36 = arith.cmpi slt, %jit3A, %sign3A_35 : i32
      %sign3A_37 = arith.extui %sign3A_36 : i1 to i32
      %sign3A_38 = arith.subi %sign3A_34, %sign3A_37 : i32
      %ne3A = arith.cmpi ne, %sign3A_31, %sign3A_38 : i32
      %rem3A = arith.remsi %add3A_2, %jit3A : i32
      %ne3A_39 = arith.constant 0 : i32
      %ne3A_40 = arith.cmpi ne, %rem3A, %ne3A_39 : i32
      %and3A = arith.andi %ne3A, %ne3A_40 : i1
      %sub3A = arith.constant 1 : i32
      %sub3A_41 = arith.subi %div3A, %sub3A : i32
      %select_n3A = arith.select %and3A, %sub3A_41, %div3A : i32
      %mul3A_42 = arith.constant 5 : i32
      %mul3A_43 = arith.muli %mul3A_42, %select_n3A : i32
      %sub3A_44 = arith.subi %add3A_2, %mul3A_43 : i32
      "tpu.region"() ({
        %run_scoped3A = tpu.sem_alloc : memref<!tpu.dma_semaphore, #tpu.memory_space<semaphore_mem>>
        %dma_start3A = arith.constant 0 : i32
        %dma_start3A_47 = tpu.memref_slice %arg2[%select_n3A, %dma_start3A] : memref<20x20480xi32, #tpu.memory_space<hbm>> -> memref<1x20480xi32, #tpu.memory_space<hbm>>
        %dma_start3A_48 = tpu.memref_squeeze %dma_start3A_47 : memref<1x20480xi32, #tpu.memory_space<hbm>> -> memref<20480xi32, #tpu.memory_space<hbm>>
        %dma_start3A_49 = arith.constant 0 : i32
        %dma_start3A_50 = tpu.memref_slice %arg2[%select_n3A, %dma_start3A_49] : memref<20x20480xi32, #tpu.memory_space<hbm>> -> memref<1x20480xi32, #tpu.memory_space<hbm>>
        %dma_start3A_51 = tpu.memref_squeeze %dma_start3A_50 : memref<1x20480xi32, #tpu.memory_space<hbm>> -> memref<20480xi32, #tpu.memory_space<hbm>>
        tpu.enqueue_dma source(%dma_start3A_51 : memref<20480xi32, #tpu.memory_space<hbm>>) target(%arg5 : memref<20480xi32, #tpu.memory_space<vmem>>) target_semaphore(%run_scoped3A : memref<!tpu.dma_semaphore, #tpu.memory_space<semaphore_mem>>)
        %dma_wait3A = arith.constant 0 : i32
        %dma_wait3A_52 = tpu.memref_slice %arg2[%select_n3A, %dma_wait3A] : memref<20x20480xi32, #tpu.memory_space<hbm>> -> memref<1x20480xi32, #tpu.memory_space<hbm>>
        %dma_wait3A_53 = tpu.memref_squeeze %dma_wait3A_52 : memref<1x20480xi32, #tpu.memory_space<hbm>> -> memref<20480xi32, #tpu.memory_space<hbm>>
        %dma_wait3A_54 = arith.constant 0 : i32
        %dma_wait3A_55 = tpu.memref_slice %arg2[%select_n3A, %dma_wait3A_54] : memref<20x20480xi32, #tpu.memory_space<hbm>> -> memref<1x20480xi32, #tpu.memory_space<hbm>>
        %dma_wait3A_56 = tpu.memref_squeeze %dma_wait3A_55 : memref<1x20480xi32, #tpu.memory_space<hbm>> -> memref<20480xi32, #tpu.memory_space<hbm>>
        tpu.wait_dma2 semaphore(%run_scoped3A : memref<!tpu.dma_semaphore, #tpu.memory_space<semaphore_mem>>) src(%dma_wait3A_56 : memref<20480xi32, #tpu.memory_space<hbm>>) dst(%arg5 : memref<20480xi32, #tpu.memory_space<vmem>>)
        tpu.yield
      }) : () -> ()
      "tpu.region"() ({
        %run_scoped3A = tpu.sem_alloc : memref<!tpu.dma_semaphore, #tpu.memory_space<semaphore_mem>>
        %dma_start3A = arith.constant 0 : i32
        %dma_start3A_47 = tpu.memref_slice %arg3[%select_n3A, %sub3A_44, %dma_start3A] : memref<20x5x20480xf32, #tpu.memory_space<hbm>> -> memref<1x1x20480xf32, #tpu.memory_space<hbm>>
        %dma_start3A_48 = tpu.memref_squeeze %dma_start3A_47 : memref<1x1x20480xf32, #tpu.memory_space<hbm>> -> memref<20480xf32, #tpu.memory_space<hbm>>
        %dma_start3A_49 = arith.constant 0 : i32
        %dma_start3A_50 = tpu.memref_slice %arg3[%select_n3A, %sub3A_44, %dma_start3A_49] : memref<20x5x20480xf32, #tpu.memory_space<hbm>> -> memref<1x1x20480xf32, #tpu.memory_space<hbm>>
        %dma_start3A_51 = tpu.memref_squeeze %dma_start3A_50 : memref<1x1x20480xf32, #tpu.memory_space<hbm>> -> memref<20480xf32, #tpu.memory_space<hbm>>
        tpu.enqueue_dma source(%dma_start3A_51 : memref<20480xf32, #tpu.memory_space<hbm>>) target(%arg6 : memref<20480xf32, #tpu.memory_space<vmem>>) target_semaphore(%run_scoped3A : memref<!tpu.dma_semaphore, #tpu.memory_space<semaphore_mem>>)
        %dma_wait3A = arith.constant 0 : i32
        %dma_wait3A_52 = tpu.memref_slice %arg3[%select_n3A, %sub3A_44, %dma_wait3A] : memref<20x5x20480xf32, #tpu.memory_space<hbm>> -> memref<1x1x20480xf32, #tpu.memory_space<hbm>>
        %dma_wait3A_53 = tpu.memref_squeeze %dma_wait3A_52 : memref<1x1x20480xf32, #tpu.memory_space<hbm>> -> memref<20480xf32, #tpu.memory_space<hbm>>
        %dma_wait3A_54 = arith.constant 0 : i32
        %dma_wait3A_55 = tpu.memref_slice %arg3[%select_n3A, %sub3A_44, %dma_wait3A_54] : memref<20x5x20480xf32, #tpu.memory_space<hbm>> -> memref<1x1x20480xf32, #tpu.memory_space<hbm>>
        %dma_wait3A_56 = tpu.memref_squeeze %dma_wait3A_55 : memref<1x1x20480xf32, #tpu.memory_space<hbm>> -> memref<20480xf32, #tpu.memory_space<hbm>>
        tpu.wait_dma2 semaphore(%run_scoped3A : memref<!tpu.dma_semaphore, #tpu.memory_space<semaphore_mem>>) src(%dma_wait3A_56 : memref<20480xf32, #tpu.memory_space<hbm>>) dst(%arg6 : memref<20480xf32, #tpu.memory_space<vmem>>)
        tpu.yield
      }) : () -> ()
      %parallel_loop3A = arith.constant 0 : i32
      %parallel_loop3A_45 = arith.constant 1280 : i32
      %parallel_loop3A_46 = arith.constant 1 : i32
      scf.for %parallel_loop3A_47 = %parallel_loop3A to %parallel_loop3A_45 step %parallel_loop3A_46  : i32 {
        %parallel_loop3A_48 = arith.constant 16 : i32
        %parallel_loop3A_49 = arith.muli %parallel_loop3A_47, %parallel_loop3A_48 : i32
        %parallel_loop3A_50 = arith.index_cast %parallel_loop3A_49 : i32 to index
        %parallel_loop3A_51 = tpu.vector_load %arg5[%parallel_loop3A_50] {strides = array<i32>} : memref<20480xi32, #tpu.memory_space<vmem>>, vector<16xi32>,
        %parallel_loop3A_52 = arith.constant 16 : i32
        %parallel_loop3A_53 = arith.muli %parallel_loop3A_47, %parallel_loop3A_52 : i32
        %parallel_loop3A_54 = arith.index_cast %parallel_loop3A_53 : i32 to index
        %parallel_loop3A_55 = tpu.vector_load %arg6[%parallel_loop3A_54] {strides = array<i32>} : memref<20480xf32, #tpu.memory_space<vmem>>, vector<16xf32>,
        %parallel_loop3A_56 = arith.constant 0 : i32
        %parallel_loop3A_57 = vector.broadcast %parallel_loop3A_56 : i32 to vector<16xi32>
        %parallel_loop3A_58 = arith.cmpi sge, %parallel_loop3A_51, %parallel_loop3A_57 : vector<16xi32>
        tpu.vector_store_idx %arg7[%parallel_loop3A_51], %parallel_loop3A_55 masked %parallel_loop3A_58 : memref<1024xf32, #tpu.memory_space<vmem>>[vector<16xi32>], vector<16xf32>, vector<16xi1>
      } {sc.loop_unroll_factor = 8 : i64, sc.parallel_access}
      "tpu.region"() ({
        %run_scoped3A = tpu.sem_alloc : memref<!tpu.dma_semaphore, #tpu.memory_space<semaphore_mem>>
        %dma_start3A = arith.constant 0 : i32
        %dma_start3A_47 = tpu.memref_slice %arg4[%select_n3A, %sub3A_44, %dma_start3A] : memref<20x6x1024xf32, #tpu.memory_space<hbm>> -> memref<1x1x1024xf32, #tpu.memory_space<hbm>>
        %dma_start3A_48 = tpu.memref_squeeze %dma_start3A_47 : memref<1x1x1024xf32, #tpu.memory_space<hbm>> -> memref<1024xf32, #tpu.memory_space<hbm>>
        %dma_start3A_49 = arith.constant 0 : i32
        %dma_start3A_50 = tpu.memref_slice %arg4[%select_n3A, %sub3A_44, %dma_start3A_49] : memref<20x6x1024xf32, #tpu.memory_space<hbm>> -> memref<1x1x1024xf32, #tpu.memory_space<hbm>>
        %dma_start3A_51 = tpu.memref_squeeze %dma_start3A_50 : memref<1x1x1024xf32, #tpu.memory_space<hbm>> -> memref<1024xf32, #tpu.memory_space<hbm>>
        tpu.enqueue_dma source(%arg7 : memref<1024xf32, #tpu.memory_space<vmem>>) target(%dma_start3A_51 : memref<1024xf32, #tpu.memory_space<hbm>>) target_semaphore(%run_scoped3A : memref<!tpu.dma_semaphore, #tpu.memory_space<semaphore_mem>>)
        %dma_wait3A = arith.constant 0 : i32
        %dma_wait3A_52 = tpu.memref_slice %arg4[%select_n3A, %sub3A_44, %dma_wait3A] : memref<20x6x1024xf32, #tpu.memory_space<hbm>> -> memref<1x1x1024xf32, #tpu.memory_space<hbm>>
        %dma_wait3A_53 = tpu.memref_squeeze %dma_wait3A_52 : memref<1x1x1024xf32, #tpu.memory_space<hbm>> -> memref<1024xf32, #tpu.memory_space<hbm>>
        %dma_wait3A_54 = arith.constant 0 : i32
        %dma_wait3A_55 = tpu.memref_slice %arg4[%select_n3A, %sub3A_44, %dma_wait3A_54] : memref<20x6x1024xf32, #tpu.memory_space<hbm>> -> memref<1x1x1024xf32, #tpu.memory_space<hbm>>
        %dma_wait3A_56 = tpu.memref_squeeze %dma_wait3A_55 : memref<1x1x1024xf32, #tpu.memory_space<hbm>> -> memref<1024xf32, #tpu.memory_space<hbm>>
        tpu.wait_dma2 semaphore(%run_scoped3A : memref<!tpu.dma_semaphore, #tpu.memory_space<semaphore_mem>>) src(%arg7 : memref<1024xf32, #tpu.memory_space<vmem>>) dst(%dma_wait3A_56 : memref<1024xf32, #tpu.memory_space<hbm>>)
        tpu.yield
      }) : () -> ()
    } else {
    }
    %add3A_5 = arith.constant 32 : i32
    %add3A_6 = arith.addi %add3A, %add3A_5 : i32
    %lt3A_7 = arith.constant 100 : i32
    %lt3A_8 = arith.cmpi slt, %add3A_6, %lt3A_7 : i32
    %convert_element_type3A_9 = arith.extui %lt3A_8 : i1 to i32
    %cond3A_10 = arith.constant 0 : i32
    %cond3A_11 = arith.cmpi ne, %convert_element_type3A_9, %cond3A_10 : i32
    scf.if %cond3A_11 {
      %jit3A = arith.constant 5 : i32
      %div3A = arith.divsi %add3A_6, %jit3A : i32
      %sign3A = arith.constant 0 : i32
      %sign3A_26 = arith.cmpi sgt, %add3A_6, %sign3A : i32
      %sign3A_27 = arith.extui %sign3A_26 : i1 to i32
      %sign3A_28 = arith.constant 0 : i32
      %sign3A_29 = arith.cmpi slt, %add3A_6, %sign3A_28 : i32
      %sign3A_30 = arith.extui %sign3A_29 : i1 to i32
      %sign3A_31 = arith.subi %sign3A_27, %sign3A_30 : i32
      %sign3A_32 = arith.constant 0 : i32
      %sign3A_33 = arith.cmpi sgt, %jit3A, %sign3A_32 : i32
      %sign3A_34 = arith.extui %sign3A_33 : i1 to i32
      %sign3A_35 = arith.constant 0 : i32
      %sign3A_36 = arith.cmpi slt, %jit3A, %sign3A_35 : i32
      %sign3A_37 = arith.extui %sign3A_36 : i1 to i32
      %sign3A_38 = arith.subi %sign3A_34, %sign3A_37 : i32
      %ne3A = arith.cmpi ne, %sign3A_31, %sign3A_38 : i32
      %rem3A = arith.remsi %add3A_6, %jit3A : i32
      %ne3A_39 = arith.constant 0 : i32
      %ne3A_40 = arith.cmpi ne, %rem3A, %ne3A_39 : i32
      %and3A = arith.andi %ne3A, %ne3A_40 : i1
      %sub3A = arith.constant 1 : i32
      %sub3A_41 = arith.subi %div3A, %sub3A : i32
      %select_n3A = arith.select %and3A, %sub3A_41, %div3A : i32
      %mul3A_42 = arith.constant 5 : i32
      %mul3A_43 = arith.muli %mul3A_42, %select_n3A : i32
      %sub3A_44 = arith.subi %add3A_6, %mul3A_43 : i32
      "tpu.region"() ({
        %run_scoped3A = tpu.sem_alloc : memref<!tpu.dma_semaphore, #tpu.memory_space<semaphore_mem>>
        %dma_start3A = arith.constant 0 : i32
        %dma_start3A_47 = tpu.memref_slice %arg2[%select_n3A, %dma_start3A] : memref<20x20480xi32, #tpu.memory_space<hbm>> -> memref<1x20480xi32, #tpu.memory_space<hbm>>
        %dma_start3A_48 = tpu.memref_squeeze %dma_start3A_47 : memref<1x20480xi32, #tpu.memory_space<hbm>> -> memref<20480xi32, #tpu.memory_space<hbm>>
        %dma_start3A_49 = arith.constant 0 : i32
        %dma_start3A_50 = tpu.memref_slice %arg2[%select_n3A, %dma_start3A_49] : memref<20x20480xi32, #tpu.memory_space<hbm>> -> memref<1x20480xi32, #tpu.memory_space<hbm>>
        %dma_start3A_51 = tpu.memref_squeeze %dma_start3A_50 : memref<1x20480xi32, #tpu.memory_space<hbm>> -> memref<20480xi32, #tpu.memory_space<hbm>>
        tpu.enqueue_dma source(%dma_start3A_51 : memref<20480xi32, #tpu.memory_space<hbm>>) target(%arg5 : memref<20480xi32, #tpu.memory_space<vmem>>) target_semaphore(%run_scoped3A : memref<!tpu.dma_semaphore, #tpu.memory_space<semaphore_mem>>)
        %dma_wait3A = arith.constant 0 : i32
        %dma_wait3A_52 = tpu.memref_slice %arg2[%select_n3A, %dma_wait3A] : memref<20x20480xi32, #tpu.memory_space<hbm>> -> memref<1x20480xi32, #tpu.memory_space<hbm>>
        %dma_wait3A_53 = tpu.memref_squeeze %dma_wait3A_52 : memref<1x20480xi32, #tpu.memory_space<hbm>> -> memref<20480xi32, #tpu.memory_space<hbm>>
        %dma_wait3A_54 = arith.constant 0 : i32
        %dma_wait3A_55 = tpu.memref_slice %arg2[%select_n3A, %dma_wait3A_54] : memref<20x20480xi32, #tpu.memory_space<hbm>> -> memref<1x20480xi32, #tpu.memory_space<hbm>>
        %dma_wait3A_56 = tpu.memref_squeeze %dma_wait3A_55 : memref<1x20480xi32, #tpu.memory_space<hbm>> -> memref<20480xi32, #tpu.memory_space<hbm>>
        tpu.wait_dma2 semaphore(%run_scoped3A : memref<!tpu.dma_semaphore, #tpu.memory_space<semaphore_mem>>) src(%dma_wait3A_56 : memref<20480xi32, #tpu.memory_space<hbm>>) dst(%arg5 : memref<20480xi32, #tpu.memory_space<vmem>>)
        tpu.yield
      }) : () -> ()
      "tpu.region"() ({
        %run_scoped3A = tpu.sem_alloc : memref<!tpu.dma_semaphore, #tpu.memory_space<semaphore_mem>>
        %dma_start3A = arith.constant 0 : i32
        %dma_start3A_47 = tpu.memref_slice %arg3[%select_n3A, %sub3A_44, %dma_start3A] : memref<20x5x20480xf32, #tpu.memory_space<hbm>> -> memref<1x1x20480xf32, #tpu.memory_space<hbm>>
        %dma_start3A_48 = tpu.memref_squeeze %dma_start3A_47 : memref<1x1x20480xf32, #tpu.memory_space<hbm>> -> memref<20480xf32, #tpu.memory_space<hbm>>
        %dma_start3A_49 = arith.constant 0 : i32
        %dma_start3A_50 = tpu.memref_slice %arg3[%select_n3A, %sub3A_44, %dma_start3A_49] : memref<20x5x20480xf32, #tpu.memory_space<hbm>> -> memref<1x1x20480xf32, #tpu.memory_space<hbm>>
        %dma_start3A_51 = tpu.memref_squeeze %dma_start3A_50 : memref<1x1x20480xf32, #tpu.memory_space<hbm>> -> memref<20480xf32, #tpu.memory_space<hbm>>
        tpu.enqueue_dma source(%dma_start3A_51 : memref<20480xf32, #tpu.memory_space<hbm>>) target(%arg6 : memref<20480xf32, #tpu.memory_space<vmem>>) target_semaphore(%run_scoped3A : memref<!tpu.dma_semaphore, #tpu.memory_space<semaphore_mem>>)
        %dma_wait3A = arith.constant 0 : i32
        %dma_wait3A_52 = tpu.memref_slice %arg3[%select_n3A, %sub3A_44, %dma_wait3A] : memref<20x5x20480xf32, #tpu.memory_space<hbm>> -> memref<1x1x20480xf32, #tpu.memory_space<hbm>>
        %dma_wait3A_53 = tpu.memref_squeeze %dma_wait3A_52 : memref<1x1x20480xf32, #tpu.memory_space<hbm>> -> memref<20480xf32, #tpu.memory_space<hbm>>
        %dma_wait3A_54 = arith.constant 0 : i32
        %dma_wait3A_55 = tpu.memref_slice %arg3[%select_n3A, %sub3A_44, %dma_wait3A_54] : memref<20x5x20480xf32, #tpu.memory_space<hbm>> -> memref<1x1x20480xf32, #tpu.memory_space<hbm>>
        %dma_wait3A_56 = tpu.memref_squeeze %dma_wait3A_55 : memref<1x1x20480xf32, #tpu.memory_space<hbm>> -> memref<20480xf32, #tpu.memory_space<hbm>>
        tpu.wait_dma2 semaphore(%run_scoped3A : memref<!tpu.dma_semaphore, #tpu.memory_space<semaphore_mem>>) src(%dma_wait3A_56 : memref<20480xf32, #tpu.memory_space<hbm>>) dst(%arg6 : memref<20480xf32, #tpu.memory_space<vmem>>)
        tpu.yield
      }) : () -> ()
      %parallel_loop3A = arith.constant 0 : i32
      %parallel_loop3A_45 = arith.constant 1280 : i32
      %parallel_loop3A_46 = arith.constant 1 : i32
      scf.for %parallel_loop3A_47 = %parallel_loop3A to %parallel_loop3A_45 step %parallel_loop3A_46  : i32 {
        %parallel_loop3A_48 = arith.constant 16 : i32
        %parallel_loop3A_49 = arith.muli %parallel_loop3A_47, %parallel_loop3A_48 : i32
        %parallel_loop3A_50 = arith.index_cast %parallel_loop3A_49 : i32 to index
        %parallel_loop3A_51 = tpu.vector_load %arg5[%parallel_loop3A_50] {strides = array<i32>} : memref<20480xi32, #tpu.memory_space<vmem>>, vector<16xi32>,
        %parallel_loop3A_52 = arith.constant 16 : i32
        %parallel_loop3A_53 = arith.muli %parallel_loop3A_47, %parallel_loop3A_52 : i32
        %parallel_loop3A_54 = arith.index_cast %parallel_loop3A_53 : i32 to index
        %parallel_loop3A_55 = tpu.vector_load %arg6[%parallel_loop3A_54] {strides = array<i32>} : memref<20480xf32, #tpu.memory_space<vmem>>, vector<16xf32>,
        %parallel_loop3A_56 = arith.constant 0 : i32
        %parallel_loop3A_57 = vector.broadcast %parallel_loop3A_56 : i32 to vector<16xi32>
        %parallel_loop3A_58 = arith.cmpi sge, %parallel_loop3A_51, %parallel_loop3A_57 : vector<16xi32>
        tpu.vector_store_idx %arg7[%parallel_loop3A_51], %parallel_loop3A_55 masked %parallel_loop3A_58 : memref<1024xf32, #tpu.memory_space<vmem>>[vector<16xi32>], vector<16xf32>, vector<16xi1>
      } {sc.loop_unroll_factor = 8 : i64, sc.parallel_access}
      "tpu.region"() ({
        %run_scoped3A = tpu.sem_alloc : memref<!tpu.dma_semaphore, #tpu.memory_space<semaphore_mem>>
        %dma_start3A = arith.constant 0 : i32
        %dma_start3A_47 = tpu.memref_slice %arg4[%select_n3A, %sub3A_44, %dma_start3A] : memref<20x6x1024xf32, #tpu.memory_space<hbm>> -> memref<1x1x1024xf32, #tpu.memory_space<hbm>>
        %dma_start3A_48 = tpu.memref_squeeze %dma_start3A_47 : memref<1x1x1024xf32, #tpu.memory_space<hbm>> -> memref<1024xf32, #tpu.memory_space<hbm>>
        %dma_start3A_49 = arith.constant 0 : i32
        %dma_start3A_50 = tpu.memref_slice %arg4[%select_n3A, %sub3A_44, %dma_start3A_49] : memref<20x6x1024xf32, #tpu.memory_space<hbm>> -> memref<1x1x1024xf32, #tpu.memory_space<hbm>>
        %dma_start3A_51 = tpu.memref_squeeze %dma_start3A_50 : memref<1x1x1024xf32, #tpu.memory_space<hbm>> -> memref<1024xf32, #tpu.memory_space<hbm>>
        tpu.enqueue_dma source(%arg7 : memref<1024xf32, #tpu.memory_space<vmem>>) target(%dma_start3A_51 : memref<1024xf32, #tpu.memory_space<hbm>>) target_semaphore(%run_scoped3A : memref<!tpu.dma_semaphore, #tpu.memory_space<semaphore_mem>>)
        %dma_wait3A = arith.constant 0 : i32
        %dma_wait3A_52 = tpu.memref_slice %arg4[%select_n3A, %sub3A_44, %dma_wait3A] : memref<20x6x1024xf32, #tpu.memory_space<hbm>> -> memref<1x1x1024xf32, #tpu.memory_space<hbm>>
        %dma_wait3A_53 = tpu.memref_squeeze %dma_wait3A_52 : memref<1x1x1024xf32, #tpu.memory_space<hbm>> -> memref<1024xf32, #tpu.memory_space<hbm>>
        %dma_wait3A_54 = arith.constant 0 : i32
        %dma_wait3A_55 = tpu.memref_slice %arg4[%select_n3A, %sub3A_44, %dma_wait3A_54] : memref<20x6x1024xf32, #tpu.memory_space<hbm>> -> memref<1x1x1024xf32, #tpu.memory_space<hbm>>
        %dma_wait3A_56 = tpu.memref_squeeze %dma_wait3A_55 : memref<1x1x1024xf32, #tpu.memory_space<hbm>> -> memref<1024xf32, #tpu.memory_space<hbm>>
        tpu.wait_dma2 semaphore(%run_scoped3A : memref<!tpu.dma_semaphore, #tpu.memory_space<semaphore_mem>>) src(%arg7 : memref<1024xf32, #tpu.memory_space<vmem>>) dst(%dma_wait3A_56 : memref<1024xf32, #tpu.memory_space<hbm>>)
        tpu.yield
      }) : () -> ()
    } else {
    }
    %add3A_12 = arith.constant 64 : i32
    %add3A_13 = arith.addi %add3A, %add3A_12 : i32
    %lt3A_14 = arith.constant 100 : i32
    %lt3A_15 = arith.cmpi slt, %add3A_13, %lt3A_14 : i32
    %convert_element_type3A_16 = arith.extui %lt3A_15 : i1 to i32
    %cond3A_17 = arith.constant 0 : i32
    %cond3A_18 = arith.cmpi ne, %convert_element_type3A_16, %cond3A_17 : i32
    scf.if %cond3A_18 {
      %jit3A = arith.constant 5 : i32
      %div3A = arith.divsi %add3A_13, %jit3A : i32
      %sign3A = arith.constant 0 : i32
      %sign3A_26 = arith.cmpi sgt, %add3A_13, %sign3A : i32
      %sign3A_27 = arith.extui %sign3A_26 : i1 to i32
      %sign3A_28 = arith.constant 0 : i32
      %sign3A_29 = arith.cmpi slt, %add3A_13, %sign3A_28 : i32
      %sign3A_30 = arith.extui %sign3A_29 : i1 to i32
      %sign3A_31 = arith.subi %sign3A_27, %sign3A_30 : i32
      %sign3A_32 = arith.constant 0 : i32
      %sign3A_33 = arith.cmpi sgt, %jit3A, %sign3A_32 : i32
      %sign3A_34 = arith.extui %sign3A_33 : i1 to i32
      %sign3A_35 = arith.constant 0 : i32
      %sign3A_36 = arith.cmpi slt, %jit3A, %sign3A_35 : i32
      %sign3A_37 = arith.extui %sign3A_36 : i1 to i32
      %sign3A_38 = arith.subi %sign3A_34, %sign3A_37 : i32
      %ne3A = arith.cmpi ne, %sign3A_31, %sign3A_38 : i32
      %rem3A = arith.remsi %add3A_13, %jit3A : i32
      %ne3A_39 = arith.constant 0 : i32
      %ne3A_40 = arith.cmpi ne, %rem3A, %ne3A_39 : i32
      %and3A = arith.andi %ne3A, %ne3A_40 : i1
      %sub3A = arith.constant 1 : i32
      %sub3A_41 = arith.subi %div3A, %sub3A : i32
      %select_n3A = arith.select %and3A, %sub3A_41, %div3A : i32
      %mul3A_42 = arith.constant 5 : i32
      %mul3A_43 = arith.muli %mul3A_42, %select_n3A : i32
      %sub3A_44 = arith.subi %add3A_13, %mul3A_43 : i32
      "tpu.region"() ({
        %run_scoped3A = tpu.sem_alloc : memref<!tpu.dma_semaphore, #tpu.memory_space<semaphore_mem>>
        %dma_start3A = arith.constant 0 : i32
        %dma_start3A_47 = tpu.memref_slice %arg2[%select_n3A, %dma_start3A] : memref<20x20480xi32, #tpu.memory_space<hbm>> -> memref<1x20480xi32, #tpu.memory_space<hbm>>
        %dma_start3A_48 = tpu.memref_squeeze %dma_start3A_47 : memref<1x20480xi32, #tpu.memory_space<hbm>> -> memref<20480xi32, #tpu.memory_space<hbm>>
        %dma_start3A_49 = arith.constant 0 : i32
        %dma_start3A_50 = tpu.memref_slice %arg2[%select_n3A, %dma_start3A_49] : memref<20x20480xi32, #tpu.memory_space<hbm>> -> memref<1x20480xi32, #tpu.memory_space<hbm>>
        %dma_start3A_51 = tpu.memref_squeeze %dma_start3A_50 : memref<1x20480xi32, #tpu.memory_space<hbm>> -> memref<20480xi32, #tpu.memory_space<hbm>>
        tpu.enqueue_dma source(%dma_start3A_51 : memref<20480xi32, #tpu.memory_space<hbm>>) target(%arg5 : memref<20480xi32, #tpu.memory_space<vmem>>) target_semaphore(%run_scoped3A : memref<!tpu.dma_semaphore, #tpu.memory_space<semaphore_mem>>)
        %dma_wait3A = arith.constant 0 : i32
        %dma_wait3A_52 = tpu.memref_slice %arg2[%select_n3A, %dma_wait3A] : memref<20x20480xi32, #tpu.memory_space<hbm>> -> memref<1x20480xi32, #tpu.memory_space<hbm>>
        %dma_wait3A_53 = tpu.memref_squeeze %dma_wait3A_52 : memref<1x20480xi32, #tpu.memory_space<hbm>> -> memref<20480xi32, #tpu.memory_space<hbm>>
        %dma_wait3A_54 = arith.constant 0 : i32
        %dma_wait3A_55 = tpu.memref_slice %arg2[%select_n3A, %dma_wait3A_54] : memref<20x20480xi32, #tpu.memory_space<hbm>> -> memref<1x20480xi32, #tpu.memory_space<hbm>>
        %dma_wait3A_56 = tpu.memref_squeeze %dma_wait3A_55 : memref<1x20480xi32, #tpu.memory_space<hbm>> -> memref<20480xi32, #tpu.memory_space<hbm>>
        tpu.wait_dma2 semaphore(%run_scoped3A : memref<!tpu.dma_semaphore, #tpu.memory_space<semaphore_mem>>) src(%dma_wait3A_56 : memref<20480xi32, #tpu.memory_space<hbm>>) dst(%arg5 : memref<20480xi32, #tpu.memory_space<vmem>>)
        tpu.yield
      }) : () -> ()
      "tpu.region"() ({
        %run_scoped3A = tpu.sem_alloc : memref<!tpu.dma_semaphore, #tpu.memory_space<semaphore_mem>>
        %dma_start3A = arith.constant 0 : i32
        %dma_start3A_47 = tpu.memref_slice %arg3[%select_n3A, %sub3A_44, %dma_start3A] : memref<20x5x20480xf32, #tpu.memory_space<hbm>> -> memref<1x1x20480xf32, #tpu.memory_space<hbm>>
        %dma_start3A_48 = tpu.memref_squeeze %dma_start3A_47 : memref<1x1x20480xf32, #tpu.memory_space<hbm>> -> memref<20480xf32, #tpu.memory_space<hbm>>
        %dma_start3A_49 = arith.constant 0 : i32
        %dma_start3A_50 = tpu.memref_slice %arg3[%select_n3A, %sub3A_44, %dma_start3A_49] : memref<20x5x20480xf32, #tpu.memory_space<hbm>> -> memref<1x1x20480xf32, #tpu.memory_space<hbm>>
        %dma_start3A_51 = tpu.memref_squeeze %dma_start3A_50 : memref<1x1x20480xf32, #tpu.memory_space<hbm>> -> memref<20480xf32, #tpu.memory_space<hbm>>
        tpu.enqueue_dma source(%dma_start3A_51 : memref<20480xf32, #tpu.memory_space<hbm>>) target(%arg6 : memref<20480xf32, #tpu.memory_space<vmem>>) target_semaphore(%run_scoped3A : memref<!tpu.dma_semaphore, #tpu.memory_space<semaphore_mem>>)
        %dma_wait3A = arith.constant 0 : i32
        %dma_wait3A_52 = tpu.memref_slice %arg3[%select_n3A, %sub3A_44, %dma_wait3A] : memref<20x5x20480xf32, #tpu.memory_space<hbm>> -> memref<1x1x20480xf32, #tpu.memory_space<hbm>>
        %dma_wait3A_53 = tpu.memref_squeeze %dma_wait3A_52 : memref<1x1x20480xf32, #tpu.memory_space<hbm>> -> memref<20480xf32, #tpu.memory_space<hbm>>
        %dma_wait3A_54 = arith.constant 0 : i32
        %dma_wait3A_55 = tpu.memref_slice %arg3[%select_n3A, %sub3A_44, %dma_wait3A_54] : memref<20x5x20480xf32, #tpu.memory_space<hbm>> -> memref<1x1x20480xf32, #tpu.memory_space<hbm>>
        %dma_wait3A_56 = tpu.memref_squeeze %dma_wait3A_55 : memref<1x1x20480xf32, #tpu.memory_space<hbm>> -> memref<20480xf32, #tpu.memory_space<hbm>>
        tpu.wait_dma2 semaphore(%run_scoped3A : memref<!tpu.dma_semaphore, #tpu.memory_space<semaphore_mem>>) src(%dma_wait3A_56 : memref<20480xf32, #tpu.memory_space<hbm>>) dst(%arg6 : memref<20480xf32, #tpu.memory_space<vmem>>)
        tpu.yield
      }) : () -> ()
      %parallel_loop3A = arith.constant 0 : i32
      %parallel_loop3A_45 = arith.constant 1280 : i32
      %parallel_loop3A_46 = arith.constant 1 : i32
      scf.for %parallel_loop3A_47 = %parallel_loop3A to %parallel_loop3A_45 step %parallel_loop3A_46  : i32 {
        %parallel_loop3A_48 = arith.constant 16 : i32
        %parallel_loop3A_49 = arith.muli %parallel_loop3A_47, %parallel_loop3A_48 : i32
        %parallel_loop3A_50 = arith.index_cast %parallel_loop3A_49 : i32 to index
        %parallel_loop3A_51 = tpu.vector_load %arg5[%parallel_loop3A_50] {strides = array<i32>} : memref<20480xi32, #tpu.memory_space<vmem>>, vector<16xi32>,
        %parallel_loop3A_52 = arith.constant 16 : i32
        %parallel_loop3A_53 = arith.muli %parallel_loop3A_47, %parallel_loop3A_52 : i32
        %parallel_loop3A_54 = arith.index_cast %parallel_loop3A_53 : i32 to index
        %parallel_loop3A_55 = tpu.vector_load %arg6[%parallel_loop3A_54] {strides = array<i32>} : memref<20480xf32, #tpu.memory_space<vmem>>, vector<16xf32>,
        %parallel_loop3A_56 = arith.constant 0 : i32
        %parallel_loop3A_57 = vector.broadcast %parallel_loop3A_56 : i32 to vector<16xi32>
        %parallel_loop3A_58 = arith.cmpi sge, %parallel_loop3A_51, %parallel_loop3A_57 : vector<16xi32>
        tpu.vector_store_idx %arg7[%parallel_loop3A_51], %parallel_loop3A_55 masked %parallel_loop3A_58 : memref<1024xf32, #tpu.memory_space<vmem>>[vector<16xi32>], vector<16xf32>, vector<16xi1>
      } {sc.loop_unroll_factor = 8 : i64, sc.parallel_access}
      "tpu.region"() ({
        %run_scoped3A = tpu.sem_alloc : memref<!tpu.dma_semaphore, #tpu.memory_space<semaphore_mem>>
        %dma_start3A = arith.constant 0 : i32
        %dma_start3A_47 = tpu.memref_slice %arg4[%select_n3A, %sub3A_44, %dma_start3A] : memref<20x6x1024xf32, #tpu.memory_space<hbm>> -> memref<1x1x1024xf32, #tpu.memory_space<hbm>>
        %dma_start3A_48 = tpu.memref_squeeze %dma_start3A_47 : memref<1x1x1024xf32, #tpu.memory_space<hbm>> -> memref<1024xf32, #tpu.memory_space<hbm>>
        %dma_start3A_49 = arith.constant 0 : i32
        %dma_start3A_50 = tpu.memref_slice %arg4[%select_n3A, %sub3A_44, %dma_start3A_49] : memref<20x6x1024xf32, #tpu.memory_space<hbm>> -> memref<1x1x1024xf32, #tpu.memory_space<hbm>>
        %dma_start3A_51 = tpu.memref_squeeze %dma_start3A_50 : memref<1x1x1024xf32, #tpu.memory_space<hbm>> -> memref<1024xf32, #tpu.memory_space<hbm>>
        tpu.enqueue_dma source(%arg7 : memref<1024xf32, #tpu.memory_space<vmem>>) target(%dma_start3A_51 : memref<1024xf32, #tpu.memory_space<hbm>>) target_semaphore(%run_scoped3A : memref<!tpu.dma_semaphore, #tpu.memory_space<semaphore_mem>>)
        %dma_wait3A = arith.constant 0 : i32
        %dma_wait3A_52 = tpu.memref_slice %arg4[%select_n3A, %sub3A_44, %dma_wait3A] : memref<20x6x1024xf32, #tpu.memory_space<hbm>> -> memref<1x1x1024xf32, #tpu.memory_space<hbm>>
        %dma_wait3A_53 = tpu.memref_squeeze %dma_wait3A_52 : memref<1x1x1024xf32, #tpu.memory_space<hbm>> -> memref<1024xf32, #tpu.memory_space<hbm>>
        %dma_wait3A_54 = arith.constant 0 : i32
        %dma_wait3A_55 = tpu.memref_slice %arg4[%select_n3A, %sub3A_44, %dma_wait3A_54] : memref<20x6x1024xf32, #tpu.memory_space<hbm>> -> memref<1x1x1024xf32, #tpu.memory_space<hbm>>
        %dma_wait3A_56 = tpu.memref_squeeze %dma_wait3A_55 : memref<1x1x1024xf32, #tpu.memory_space<hbm>> -> memref<1024xf32, #tpu.memory_space<hbm>>
        tpu.wait_dma2 semaphore(%run_scoped3A : memref<!tpu.dma_semaphore, #tpu.memory_space<semaphore_mem>>) src(%arg7 : memref<1024xf32, #tpu.memory_space<vmem>>) dst(%dma_wait3A_56 : memref<1024xf32, #tpu.memory_space<hbm>>)
        tpu.yield
      }) : () -> ()
    } else {
    }
    %add3A_19 = arith.constant 96 : i32
    %add3A_20 = arith.addi %add3A, %add3A_19 : i32
    %lt3A_21 = arith.constant 100 : i32
    %lt3A_22 = arith.cmpi slt, %add3A_20, %lt3A_21 : i32
    %convert_element_type3A_23 = arith.extui %lt3A_22 : i1 to i32
    %cond3A_24 = arith.constant 0 : i32
    %cond3A_25 = arith.cmpi ne, %convert_element_type3A_23, %cond3A_24 : i32
    scf.if %cond3A_25 {
      %jit3A = arith.constant 5 : i32
      %div3A = arith.divsi %add3A_20, %jit3A : i32
      %sign3A = arith.constant 0 : i32
      %sign3A_26 = arith.cmpi sgt, %add3A_20, %sign3A : i32
      %sign3A_27 = arith.extui %sign3A_26 : i1 to i32
      %sign3A_28 = arith.constant 0 : i32
      %sign3A_29 = arith.cmpi slt, %add3A_20, %sign3A_28 : i32
      %sign3A_30 = arith.extui %sign3A_29 : i1 to i32
      %sign3A_31 = arith.subi %sign3A_27, %sign3A_30 : i32
      %sign3A_32 = arith.constant 0 : i32
      %sign3A_33 = arith.cmpi sgt, %jit3A, %sign3A_32 : i32
      %sign3A_34 = arith.extui %sign3A_33 : i1 to i32
      %sign3A_35 = arith.constant 0 : i32
      %sign3A_36 = arith.cmpi slt, %jit3A, %sign3A_35 : i32
      %sign3A_37 = arith.extui %sign3A_36 : i1 to i32
      %sign3A_38 = arith.subi %sign3A_34, %sign3A_37 : i32
      %ne3A = arith.cmpi ne, %sign3A_31, %sign3A_38 : i32
      %rem3A = arith.remsi %add3A_20, %jit3A : i32
      %ne3A_39 = arith.constant 0 : i32
      %ne3A_40 = arith.cmpi ne, %rem3A, %ne3A_39 : i32
      %and3A = arith.andi %ne3A, %ne3A_40 : i1
      %sub3A = arith.constant 1 : i32
      %sub3A_41 = arith.subi %div3A, %sub3A : i32
      %select_n3A = arith.select %and3A, %sub3A_41, %div3A : i32
      %mul3A_42 = arith.constant 5 : i32
      %mul3A_43 = arith.muli %mul3A_42, %select_n3A : i32
      %sub3A_44 = arith.subi %add3A_20, %mul3A_43 : i32
      "tpu.region"() ({
        %run_scoped3A = tpu.sem_alloc : memref<!tpu.dma_semaphore, #tpu.memory_space<semaphore_mem>>
        %dma_start3A = arith.constant 0 : i32
        %dma_start3A_47 = tpu.memref_slice %arg2[%select_n3A, %dma_start3A] : memref<20x20480xi32, #tpu.memory_space<hbm>> -> memref<1x20480xi32, #tpu.memory_space<hbm>>
        %dma_start3A_48 = tpu.memref_squeeze %dma_start3A_47 : memref<1x20480xi32, #tpu.memory_space<hbm>> -> memref<20480xi32, #tpu.memory_space<hbm>>
        %dma_start3A_49 = arith.constant 0 : i32
        %dma_start3A_50 = tpu.memref_slice %arg2[%select_n3A, %dma_start3A_49] : memref<20x20480xi32, #tpu.memory_space<hbm>> -> memref<1x20480xi32, #tpu.memory_space<hbm>>
        %dma_start3A_51 = tpu.memref_squeeze %dma_start3A_50 : memref<1x20480xi32, #tpu.memory_space<hbm>> -> memref<20480xi32, #tpu.memory_space<hbm>>
        tpu.enqueue_dma source(%dma_start3A_51 : memref<20480xi32, #tpu.memory_space<hbm>>) target(%arg5 : memref<20480xi32, #tpu.memory_space<vmem>>) target_semaphore(%run_scoped3A : memref<!tpu.dma_semaphore, #tpu.memory_space<semaphore_mem>>)
        %dma_wait3A = arith.constant 0 : i32
        %dma_wait3A_52 = tpu.memref_slice %arg2[%select_n3A, %dma_wait3A] : memref<20x20480xi32, #tpu.memory_space<hbm>> -> memref<1x20480xi32, #tpu.memory_space<hbm>>
        %dma_wait3A_53 = tpu.memref_squeeze %dma_wait3A_52 : memref<1x20480xi32, #tpu.memory_space<hbm>> -> memref<20480xi32, #tpu.memory_space<hbm>>
        %dma_wait3A_54 = arith.constant 0 : i32
        %dma_wait3A_55 = tpu.memref_slice %arg2[%select_n3A, %dma_wait3A_54] : memref<20x20480xi32, #tpu.memory_space<hbm>> -> memref<1x20480xi32, #tpu.memory_space<hbm>>
        %dma_wait3A_56 = tpu.memref_squeeze %dma_wait3A_55 : memref<1x20480xi32, #tpu.memory_space<hbm>> -> memref<20480xi32, #tpu.memory_space<hbm>>
        tpu.wait_dma2 semaphore(%run_scoped3A : memref<!tpu.dma_semaphore, #tpu.memory_space<semaphore_mem>>) src(%dma_wait3A_56 : memref<20480xi32, #tpu.memory_space<hbm>>) dst(%arg5 : memref<20480xi32, #tpu.memory_space<vmem>>)
        tpu.yield
      }) : () -> ()
      "tpu.region"() ({
        %run_scoped3A = tpu.sem_alloc : memref<!tpu.dma_semaphore, #tpu.memory_space<semaphore_mem>>
        %dma_start3A = arith.constant 0 : i32
        %dma_start3A_47 = tpu.memref_slice %arg3[%select_n3A, %sub3A_44, %dma_start3A] : memref<20x5x20480xf32, #tpu.memory_space<hbm>> -> memref<1x1x20480xf32, #tpu.memory_space<hbm>>
        %dma_start3A_48 = tpu.memref_squeeze %dma_start3A_47 : memref<1x1x20480xf32, #tpu.memory_space<hbm>> -> memref<20480xf32, #tpu.memory_space<hbm>>
        %dma_start3A_49 = arith.constant 0 : i32
        %dma_start3A_50 = tpu.memref_slice %arg3[%select_n3A, %sub3A_44, %dma_start3A_49] : memref<20x5x20480xf32, #tpu.memory_space<hbm>> -> memref<1x1x20480xf32, #tpu.memory_space<hbm>>
        %dma_start3A_51 = tpu.memref_squeeze %dma_start3A_50 : memref<1x1x20480xf32, #tpu.memory_space<hbm>> -> memref<20480xf32, #tpu.memory_space<hbm>>
        tpu.enqueue_dma source(%dma_start3A_51 : memref<20480xf32, #tpu.memory_space<hbm>>) target(%arg6 : memref<20480xf32, #tpu.memory_space<vmem>>) target_semaphore(%run_scoped3A : memref<!tpu.dma_semaphore, #tpu.memory_space<semaphore_mem>>)
        %dma_wait3A = arith.constant 0 : i32
        %dma_wait3A_52 = tpu.memref_slice %arg3[%select_n3A, %sub3A_44, %dma_wait3A] : memref<20x5x20480xf32, #tpu.memory_space<hbm>> -> memref<1x1x20480xf32, #tpu.memory_space<hbm>>
        %dma_wait3A_53 = tpu.memref_squeeze %dma_wait3A_52 : memref<1x1x20480xf32, #tpu.memory_space<hbm>> -> memref<20480xf32, #tpu.memory_space<hbm>>
        %dma_wait3A_54 = arith.constant 0 : i32
        %dma_wait3A_55 = tpu.memref_slice %arg3[%select_n3A, %sub3A_44, %dma_wait3A_54] : memref<20x5x20480xf32, #tpu.memory_space<hbm>> -> memref<1x1x20480xf32, #tpu.memory_space<hbm>>
        %dma_wait3A_56 = tpu.memref_squeeze %dma_wait3A_55 : memref<1x1x20480xf32, #tpu.memory_space<hbm>> -> memref<20480xf32, #tpu.memory_space<hbm>>
        tpu.wait_dma2 semaphore(%run_scoped3A : memref<!tpu.dma_semaphore, #tpu.memory_space<semaphore_mem>>) src(%dma_wait3A_56 : memref<20480xf32, #tpu.memory_space<hbm>>) dst(%arg6 : memref<20480xf32, #tpu.memory_space<vmem>>)
        tpu.yield
      }) : () -> ()
      %parallel_loop3A = arith.constant 0 : i32
      %parallel_loop3A_45 = arith.constant 1280 : i32
      %parallel_loop3A_46 = arith.constant 1 : i32
      scf.for %parallel_loop3A_47 = %parallel_loop3A to %parallel_loop3A_45 step %parallel_loop3A_46  : i32 {
        %parallel_loop3A_48 = arith.constant 16 : i32
        %parallel_loop3A_49 = arith.muli %parallel_loop3A_47, %parallel_loop3A_48 : i32
        %parallel_loop3A_50 = arith.index_cast %parallel_loop3A_49 : i32 to index
        %parallel_loop3A_51 = tpu.vector_load %arg5[%parallel_loop3A_50] {strides = array<i32>} : memref<20480xi32, #tpu.memory_space<vmem>>, vector<16xi32>,
        %parallel_loop3A_52 = arith.constant 16 : i32
        %parallel_loop3A_53 = arith.muli %parallel_loop3A_47, %parallel_loop3A_52 : i32
        %parallel_loop3A_54 = arith.index_cast %parallel_loop3A_53 : i32 to index
        %parallel_loop3A_55 = tpu.vector_load %arg6[%parallel_loop3A_54] {strides = array<i32>} : memref<20480xf32, #tpu.memory_space<vmem>>, vector<16xf32>,
        %parallel_loop3A_56 = arith.constant 0 : i32
        %parallel_loop3A_57 = vector.broadcast %parallel_loop3A_56 : i32 to vector<16xi32>
        %parallel_loop3A_58 = arith.cmpi sge, %parallel_loop3A_51, %parallel_loop3A_57 : vector<16xi32>
        tpu.vector_store_idx %arg7[%parallel_loop3A_51], %parallel_loop3A_55 masked %parallel_loop3A_58 : memref<1024xf32, #tpu.memory_space<vmem>>[vector<16xi32>], vector<16xf32>, vector<16xi1>
      } {sc.loop_unroll_factor = 8 : i64, sc.parallel_access}
      "tpu.region"() ({
        %run_scoped3A = tpu.sem_alloc : memref<!tpu.dma_semaphore, #tpu.memory_space<semaphore_mem>>
        %dma_start3A = arith.constant 0 : i32
        %dma_start3A_47 = tpu.memref_slice %arg4[%select_n3A, %sub3A_44, %dma_start3A] : memref<20x6x1024xf32, #tpu.memory_space<hbm>> -> memref<1x1x1024xf32, #tpu.memory_space<hbm>>
        %dma_start3A_48 = tpu.memref_squeeze %dma_start3A_47 : memref<1x1x1024xf32, #tpu.memory_space<hbm>> -> memref<1024xf32, #tpu.memory_space<hbm>>
        %dma_start3A_49 = arith.constant 0 : i32
        %dma_start3A_50 = tpu.memref_slice %arg4[%select_n3A, %sub3A_44, %dma_start3A_49] : memref<20x6x1024xf32, #tpu.memory_space<hbm>> -> memref<1x1x1024xf32, #tpu.memory_space<hbm>>
        %dma_start3A_51 = tpu.memref_squeeze %dma_start3A_50 : memref<1x1x1024xf32, #tpu.memory_space<hbm>> -> memref<1024xf32, #tpu.memory_space<hbm>>
        tpu.enqueue_dma source(%arg7 : memref<1024xf32, #tpu.memory_space<vmem>>) target(%dma_start3A_51 : memref<1024xf32, #tpu.memory_space<hbm>>) target_semaphore(%run_scoped3A : memref<!tpu.dma_semaphore, #tpu.memory_space<semaphore_mem>>)
        %dma_wait3A = arith.constant 0 : i32
        %dma_wait3A_52 = tpu.memref_slice %arg4[%select_n3A, %sub3A_44, %dma_wait3A] : memref<20x6x1024xf32, #tpu.memory_space<hbm>> -> memref<1x1x1024xf32, #tpu.memory_space<hbm>>
        %dma_wait3A_53 = tpu.memref_squeeze %dma_wait3A_52 : memref<1x1x1024xf32, #tpu.memory_space<hbm>> -> memref<1024xf32, #tpu.memory_space<hbm>>
        %dma_wait3A_54 = arith.constant 0 : i32
        %dma_wait3A_55 = tpu.memref_slice %arg4[%select_n3A, %sub3A_44, %dma_wait3A_54] : memref<20x6x1024xf32, #tpu.memory_space<hbm>> -> memref<1x1x1024xf32, #tpu.memory_space<hbm>>
        %dma_wait3A_56 = tpu.memref_squeeze %dma_wait3A_55 : memref<1x1x1024xf32, #tpu.memory_space<hbm>> -> memref<1024xf32, #tpu.memory_space<hbm>>
        tpu.wait_dma2 semaphore(%run_scoped3A : memref<!tpu.dma_semaphore, #tpu.memory_space<semaphore_mem>>) src(%arg7 : memref<1024xf32, #tpu.memory_space<vmem>>) dst(%dma_wait3A_56 : memref<1024xf32, #tpu.memory_space<hbm>>)
        tpu.yield
      }) : () -> ()
    } else {
    }
    return
  }
}

module attributes {stable_mosaic.version = 14 : i64} {
  func.func @_select_kernel(%arg0: memref<20x160x128xf32, #tpu.memory_space<vmem>>, %arg1: memref<20x160x128xi32, #tpu.memory_space<vmem>>, %arg2: memref<20x160x128xf32, #tpu.memory_space<vmem>>) attributes {dimension_semantics = [], scalar_prefetch = 0 : i64, scratch_operands = 0 : i64, tpu.core_type = #tpu.core_type<tc>} {
    %get3A = arith.constant 0 : index
    %get3A_0 = arith.constant 0 : index
    %get3A_1 = arith.constant 0 : index
    %get3A_2 = vector.load %arg0[%get3A, %get3A_0, %get3A_1] : memref<20x160x128xf32, #tpu.memory_space<vmem>>, vector<20x160x128xf32>
    %gt3A = arith.constant 5.000000e-02 : f32
    %gt3A_3 = vector.broadcast %gt3A : f32 to vector<20x160x128xf32>
    %gt3A_4 = arith.cmpf ogt, %get3A_2, %gt3A_3 : vector<20x160x128xf32>
    %jit3A = arith.constant 0.000000e+00 : f32
    %broadcast_in_dim3A = vector.broadcast %jit3A : f32 to vector<20x160x128xf32>
    %select_n3A = arith.select %gt3A_4, %get3A_2, %broadcast_in_dim3A : vector<20x160x128xi1>, vector<20x160x128xf32>
    %bitcast_convert_type3A = tpu.bitcast %select_n3A : vector<20x160x128xf32> -> vector<20x160x128xi32>
    %iota3A = tpu.iota {dimensions = array<i32: 1>} : vector<20x160x128xi32>
    %mul3A = arith.constant 128 : i32
    %mul3A_5 = vector.broadcast %mul3A : i32 to vector<20x160x128xi32>
    %mul3A_6 = arith.muli %iota3A, %mul3A_5 : vector<20x160x128xi32>
    %iota3A_7 = tpu.iota {dimensions = array<i32: 2>} : vector<20x160x128xi32>
    %add3A = arith.addi %mul3A_6, %iota3A_7 : vector<20x160x128xi32>
    %broadcast_in_dim3A_8 = arith.constant 0 : i32
    %broadcast_in_dim3A_9 = vector.broadcast %broadcast_in_dim3A_8 : i32 to vector<20x1x1xi32>
    %broadcast_in_dim3A_10 = arith.constant 2147483647 : i32
    %broadcast_in_dim3A_11 = vector.broadcast %broadcast_in_dim3A_10 : i32 to vector<20x1x1xi32>
    %scan3A = arith.constant 0 : i32
    %scan3A_12 = arith.constant 31 : i32
    %scan3A_13 = arith.addi %scan3A, %scan3A_12 : i32
    %scan3A_14 = arith.constant 1 : i32
    %scan3A_15:2 = scf.for %scan3A_102 = %scan3A to %scan3A_13 step %scan3A_14 iter_args(%scan3A_103 = %broadcast_in_dim3A_9, %scan3A_104 = %broadcast_in_dim3A_11) -> (vector<20x1x1xi32>, vector<20x1x1xi32>)  : i32 {
      %sub3A_105 = arith.subi %scan3A_104, %scan3A_103 : vector<20x1x1xi32>
      %jit3A_106 = arith.constant 2 : i32
      %div3A = vector.broadcast %jit3A_106 : i32 to vector<20x1x1xi32>
      %div3A_107 = arith.divsi %sub3A_105, %div3A : vector<20x1x1xi32>
      %sign3A = arith.constant 0 : i32
      %sign3A_108 = vector.broadcast %sign3A : i32 to vector<20x1x1xi32>
      %sign3A_109 = arith.cmpi sgt, %sub3A_105, %sign3A_108 : vector<20x1x1xi32>
      %sign3A_110 = arith.extui %sign3A_109 : vector<20x1x1xi1> to vector<20x1x1xi32>
      %sign3A_111 = arith.constant 0 : i32
      %sign3A_112 = vector.broadcast %sign3A_111 : i32 to vector<20x1x1xi32>
      %sign3A_113 = arith.cmpi slt, %sub3A_105, %sign3A_112 : vector<20x1x1xi32>
      %sign3A_114 = arith.extui %sign3A_113 : vector<20x1x1xi1> to vector<20x1x1xi32>
      %sign3A_115 = arith.subi %sign3A_110, %sign3A_114 : vector<20x1x1xi32>
      %sign3A_116 = arith.constant 0 : i32
      %sign3A_117 = arith.cmpi sgt, %jit3A_106, %sign3A_116 : i32
      %sign3A_118 = arith.extui %sign3A_117 : i1 to i32
      %sign3A_119 = arith.constant 0 : i32
      %sign3A_120 = arith.cmpi slt, %jit3A_106, %sign3A_119 : i32
      %sign3A_121 = arith.extui %sign3A_120 : i1 to i32
      %sign3A_122 = arith.subi %sign3A_118, %sign3A_121 : i32
      %ne3A = vector.broadcast %sign3A_122 : i32 to vector<20x1x1xi32>
      %ne3A_123 = arith.cmpi ne, %sign3A_115, %ne3A : vector<20x1x1xi32>
      %rem3A = vector.broadcast %jit3A_106 : i32 to vector<20x1x1xi32>
      %rem3A_124 = arith.remsi %sub3A_105, %rem3A : vector<20x1x1xi32>
      %ne3A_125 = arith.constant 0 : i32
      %ne3A_126 = vector.broadcast %ne3A_125 : i32 to vector<20x1x1xi32>
      %ne3A_127 = arith.cmpi ne, %rem3A_124, %ne3A_126 : vector<20x1x1xi32>
      %and3A_128 = arith.andi %ne3A_123, %ne3A_127 : vector<20x1x1xi1>
      %sub3A_129 = arith.constant 1 : i32
      %sub3A_130 = vector.broadcast %sub3A_129 : i32 to vector<20x1x1xi32>
      %sub3A_131 = arith.subi %div3A_107, %sub3A_130 : vector<20x1x1xi32>
      %select_n3A_132 = arith.select %and3A_128, %sub3A_131, %div3A_107 : vector<20x1x1xi1>, vector<20x1x1xi32>
      %add3A_133 = arith.addi %scan3A_103, %select_n3A_132 : vector<20x1x1xi32>
      %ge3A = vector.broadcast %add3A_133 : vector<20x1x1xi32> to vector<20x160x128xi32>
      %ge3A_134 = arith.cmpi sge, %bitcast_convert_type3A, %ge3A : vector<20x160x128xi32>
      %convert_element_type3A_135 = arith.extui %ge3A_134 : vector<20x160x128xi1> to vector<20x160x128xi32>
      %reduce_sum3A_136 = arith.constant dense<0> : vector<20xi32>
      %reduce_sum3A_137 = vector.multi_reduction <add>, %convert_element_type3A_135, %reduce_sum3A_136 [1, 2] : vector<20x160x128xi32> to vector<20xi32>
      %broadcast_in_dim3A_138 = vector.shape_cast %reduce_sum3A_137 : vector<20xi32> to vector<20x1x1xi32>
      %ge3A_139 = arith.constant 1024 : i32
      %ge3A_140 = vector.broadcast %ge3A_139 : i32 to vector<20x1x1xi32>
      %ge3A_141 = arith.cmpi sge, %broadcast_in_dim3A_138, %ge3A_140 : vector<20x1x1xi32>
      %select_n3A_142 = arith.select %ge3A_141, %add3A_133, %scan3A_103 : vector<20x1x1xi1>, vector<20x1x1xi32>
      %select_n3A_143 = arith.select %ge3A_141, %scan3A_104, %add3A_133 : vector<20x1x1xi1>, vector<20x1x1xi32>
      scf.yield %select_n3A_142, %select_n3A_143 : vector<20x1x1xi32>, vector<20x1x1xi32>
    }
    %gt3A_16 = vector.broadcast %scan3A_15#0 : vector<20x1x1xi32> to vector<20x160x128xi32>
    %gt3A_17 = arith.cmpi sgt, %bitcast_convert_type3A, %gt3A_16 : vector<20x160x128xi32>
    %convert_element_type3A = arith.extui %gt3A_17 : vector<20x160x128xi1> to vector<20x160x128xi32>
    %reduce_sum3A = arith.constant dense<0> : vector<20xi32>
    %reduce_sum3A_18 = vector.multi_reduction <add>, %convert_element_type3A, %reduce_sum3A [1, 2] : vector<20x160x128xi32> to vector<20xi32>
    %broadcast_in_dim3A_19 = vector.shape_cast %reduce_sum3A_18 : vector<20xi32> to vector<20x1x1xi32>
    %sub3A = arith.constant 1024 : i32
    %sub3A_20 = vector.broadcast %sub3A : i32 to vector<20x1x1xi32>
    %sub3A_21 = arith.subi %sub3A_20, %broadcast_in_dim3A_19 : vector<20x1x1xi32>
    %eq3A = vector.broadcast %scan3A_15#0 : vector<20x1x1xi32> to vector<20x160x128xi32>
    %eq3A_22 = arith.cmpi eq, %bitcast_convert_type3A, %eq3A : vector<20x160x128xi32>
    %broadcast_in_dim3A_23 = arith.constant 0 : i32
    %broadcast_in_dim3A_24 = vector.broadcast %broadcast_in_dim3A_23 : i32 to vector<20x1x1xi32>
    %broadcast_in_dim3A_25 = arith.constant 20480 : i32
    %broadcast_in_dim3A_26 = vector.broadcast %broadcast_in_dim3A_25 : i32 to vector<20x1x1xi32>
    %scan3A_27 = arith.constant 0 : i32
    %scan3A_28 = arith.constant 15 : i32
    %scan3A_29 = arith.addi %scan3A_27, %scan3A_28 : i32
    %scan3A_30 = arith.constant 1 : i32
    %scan3A_31:2 = scf.for %scan3A_102 = %scan3A_27 to %scan3A_29 step %scan3A_30 iter_args(%scan3A_103 = %broadcast_in_dim3A_24, %scan3A_104 = %broadcast_in_dim3A_26) -> (vector<20x1x1xi32>, vector<20x1x1xi32>)  : i32 {
      %sub3A_105 = arith.subi %scan3A_104, %scan3A_103 : vector<20x1x1xi32>
      %jit3A_106 = arith.constant 2 : i32
      %div3A = vector.broadcast %jit3A_106 : i32 to vector<20x1x1xi32>
      %div3A_107 = arith.divsi %sub3A_105, %div3A : vector<20x1x1xi32>
      %sign3A = arith.constant 0 : i32
      %sign3A_108 = vector.broadcast %sign3A : i32 to vector<20x1x1xi32>
      %sign3A_109 = arith.cmpi sgt, %sub3A_105, %sign3A_108 : vector<20x1x1xi32>
      %sign3A_110 = arith.extui %sign3A_109 : vector<20x1x1xi1> to vector<20x1x1xi32>
      %sign3A_111 = arith.constant 0 : i32
      %sign3A_112 = vector.broadcast %sign3A_111 : i32 to vector<20x1x1xi32>
      %sign3A_113 = arith.cmpi slt, %sub3A_105, %sign3A_112 : vector<20x1x1xi32>
      %sign3A_114 = arith.extui %sign3A_113 : vector<20x1x1xi1> to vector<20x1x1xi32>
      %sign3A_115 = arith.subi %sign3A_110, %sign3A_114 : vector<20x1x1xi32>
      %sign3A_116 = arith.constant 0 : i32
      %sign3A_117 = arith.cmpi sgt, %jit3A_106, %sign3A_116 : i32
      %sign3A_118 = arith.extui %sign3A_117 : i1 to i32
      %sign3A_119 = arith.constant 0 : i32
      %sign3A_120 = arith.cmpi slt, %jit3A_106, %sign3A_119 : i32
      %sign3A_121 = arith.extui %sign3A_120 : i1 to i32
      %sign3A_122 = arith.subi %sign3A_118, %sign3A_121 : i32
      %ne3A = vector.broadcast %sign3A_122 : i32 to vector<20x1x1xi32>
      %ne3A_123 = arith.cmpi ne, %sign3A_115, %ne3A : vector<20x1x1xi32>
      %rem3A = vector.broadcast %jit3A_106 : i32 to vector<20x1x1xi32>
      %rem3A_124 = arith.remsi %sub3A_105, %rem3A : vector<20x1x1xi32>
      %ne3A_125 = arith.constant 0 : i32
      %ne3A_126 = vector.broadcast %ne3A_125 : i32 to vector<20x1x1xi32>
      %ne3A_127 = arith.cmpi ne, %rem3A_124, %ne3A_126 : vector<20x1x1xi32>
      %and3A_128 = arith.andi %ne3A_123, %ne3A_127 : vector<20x1x1xi1>
      %sub3A_129 = arith.constant 1 : i32
      %sub3A_130 = vector.broadcast %sub3A_129 : i32 to vector<20x1x1xi32>
      %sub3A_131 = arith.subi %div3A_107, %sub3A_130 : vector<20x1x1xi32>
      %select_n3A_132 = arith.select %and3A_128, %sub3A_131, %div3A_107 : vector<20x1x1xi1>, vector<20x1x1xi32>
      %add3A_133 = arith.addi %scan3A_103, %select_n3A_132 : vector<20x1x1xi32>
      %lt3A_134 = vector.broadcast %add3A_133 : vector<20x1x1xi32> to vector<20x160x128xi32>
      %lt3A_135 = arith.cmpi slt, %add3A, %lt3A_134 : vector<20x160x128xi32>
      %and3A_136 = arith.andi %eq3A_22, %lt3A_135 : vector<20x160x128xi1>
      %convert_element_type3A_137 = arith.extui %and3A_136 : vector<20x160x128xi1> to vector<20x160x128xi32>
      %reduce_sum3A_138 = arith.constant dense<0> : vector<20xi32>
      %reduce_sum3A_139 = vector.multi_reduction <add>, %convert_element_type3A_137, %reduce_sum3A_138 [1, 2] : vector<20x160x128xi32> to vector<20xi32>
      %broadcast_in_dim3A_140 = vector.shape_cast %reduce_sum3A_139 : vector<20xi32> to vector<20x1x1xi32>
      %ge3A = arith.cmpi sge, %broadcast_in_dim3A_140, %sub3A_21 : vector<20x1x1xi32>
      %select_n3A_141 = arith.select %ge3A, %scan3A_103, %add3A_133 : vector<20x1x1xi1>, vector<20x1x1xi32>
      %select_n3A_142 = arith.select %ge3A, %add3A_133, %scan3A_104 : vector<20x1x1xi1>, vector<20x1x1xi32>
      scf.yield %select_n3A_141, %select_n3A_142 : vector<20x1x1xi32>, vector<20x1x1xi32>
    }
    %gt3A_32 = vector.broadcast %scan3A_15#0 : vector<20x1x1xi32> to vector<20x160x128xi32>
    %gt3A_33 = arith.cmpi sgt, %bitcast_convert_type3A, %gt3A_32 : vector<20x160x128xi32>
    %lt3A = vector.broadcast %scan3A_31#1 : vector<20x1x1xi32> to vector<20x160x128xi32>
    %lt3A_34 = arith.cmpi slt, %add3A, %lt3A : vector<20x160x128xi32>
    %and3A = arith.andi %eq3A_22, %lt3A_34 : vector<20x160x128xi1>
    %or3A = arith.ori %gt3A_33, %and3A : vector<20x160x128xi1>
    %convert_element_type3A_35 = arith.extui %or3A : vector<20x160x128xi1> to vector<20x160x128xi32>
    %convert_element_type3A_36 = arith.sitofp %convert_element_type3A_35 : vector<20x160x128xi32> to vector<20x160x128xf32>
    %iota3A_37 = tpu.iota {dimensions = array<i32: 0>} : vector<128x128xi32>
    %iota3A_38 = tpu.iota {dimensions = array<i32: 1>} : vector<128x128xi32>
    %lt3A_39 = arith.cmpi slt, %iota3A_37, %iota3A_38 : vector<128x128xi32>
    %reshape3A = vector.shape_cast %convert_element_type3A_36 : vector<20x160x128xf32> to vector<3200x128xf32>
    %convert_element_type3A_40 = arith.extui %lt3A_39 : vector<128x128xi1> to vector<128x128xi32>
    %convert_element_type3A_41 = arith.sitofp %convert_element_type3A_40 : vector<128x128xi32> to vector<128x128xf32>
    %dot_general3A = arith.constant dense<0.000000e+00> : vector<3200x128xf32>
    %dot_general3A_42 = tpu.matmul %reshape3A, %convert_element_type3A_41, %dot_general3A {dimension_numbers = #tpu.dot_dimension_numbers<[1], [0], [0], [1], [0, 0, 1, 1], [], []>, precision = #tpu.contract_precision<fp32>, transpose_lhs_hint = false} : vector<3200x128xf32>, vector<128x128xf32>, vector<3200x128xf32> -> vector<3200x128xf32>
    %reshape3A_43 = vector.shape_cast %dot_general3A_42 : vector<3200x128xf32> to vector<20x160x128xf32>
    %reduce_sum3A_44 = arith.constant dense<0.000000e+00> : vector<20x160xf32>
    %reduce_sum3A_45 = vector.multi_reduction <add>, %convert_element_type3A_36, %reduce_sum3A_44 [2] : vector<20x160x128xf32> to vector<20x160xf32>
    %broadcast_in_dim3A_46 = vector.shape_cast %reduce_sum3A_45 : vector<20x160xf32> to vector<20x160x1xf32>
    %broadcast_in_dim3A_47 = arith.constant 0.000000e+00 : f32
    %broadcast_in_dim3A_48 = vector.broadcast %broadcast_in_dim3A_47 : f32 to vector<20x1x1xf32>
    %slice3A = vector.extract_strided_slice %broadcast_in_dim3A_46 {offsets = [0, 0, 0], sizes = [20, 159, 1], strides = [1, 1, 1]} : vector<20x160x1xf32> to vector<20x159x1xf32>
    %concatenate3A = tpu.concatenate %broadcast_in_dim3A_48, %slice3A in 1 : vector<20x1x1xf32>, vector<20x159x1xf32> -> vector<20x160x1xf32>
    %broadcast_in_dim3A_49 = arith.constant 0.000000e+00 : f32
    %broadcast_in_dim3A_50 = vector.broadcast %broadcast_in_dim3A_49 : f32 to vector<20x1x1xf32>
    %slice3A_51 = vector.extract_strided_slice %concatenate3A {offsets = [0, 0, 0], sizes = [20, 159, 1], strides = [1, 1, 1]} : vector<20x160x1xf32> to vector<20x159x1xf32>
    %concatenate3A_52 = tpu.concatenate %broadcast_in_dim3A_50, %slice3A_51 in 1 : vector<20x1x1xf32>, vector<20x159x1xf32> -> vector<20x160x1xf32>
    %add3A_53 = arith.addf %concatenate3A, %concatenate3A_52 : vector<20x160x1xf32>
    %broadcast_in_dim3A_54 = arith.constant 0.000000e+00 : f32
    %broadcast_in_dim3A_55 = vector.broadcast %broadcast_in_dim3A_54 : f32 to vector<20x2x1xf32>
    %slice3A_56 = vector.extract_strided_slice %add3A_53 {offsets = [0, 0, 0], sizes = [20, 158, 1], strides = [1, 1, 1]} : vector<20x160x1xf32> to vector<20x158x1xf32>
    %concatenate3A_57 = tpu.concatenate %broadcast_in_dim3A_55, %slice3A_56 in 1 : vector<20x2x1xf32>, vector<20x158x1xf32> -> vector<20x160x1xf32>
    %add3A_58 = arith.addf %add3A_53, %concatenate3A_57 : vector<20x160x1xf32>
    %broadcast_in_dim3A_59 = arith.constant 0.000000e+00 : f32
    %broadcast_in_dim3A_60 = vector.broadcast %broadcast_in_dim3A_59 : f32 to vector<20x4x1xf32>
    %slice3A_61 = vector.extract_strided_slice %add3A_58 {offsets = [0, 0, 0], sizes = [20, 156, 1], strides = [1, 1, 1]} : vector<20x160x1xf32> to vector<20x156x1xf32>
    %concatenate3A_62 = tpu.concatenate %broadcast_in_dim3A_60, %slice3A_61 in 1 : vector<20x4x1xf32>, vector<20x156x1xf32> -> vector<20x160x1xf32>
    %add3A_63 = arith.addf %add3A_58, %concatenate3A_62 : vector<20x160x1xf32>
    %broadcast_in_dim3A_64 = arith.constant 0.000000e+00 : f32
    %broadcast_in_dim3A_65 = vector.broadcast %broadcast_in_dim3A_64 : f32 to vector<20x8x1xf32>
    %slice3A_66 = vector.extract_strided_slice %add3A_63 {offsets = [0, 0, 0], sizes = [20, 152, 1], strides = [1, 1, 1]} : vector<20x160x1xf32> to vector<20x152x1xf32>
    %concatenate3A_67 = tpu.concatenate %broadcast_in_dim3A_65, %slice3A_66 in 1 : vector<20x8x1xf32>, vector<20x152x1xf32> -> vector<20x160x1xf32>
    %add3A_68 = arith.addf %add3A_63, %concatenate3A_67 : vector<20x160x1xf32>
    %broadcast_in_dim3A_69 = arith.constant 0.000000e+00 : f32
    %broadcast_in_dim3A_70 = vector.broadcast %broadcast_in_dim3A_69 : f32 to vector<20x16x1xf32>
    %slice3A_71 = vector.extract_strided_slice %add3A_68 {offsets = [0, 0, 0], sizes = [20, 144, 1], strides = [1, 1, 1]} : vector<20x160x1xf32> to vector<20x144x1xf32>
    %concatenate3A_72 = tpu.concatenate %broadcast_in_dim3A_70, %slice3A_71 in 1 : vector<20x16x1xf32>, vector<20x144x1xf32> -> vector<20x160x1xf32>
    %add3A_73 = arith.addf %add3A_68, %concatenate3A_72 : vector<20x160x1xf32>
    %broadcast_in_dim3A_74 = arith.constant 0.000000e+00 : f32
    %broadcast_in_dim3A_75 = vector.broadcast %broadcast_in_dim3A_74 : f32 to vector<20x32x1xf32>
    %slice3A_76 = vector.extract_strided_slice %add3A_73 {offsets = [0, 0, 0], sizes = [20, 128, 1], strides = [1, 1, 1]} : vector<20x160x1xf32> to vector<20x128x1xf32>
    %concatenate3A_77 = tpu.concatenate %broadcast_in_dim3A_75, %slice3A_76 in 1 : vector<20x32x1xf32>, vector<20x128x1xf32> -> vector<20x160x1xf32>
    %add3A_78 = arith.addf %add3A_73, %concatenate3A_77 : vector<20x160x1xf32>
    %broadcast_in_dim3A_79 = arith.constant 0.000000e+00 : f32
    %broadcast_in_dim3A_80 = vector.broadcast %broadcast_in_dim3A_79 : f32 to vector<20x64x1xf32>
    %slice3A_81 = vector.extract_strided_slice %add3A_78 {offsets = [0, 0, 0], sizes = [20, 96, 1], strides = [1, 1, 1]} : vector<20x160x1xf32> to vector<20x96x1xf32>
    %concatenate3A_82 = tpu.concatenate %broadcast_in_dim3A_80, %slice3A_81 in 1 : vector<20x64x1xf32>, vector<20x96x1xf32> -> vector<20x160x1xf32>
    %add3A_83 = arith.addf %add3A_78, %concatenate3A_82 : vector<20x160x1xf32>
    %broadcast_in_dim3A_84 = arith.constant 0.000000e+00 : f32
    %broadcast_in_dim3A_85 = vector.broadcast %broadcast_in_dim3A_84 : f32 to vector<20x128x1xf32>
    %slice3A_86 = vector.extract_strided_slice %add3A_83 {offsets = [0, 0, 0], sizes = [20, 32, 1], strides = [1, 1, 1]} : vector<20x160x1xf32> to vector<20x32x1xf32>
    %concatenate3A_87 = tpu.concatenate %broadcast_in_dim3A_85, %slice3A_86 in 1 : vector<20x128x1xf32>, vector<20x32x1xf32> -> vector<20x160x1xf32>
    %add3A_88 = arith.addf %add3A_83, %concatenate3A_87 : vector<20x160x1xf32>
    %add3A_89 = vector.broadcast %add3A_88 : vector<20x160x1xf32> to vector<20x160x128xf32>
    %add3A_90 = arith.addf %reshape3A_43, %add3A_89 : vector<20x160x128xf32>
    %convert_element_type3A_91 = arith.fptosi %add3A_90 : vector<20x160x128xf32> to vector<20x160x128xi32>
    %jit3A_92 = arith.constant -1 : i32
    %broadcast_in_dim3A_93 = vector.broadcast %jit3A_92 : i32 to vector<20x160x128xi32>
    %select_n3A_94 = arith.select %or3A, %convert_element_type3A_91, %broadcast_in_dim3A_93 : vector<20x160x128xi1>, vector<20x160x128xi32>
    %swap3A = arith.constant 0 : index
    %swap3A_95 = arith.constant 0 : index
    %swap3A_96 = arith.constant 0 : index
    %swap3A_97 = vector.load %arg1[%swap3A, %swap3A_95, %swap3A_96] : memref<20x160x128xi32, #tpu.memory_space<vmem>>, vector<20x160x128xi32>
    tpu.vector_store %arg1[%swap3A, %swap3A_95, %swap3A_96], %select_n3A_94 {strides = array<i32>} : memref<20x160x128xi32, #tpu.memory_space<vmem>>, vector<20x160x128xi32>,
    %swap3A_98 = arith.constant 0 : index
    %swap3A_99 = arith.constant 0 : index
    %swap3A_100 = arith.constant 0 : index
    %swap3A_101 = vector.load %arg2[%swap3A_98, %swap3A_99, %swap3A_100] : memref<20x160x128xf32, #tpu.memory_space<vmem>>, vector<20x160x128xf32>
    tpu.vector_store %arg2[%swap3A_98, %swap3A_99, %swap3A_100], %select_n3A {strides = array<i32>} : memref<20x160x128xf32, #tpu.memory_space<vmem>>, vector<20x160x128xf32>,
    return
  }
}

module attributes {stable_mosaic.version = 14 : i64} {
  func.func @_nms_kernel(%arg0: i32, %arg1: memref<1x6x1024xf32, #tpu.memory_space<vmem>>, %arg2: memref<1x1024x6xf32, #tpu.memory_space<vmem>>, %arg3: memref<1x1000x4xf32, #tpu.memory_space<vmem>>, %arg4: memref<1x1x1000xi32, #tpu.memory_space<vmem>>, %arg5: memref<20x1x1000xi32, #tpu.memory_space<vmem>>, %arg6: memref<20x1x1000xf32, #tpu.memory_space<vmem>>, %arg7: memref<20x1024x1024xi8, #tpu.memory_space<vmem>>, %arg8: memref<20x1x1024xi8, #tpu.memory_space<vmem>>, %arg9: memref<20x1x1024xf32, #tpu.memory_space<vmem>>) attributes {dimension_semantics = [#tpu.dimension_semantics<arbitrary>], iteration_bounds = array<i64: 20>, scalar_prefetch = 0 : i64, scratch_operands = 3 : i64, tpu.core_type = #tpu.core_type<tc>, window_params = [{transform_indices = @transform_0, window_bounds = array<i64: 1, 6, 1024>}, {transform_indices = @transform_1, window_bounds = array<i64: 1, 1024, 6>}, {transform_indices = @transform_2, window_bounds = array<i64: 1, 1000, 4>}, {transform_indices = @transform_3, window_bounds = array<i64: 1, 1, 1000>}, {pipeline_mode = #tpu.pipeline_mode<synchronous>, transform_indices = @transform_4, window_bounds = array<i64: 20, 1, 1000>}, {pipeline_mode = #tpu.pipeline_mode<synchronous>, transform_indices = @transform_5, window_bounds = array<i64: 20, 1, 1000>}]} {
    %get3A = arith.constant 0 : index
    %get3A_0 = arith.constant 0 : index
    %get3A_1 = arith.constant 0 : index
    %get3A_2 = vector.load %arg1[%get3A, %get3A_0, %get3A_1] : memref<1x6x1024xf32, #tpu.memory_space<vmem>>, vector<1x6x1024xf32>
    %reshape3A = vector.shape_cast %get3A_2 : vector<1x6x1024xf32> to vector<6x1024xf32>
    %get3A_3 = arith.constant 0 : index
    %get3A_4 = arith.constant 0 : index
    %get3A_5 = arith.constant 0 : index
    %get3A_6 = vector.load %arg2[%get3A_3, %get3A_4, %get3A_5] : memref<1x1024x6xf32, #tpu.memory_space<vmem>>, vector<1x1024x6xf32>
    %reshape3A_7 = vector.shape_cast %get3A_6 : vector<1x1024x6xf32> to vector<1024x6xf32>
    %slice3A = vector.extract_strided_slice %reshape3A {offsets = [0, 0], sizes = [1, 1024], strides = [1, 1]} : vector<6x1024xf32> to vector<1x1024xf32>
    %slice3A_8 = vector.extract_strided_slice %reshape3A_7 {offsets = [0, 0], sizes = [1024, 1], strides = [1, 1]} : vector<1024x6xf32> to vector<1024x1xf32>
    %iota3A = tpu.iota {dimensions = array<i32: 1>} : vector<1x1024xi32>
    %iota3A_9 = tpu.iota {dimensions = array<i32: 0>} : vector<1024x1xi32>
    %gt3A = vector.broadcast %slice3A : vector<1x1024xf32> to vector<1024x1024xf32>
    %gt3A_10 = vector.broadcast %slice3A_8 : vector<1024x1xf32> to vector<1024x1024xf32>
    %gt3A_11 = arith.cmpf ogt, %gt3A, %gt3A_10 : vector<1024x1024xf32>
    %eq3A = vector.broadcast %slice3A : vector<1x1024xf32> to vector<1024x1024xf32>
    %eq3A_12 = vector.broadcast %slice3A_8 : vector<1024x1xf32> to vector<1024x1024xf32>
    %eq3A_13 = arith.cmpf oeq, %eq3A, %eq3A_12 : vector<1024x1024xf32>
    %lt3A = vector.broadcast %iota3A : vector<1x1024xi32> to vector<1024x1024xi32>
    %lt3A_14 = vector.broadcast %iota3A_9 : vector<1024x1xi32> to vector<1024x1024xi32>
    %lt3A_15 = arith.cmpi slt, %lt3A, %lt3A_14 : vector<1024x1024xi32>
    %and3A = arith.andi %eq3A_13, %lt3A_15 : vector<1024x1024xi1>
    %or3A = arith.ori %gt3A_11, %and3A : vector<1024x1024xi1>
    %convert_element_type3A = arith.extui %or3A : vector<1024x1024xi1> to vector<1024x1024xi32>
    %reduce_sum3A = arith.constant dense<0> : vector<1024xi32>
    %reduce_sum3A_16 = vector.multi_reduction <add>, %convert_element_type3A, %reduce_sum3A [1] : vector<1024x1024xi32> to vector<1024xi32>
    %broadcast_in_dim3A = vector.shape_cast %reduce_sum3A_16 : vector<1024xi32> to vector<1024x1xi32>
    %iota3A_17 = tpu.iota {dimensions = array<i32: 1>} : vector<1x1024xi32>
    %eq3A_18 = vector.broadcast %broadcast_in_dim3A : vector<1024x1xi32> to vector<1024x1024xi32>
    %eq3A_19 = vector.broadcast %iota3A_17 : vector<1x1024xi32> to vector<1024x1024xi32>
    %eq3A_20 = arith.cmpi eq, %eq3A_18, %eq3A_19 : vector<1024x1024xi32>
    %convert_element_type3A_21 = arith.extui %eq3A_20 : vector<1024x1024xi1> to vector<1024x1024xi32>
    %convert_element_type3A_22 = arith.sitofp %convert_element_type3A_21 : vector<1024x1024xi32> to vector<1024x1024xf32>
    %slice3A_23 = vector.extract_strided_slice %reshape3A {offsets = [0, 0], sizes = [5, 1024], strides = [1, 1]} : vector<6x1024xf32> to vector<5x1024xf32>
    %dot_general3A = arith.constant dense<0.000000e+00> : vector<5x1024xf32>
    %dot_general3A_24 = tpu.matmul %slice3A_23, %convert_element_type3A_22, %dot_general3A {dimension_numbers = #tpu.dot_dimension_numbers<[1], [0], [0], [1], [0, 0, 1, 1], [], []>, precision = #tpu.contract_precision<fp32>, transpose_lhs_hint = false} : vector<5x1024xf32>, vector<1024x1024xf32>, vector<5x1024xf32> -> vector<5x1024xf32>
    %slice3A_25 = vector.extract_strided_slice %reshape3A_7 {offsets = [0, 0], sizes = [1024, 5], strides = [1, 1]} : vector<1024x6xf32> to vector<1024x5xf32>
    %dot_general3A_26 = arith.constant dense<0.000000e+00> : vector<1024x5xf32>
    %dot_general3A_27 = tpu.matmul %convert_element_type3A_22, %slice3A_25, %dot_general3A_26 {dimension_numbers = #tpu.dot_dimension_numbers<[0], [0], [1], [1], [0, 1, 1, 1], [], []>, precision = #tpu.contract_precision<fp32>, transpose_lhs_hint = false} : vector<1024x1024xf32>, vector<1024x5xf32>, vector<1024x5xf32> -> vector<1024x5xf32>
    %slice3A_28 = vector.extract_strided_slice %dot_general3A_24 {offsets = [0, 0], sizes = [1, 1024], strides = [1, 1]} : vector<5x1024xf32> to vector<1x1024xf32>
    %slice3A_29 = vector.extract_strided_slice %dot_general3A_24 {offsets = [1, 0], sizes = [1, 1024], strides = [1, 1]} : vector<5x1024xf32> to vector<1x1024xf32>
    %slice3A_30 = vector.extract_strided_slice %dot_general3A_24 {offsets = [2, 0], sizes = [1, 1024], strides = [1, 1]} : vector<5x1024xf32> to vector<1x1024xf32>
    %slice3A_31 = vector.extract_strided_slice %dot_general3A_24 {offsets = [3, 0], sizes = [1, 1024], strides = [1, 1]} : vector<5x1024xf32> to vector<1x1024xf32>
    %slice3A_32 = vector.extract_strided_slice %dot_general3A_24 {offsets = [4, 0], sizes = [1, 1024], strides = [1, 1]} : vector<5x1024xf32> to vector<1x1024xf32>
    %slice3A_33 = vector.extract_strided_slice %dot_general3A_27 {offsets = [0, 1], sizes = [1024, 1], strides = [1, 1]} : vector<1024x5xf32> to vector<1024x1xf32>
    %slice3A_34 = vector.extract_strided_slice %dot_general3A_27 {offsets = [0, 2], sizes = [1024, 1], strides = [1, 1]} : vector<1024x5xf32> to vector<1024x1xf32>
    %slice3A_35 = vector.extract_strided_slice %dot_general3A_27 {offsets = [0, 3], sizes = [1024, 1], strides = [1, 1]} : vector<1024x5xf32> to vector<1024x1xf32>
    %slice3A_36 = vector.extract_strided_slice %dot_general3A_27 {offsets = [0, 4], sizes = [1024, 1], strides = [1, 1]} : vector<1024x5xf32> to vector<1024x1xf32>
    %iota3A_37 = tpu.iota {dimensions = array<i32: 1>} : vector<1x1024xi32>
    %gt3A_38 = arith.constant 5.000000e-02 : f32
    %gt3A_39 = vector.broadcast %gt3A_38 : f32 to vector<1x1024xf32>
    %gt3A_40 = arith.cmpf ogt, %slice3A_28, %gt3A_39 : vector<1x1024xf32>
    %lt3A_41 = arith.constant 1000 : i32
    %lt3A_42 = vector.broadcast %lt3A_41 : i32 to vector<1x1024xi32>
    %lt3A_43 = arith.cmpi slt, %iota3A_37, %lt3A_42 : vector<1x1024xi32>
    %and3A_44 = arith.andi %gt3A_40, %lt3A_43 : vector<1x1024xi1>
    %sub3A = arith.subf %slice3A_35, %slice3A_33 : vector<1024x1xf32>
    %sub3A_45 = arith.subf %slice3A_36, %slice3A_34 : vector<1024x1xf32>
    %mul3A = arith.mulf %sub3A, %sub3A_45 : vector<1024x1xf32>
    %sub3A_46 = arith.subf %slice3A_31, %slice3A_29 : vector<1x1024xf32>
    %sub3A_47 = arith.subf %slice3A_32, %slice3A_30 : vector<1x1024xf32>
    %mul3A_48 = arith.mulf %sub3A_46, %sub3A_47 : vector<1x1024xf32>
    %broadcast_in_dim3A_49 = arith.constant 0 : i8
    %broadcast_in_dim3A_50 = vector.broadcast %broadcast_in_dim3A_49 : i8 to vector<1024x1024xi8>
    %swap3A = arith.index_cast %arg0 : i32 to index
    %swap3A_51 = arith.constant 0 : index
    %swap3A_52 = arith.constant 0 : index
    %swap3A_53 = vector.load %arg7[%swap3A, %swap3A_51, %swap3A_52] : memref<20x1024x1024xi8, #tpu.memory_space<vmem>>, vector<1x1024x1024xi8>
    %swap3A_54 = vector.shape_cast %swap3A_53 : vector<1x1024x1024xi8> to vector<1024x1024xi8>
    %swap3A_55 = vector.shape_cast %broadcast_in_dim3A_50 : vector<1024x1024xi8> to vector<1x1024x1024xi8>
    tpu.vector_store %arg7[%swap3A, %swap3A_51, %swap3A_52], %swap3A_55 {strides = array<i32>} : memref<20x1024x1024xi8, #tpu.memory_space<vmem>>, vector<1x1024x1024xi8>,
    %iota3A_56 = tpu.iota {dimensions = array<i32: 0>} : vector<128x128xi32>
    %iota3A_57 = tpu.iota {dimensions = array<i32: 1>} : vector<128x128xi32>
    %slice3A_58 = vector.extract_strided_slice %slice3A_33 {offsets = [0, 0], sizes = [128, 1], strides = [1, 1]} : vector<1024x1xf32> to vector<128x1xf32>
    %slice3A_59 = vector.extract_strided_slice %slice3A_34 {offsets = [0, 0], sizes = [128, 1], strides = [1, 1]} : vector<1024x1xf32> to vector<128x1xf32>
    %slice3A_60 = vector.extract_strided_slice %slice3A_35 {offsets = [0, 0], sizes = [128, 1], strides = [1, 1]} : vector<1024x1xf32> to vector<128x1xf32>
    %slice3A_61 = vector.extract_strided_slice %slice3A_36 {offsets = [0, 0], sizes = [128, 1], strides = [1, 1]} : vector<1024x1xf32> to vector<128x1xf32>
    %slice3A_62 = vector.extract_strided_slice %mul3A {offsets = [0, 0], sizes = [128, 1], strides = [1, 1]} : vector<1024x1xf32> to vector<128x1xf32>
    %slice3A_63 = vector.extract_strided_slice %slice3A_29 {offsets = [0, 0], sizes = [1, 128], strides = [1, 1]} : vector<1x1024xf32> to vector<1x128xf32>
    %max3A = vector.broadcast %slice3A_58 : vector<128x1xf32> to vector<128x128xf32>
    %max3A_64 = vector.broadcast %slice3A_63 : vector<1x128xf32> to vector<128x128xf32>
    %max3A_65 = arith.maximumf %max3A, %max3A_64 : vector<128x128xf32>
    %slice3A_66 = vector.extract_strided_slice %slice3A_30 {offsets = [0, 0], sizes = [1, 128], strides = [1, 1]} : vector<1x1024xf32> to vector<1x128xf32>
    %max3A_67 = vector.broadcast %slice3A_59 : vector<128x1xf32> to vector<128x128xf32>
    %max3A_68 = vector.broadcast %slice3A_66 : vector<1x128xf32> to vector<128x128xf32>
    %max3A_69 = arith.maximumf %max3A_67, %max3A_68 : vector<128x128xf32>
    %slice3A_70 = vector.extract_strided_slice %slice3A_31 {offsets = [0, 0], sizes = [1, 128], strides = [1, 1]} : vector<1x1024xf32> to vector<1x128xf32>
    %min3A = vector.broadcast %slice3A_60 : vector<128x1xf32> to vector<128x128xf32>
    %min3A_71 = vector.broadcast %slice3A_70 : vector<1x128xf32> to vector<128x128xf32>
    %min3A_72 = arith.minimumf %min3A, %min3A_71 : vector<128x128xf32>
    %slice3A_73 = vector.extract_strided_slice %slice3A_32 {offsets = [0, 0], sizes = [1, 128], strides = [1, 1]} : vector<1x1024xf32> to vector<1x128xf32>
    %min3A_74 = vector.broadcast %slice3A_61 : vector<128x1xf32> to vector<128x128xf32>
    %min3A_75 = vector.broadcast %slice3A_73 : vector<1x128xf32> to vector<128x128xf32>
    %min3A_76 = arith.minimumf %min3A_74, %min3A_75 : vector<128x128xf32>
    %sub3A_77 = arith.subf %min3A_72, %max3A_65 : vector<128x128xf32>
    %jit3A = arith.constant 0.000000e+00 : f32
    %max3A_78 = vector.broadcast %jit3A : f32 to vector<128x128xf32>
    %max3A_79 = arith.maximumf %max3A_78, %sub3A_77 : vector<128x128xf32>
    %sub3A_80 = arith.subf %min3A_76, %max3A_69 : vector<128x128xf32>
    %jit3A_81 = arith.constant 0.000000e+00 : f32
    %max3A_82 = vector.broadcast %jit3A_81 : f32 to vector<128x128xf32>
    %max3A_83 = arith.maximumf %max3A_82, %sub3A_80 : vector<128x128xf32>
    %mul3A_84 = arith.mulf %max3A_79, %max3A_83 : vector<128x128xf32>
    %slice3A_85 = vector.extract_strided_slice %mul3A_48 {offsets = [0, 0], sizes = [1, 128], strides = [1, 1]} : vector<1x1024xf32> to vector<1x128xf32>
    %add3A = vector.broadcast %slice3A_62 : vector<128x1xf32> to vector<128x128xf32>
    %add3A_86 = vector.broadcast %slice3A_85 : vector<1x128xf32> to vector<128x128xf32>
    %add3A_87 = arith.addf %add3A, %add3A_86 : vector<128x128xf32>
    %sub3A_88 = arith.subf %add3A_87, %mul3A_84 : vector<128x128xf32>
    %max3A_89 = arith.constant 9.99999971E-10 : f32
    %max3A_90 = vector.broadcast %max3A_89 : f32 to vector<128x128xf32>
    %max3A_91 = arith.maximumf %sub3A_88, %max3A_90 : vector<128x128xf32>
    %div3A = arith.divf %mul3A_84, %max3A_91 : vector<128x128xf32>
    %gt3A_92 = arith.constant 3.000000e-01 : f32
    %gt3A_93 = vector.broadcast %gt3A_92 : f32 to vector<128x128xf32>
    %gt3A_94 = arith.cmpf ogt, %div3A, %gt3A_93 : vector<128x128xf32>
    %gt3A_95 = arith.cmpi sgt, %iota3A_57, %iota3A_56 : vector<128x128xi32>
    %and3A_96 = arith.andi %gt3A_94, %gt3A_95 : vector<128x128xi1>
    %convert_element_type3A_97 = arith.extui %and3A_96 : vector<128x128xi1> to vector<128x128xi8>
    %swap3A_98 = arith.index_cast %arg0 : i32 to index
    %swap3A_99 = arith.constant 0 : index
    %swap3A_100 = arith.constant 0 : index
    %swap3A_101 = vector.load %arg7[%swap3A_98, %swap3A_99, %swap3A_100] : memref<20x1024x1024xi8, #tpu.memory_space<vmem>>, vector<1x128x128xi8>
    %swap3A_102 = vector.shape_cast %swap3A_101 : vector<1x128x128xi8> to vector<128x128xi8>
    %swap3A_103 = vector.shape_cast %convert_element_type3A_97 : vector<128x128xi8> to vector<1x128x128xi8>
    tpu.vector_store %arg7[%swap3A_98, %swap3A_99, %swap3A_100], %swap3A_103 {strides = array<i32>} : memref<20x1024x1024xi8, #tpu.memory_space<vmem>>, vector<1x128x128xi8>,
    %slice3A_104 = vector.extract_strided_slice %slice3A_29 {offsets = [0, 128], sizes = [1, 128], strides = [1, 1]} : vector<1x1024xf32> to vector<1x128xf32>
    %max3A_105 = vector.broadcast %slice3A_58 : vector<128x1xf32> to vector<128x128xf32>
    %max3A_106 = vector.broadcast %slice3A_104 : vector<1x128xf32> to vector<128x128xf32>
    %max3A_107 = arith.maximumf %max3A_105, %max3A_106 : vector<128x128xf32>
    %slice3A_108 = vector.extract_strided_slice %slice3A_30 {offsets = [0, 128], sizes = [1, 128], strides = [1, 1]} : vector<1x1024xf32> to vector<1x128xf32>
    %max3A_109 = vector.broadcast %slice3A_59 : vector<128x1xf32> to vector<128x128xf32>
    %max3A_110 = vector.broadcast %slice3A_108 : vector<1x128xf32> to vector<128x128xf32>
    %max3A_111 = arith.maximumf %max3A_109, %max3A_110 : vector<128x128xf32>
    %slice3A_112 = vector.extract_strided_slice %slice3A_31 {offsets = [0, 128], sizes = [1, 128], strides = [1, 1]} : vector<1x1024xf32> to vector<1x128xf32>
    %min3A_113 = vector.broadcast %slice3A_60 : vector<128x1xf32> to vector<128x128xf32>
    %min3A_114 = vector.broadcast %slice3A_112 : vector<1x128xf32> to vector<128x128xf32>
    %min3A_115 = arith.minimumf %min3A_113, %min3A_114 : vector<128x128xf32>
    %slice3A_116 = vector.extract_strided_slice %slice3A_32 {offsets = [0, 128], sizes = [1, 128], strides = [1, 1]} : vector<1x1024xf32> to vector<1x128xf32>
    %min3A_117 = vector.broadcast %slice3A_61 : vector<128x1xf32> to vector<128x128xf32>
    %min3A_118 = vector.broadcast %slice3A_116 : vector<1x128xf32> to vector<128x128xf32>
    %min3A_119 = arith.minimumf %min3A_117, %min3A_118 : vector<128x128xf32>
    %sub3A_120 = arith.subf %min3A_115, %max3A_107 : vector<128x128xf32>
    %jit3A_121 = arith.constant 0.000000e+00 : f32
    %max3A_122 = vector.broadcast %jit3A_121 : f32 to vector<128x128xf32>
    %max3A_123 = arith.maximumf %max3A_122, %sub3A_120 : vector<128x128xf32>
    %sub3A_124 = arith.subf %min3A_119, %max3A_111 : vector<128x128xf32>
    %jit3A_125 = arith.constant 0.000000e+00 : f32
    %max3A_126 = vector.broadcast %jit3A_125 : f32 to vector<128x128xf32>
    %max3A_127 = arith.maximumf %max3A_126, %sub3A_124 : vector<128x128xf32>
    %mul3A_128 = arith.mulf %max3A_123, %max3A_127 : vector<128x128xf32>
    %slice3A_129 = vector.extract_strided_slice %mul3A_48 {offsets = [0, 128], sizes = [1, 128], strides = [1, 1]} : vector<1x1024xf32> to vector<1x128xf32>
    %add3A_130 = vector.broadcast %slice3A_62 : vector<128x1xf32> to vector<128x128xf32>
    %add3A_131 = vector.broadcast %slice3A_129 : vector<1x128xf32> to vector<128x128xf32>
    %add3A_132 = arith.addf %add3A_130, %add3A_131 : vector<128x128xf32>
    %sub3A_133 = arith.subf %add3A_132, %mul3A_128 : vector<128x128xf32>
    %max3A_134 = arith.constant 9.99999971E-10 : f32
    %max3A_135 = vector.broadcast %max3A_134 : f32 to vector<128x128xf32>
    %max3A_136 = arith.maximumf %sub3A_133, %max3A_135 : vector<128x128xf32>
    %div3A_137 = arith.divf %mul3A_128, %max3A_136 : vector<128x128xf32>
    %gt3A_138 = arith.constant 3.000000e-01 : f32
    %gt3A_139 = vector.broadcast %gt3A_138 : f32 to vector<128x128xf32>
    %gt3A_140 = arith.cmpf ogt, %div3A_137, %gt3A_139 : vector<128x128xf32>
    %convert_element_type3A_141 = arith.extui %gt3A_140 : vector<128x128xi1> to vector<128x128xi8>
    %swap3A_142 = arith.index_cast %arg0 : i32 to index
    %swap3A_143 = arith.constant 0 : index
    %swap3A_144 = arith.constant 128 : index
    %swap3A_145 = vector.load %arg7[%swap3A_142, %swap3A_143, %swap3A_144] : memref<20x1024x1024xi8, #tpu.memory_space<vmem>>, vector<1x128x128xi8>
    %swap3A_146 = vector.shape_cast %swap3A_145 : vector<1x128x128xi8> to vector<128x128xi8>
    %swap3A_147 = vector.shape_cast %convert_element_type3A_141 : vector<128x128xi8> to vector<1x128x128xi8>
    tpu.vector_store %arg7[%swap3A_142, %swap3A_143, %swap3A_144], %swap3A_147 {strides = array<i32>} : memref<20x1024x1024xi8, #tpu.memory_space<vmem>>, vector<1x128x128xi8>,
    %slice3A_148 = vector.extract_strided_slice %slice3A_29 {offsets = [0, 256], sizes = [1, 128], strides = [1, 1]} : vector<1x1024xf32> to vector<1x128xf32>
    %max3A_149 = vector.broadcast %slice3A_58 : vector<128x1xf32> to vector<128x128xf32>
    %max3A_150 = vector.broadcast %slice3A_148 : vector<1x128xf32> to vector<128x128xf32>
    %max3A_151 = arith.maximumf %max3A_149, %max3A_150 : vector<128x128xf32>
    %slice3A_152 = vector.extract_strided_slice %slice3A_30 {offsets = [0, 256], sizes = [1, 128], strides = [1, 1]} : vector<1x1024xf32> to vector<1x128xf32>
    %max3A_153 = vector.broadcast %slice3A_59 : vector<128x1xf32> to vector<128x128xf32>
    %max3A_154 = vector.broadcast %slice3A_152 : vector<1x128xf32> to vector<128x128xf32>
    %max3A_155 = arith.maximumf %max3A_153, %max3A_154 : vector<128x128xf32>
    %slice3A_156 = vector.extract_strided_slice %slice3A_31 {offsets = [0, 256], sizes = [1, 128], strides = [1, 1]} : vector<1x1024xf32> to vector<1x128xf32>
    %min3A_157 = vector.broadcast %slice3A_60 : vector<128x1xf32> to vector<128x128xf32>
    %min3A_158 = vector.broadcast %slice3A_156 : vector<1x128xf32> to vector<128x128xf32>
    %min3A_159 = arith.minimumf %min3A_157, %min3A_158 : vector<128x128xf32>
    %slice3A_160 = vector.extract_strided_slice %slice3A_32 {offsets = [0, 256], sizes = [1, 128], strides = [1, 1]} : vector<1x1024xf32> to vector<1x128xf32>
    %min3A_161 = vector.broadcast %slice3A_61 : vector<128x1xf32> to vector<128x128xf32>
    %min3A_162 = vector.broadcast %slice3A_160 : vector<1x128xf32> to vector<128x128xf32>
    %min3A_163 = arith.minimumf %min3A_161, %min3A_162 : vector<128x128xf32>
    %sub3A_164 = arith.subf %min3A_159, %max3A_151 : vector<128x128xf32>
    %jit3A_165 = arith.constant 0.000000e+00 : f32
    %max3A_166 = vector.broadcast %jit3A_165 : f32 to vector<128x128xf32>
    %max3A_167 = arith.maximumf %max3A_166, %sub3A_164 : vector<128x128xf32>
    %sub3A_168 = arith.subf %min3A_163, %max3A_155 : vector<128x128xf32>
    %jit3A_169 = arith.constant 0.000000e+00 : f32
    %max3A_170 = vector.broadcast %jit3A_169 : f32 to vector<128x128xf32>
    %max3A_171 = arith.maximumf %max3A_170, %sub3A_168 : vector<128x128xf32>
    %mul3A_172 = arith.mulf %max3A_167, %max3A_171 : vector<128x128xf32>
    %slice3A_173 = vector.extract_strided_slice %mul3A_48 {offsets = [0, 256], sizes = [1, 128], strides = [1, 1]} : vector<1x1024xf32> to vector<1x128xf32>
    %add3A_174 = vector.broadcast %slice3A_62 : vector<128x1xf32> to vector<128x128xf32>
    %add3A_175 = vector.broadcast %slice3A_173 : vector<1x128xf32> to vector<128x128xf32>
    %add3A_176 = arith.addf %add3A_174, %add3A_175 : vector<128x128xf32>
    %sub3A_177 = arith.subf %add3A_176, %mul3A_172 : vector<128x128xf32>
    %max3A_178 = arith.constant 9.99999971E-10 : f32
    %max3A_179 = vector.broadcast %max3A_178 : f32 to vector<128x128xf32>
    %max3A_180 = arith.maximumf %sub3A_177, %max3A_179 : vector<128x128xf32>
    %div3A_181 = arith.divf %mul3A_172, %max3A_180 : vector<128x128xf32>
    %gt3A_182 = arith.constant 3.000000e-01 : f32
    %gt3A_183 = vector.broadcast %gt3A_182 : f32 to vector<128x128xf32>
    %gt3A_184 = arith.cmpf ogt, %div3A_181, %gt3A_183 : vector<128x128xf32>
    %convert_element_type3A_185 = arith.extui %gt3A_184 : vector<128x128xi1> to vector<128x128xi8>
    %swap3A_186 = arith.index_cast %arg0 : i32 to index
    %swap3A_187 = arith.constant 0 : index
    %swap3A_188 = arith.constant 256 : index
    %swap3A_189 = vector.load %arg7[%swap3A_186, %swap3A_187, %swap3A_188] : memref<20x1024x1024xi8, #tpu.memory_space<vmem>>, vector<1x128x128xi8>
    %swap3A_190 = vector.shape_cast %swap3A_189 : vector<1x128x128xi8> to vector<128x128xi8>
    %swap3A_191 = vector.shape_cast %convert_element_type3A_185 : vector<128x128xi8> to vector<1x128x128xi8>
    tpu.vector_store %arg7[%swap3A_186, %swap3A_187, %swap3A_188], %swap3A_191 {strides = array<i32>} : memref<20x1024x1024xi8, #tpu.memory_space<vmem>>, vector<1x128x128xi8>,
    %slice3A_192 = vector.extract_strided_slice %slice3A_29 {offsets = [0, 384], sizes = [1, 128], strides = [1, 1]} : vector<1x1024xf32> to vector<1x128xf32>
    %max3A_193 = vector.broadcast %slice3A_58 : vector<128x1xf32> to vector<128x128xf32>
    %max3A_194 = vector.broadcast %slice3A_192 : vector<1x128xf32> to vector<128x128xf32>
    %max3A_195 = arith.maximumf %max3A_193, %max3A_194 : vector<128x128xf32>
    %slice3A_196 = vector.extract_strided_slice %slice3A_30 {offsets = [0, 384], sizes = [1, 128], strides = [1, 1]} : vector<1x1024xf32> to vector<1x128xf32>
    %max3A_197 = vector.broadcast %slice3A_59 : vector<128x1xf32> to vector<128x128xf32>
    %max3A_198 = vector.broadcast %slice3A_196 : vector<1x128xf32> to vector<128x128xf32>
    %max3A_199 = arith.maximumf %max3A_197, %max3A_198 : vector<128x128xf32>
    %slice3A_200 = vector.extract_strided_slice %slice3A_31 {offsets = [0, 384], sizes = [1, 128], strides = [1, 1]} : vector<1x1024xf32> to vector<1x128xf32>
    %min3A_201 = vector.broadcast %slice3A_60 : vector<128x1xf32> to vector<128x128xf32>
    %min3A_202 = vector.broadcast %slice3A_200 : vector<1x128xf32> to vector<128x128xf32>
    %min3A_203 = arith.minimumf %min3A_201, %min3A_202 : vector<128x128xf32>
    %slice3A_204 = vector.extract_strided_slice %slice3A_32 {offsets = [0, 384], sizes = [1, 128], strides = [1, 1]} : vector<1x1024xf32> to vector<1x128xf32>
    %min3A_205 = vector.broadcast %slice3A_61 : vector<128x1xf32> to vector<128x128xf32>
    %min3A_206 = vector.broadcast %slice3A_204 : vector<1x128xf32> to vector<128x128xf32>
    %min3A_207 = arith.minimumf %min3A_205, %min3A_206 : vector<128x128xf32>
    %sub3A_208 = arith.subf %min3A_203, %max3A_195 : vector<128x128xf32>
    %jit3A_209 = arith.constant 0.000000e+00 : f32
    %max3A_210 = vector.broadcast %jit3A_209 : f32 to vector<128x128xf32>
    %max3A_211 = arith.maximumf %max3A_210, %sub3A_208 : vector<128x128xf32>
    %sub3A_212 = arith.subf %min3A_207, %max3A_199 : vector<128x128xf32>
    %jit3A_213 = arith.constant 0.000000e+00 : f32
    %max3A_214 = vector.broadcast %jit3A_213 : f32 to vector<128x128xf32>
    %max3A_215 = arith.maximumf %max3A_214, %sub3A_212 : vector<128x128xf32>
    %mul3A_216 = arith.mulf %max3A_211, %max3A_215 : vector<128x128xf32>
    %slice3A_217 = vector.extract_strided_slice %mul3A_48 {offsets = [0, 384], sizes = [1, 128], strides = [1, 1]} : vector<1x1024xf32> to vector<1x128xf32>
    %add3A_218 = vector.broadcast %slice3A_62 : vector<128x1xf32> to vector<128x128xf32>
    %add3A_219 = vector.broadcast %slice3A_217 : vector<1x128xf32> to vector<128x128xf32>
    %add3A_220 = arith.addf %add3A_218, %add3A_219 : vector<128x128xf32>
    %sub3A_221 = arith.subf %add3A_220, %mul3A_216 : vector<128x128xf32>
    %max3A_222 = arith.constant 9.99999971E-10 : f32
    %max3A_223 = vector.broadcast %max3A_222 : f32 to vector<128x128xf32>
    %max3A_224 = arith.maximumf %sub3A_221, %max3A_223 : vector<128x128xf32>
    %div3A_225 = arith.divf %mul3A_216, %max3A_224 : vector<128x128xf32>
    %gt3A_226 = arith.constant 3.000000e-01 : f32
    %gt3A_227 = vector.broadcast %gt3A_226 : f32 to vector<128x128xf32>
    %gt3A_228 = arith.cmpf ogt, %div3A_225, %gt3A_227 : vector<128x128xf32>
    %convert_element_type3A_229 = arith.extui %gt3A_228 : vector<128x128xi1> to vector<128x128xi8>
    %swap3A_230 = arith.index_cast %arg0 : i32 to index
    %swap3A_231 = arith.constant 0 : index
    %swap3A_232 = arith.constant 384 : index
    %swap3A_233 = vector.load %arg7[%swap3A_230, %swap3A_231, %swap3A_232] : memref<20x1024x1024xi8, #tpu.memory_space<vmem>>, vector<1x128x128xi8>
    %swap3A_234 = vector.shape_cast %swap3A_233 : vector<1x128x128xi8> to vector<128x128xi8>
    %swap3A_235 = vector.shape_cast %convert_element_type3A_229 : vector<128x128xi8> to vector<1x128x128xi8>
    tpu.vector_store %arg7[%swap3A_230, %swap3A_231, %swap3A_232], %swap3A_235 {strides = array<i32>} : memref<20x1024x1024xi8, #tpu.memory_space<vmem>>, vector<1x128x128xi8>,
    %slice3A_236 = vector.extract_strided_slice %slice3A_29 {offsets = [0, 512], sizes = [1, 128], strides = [1, 1]} : vector<1x1024xf32> to vector<1x128xf32>
    %max3A_237 = vector.broadcast %slice3A_58 : vector<128x1xf32> to vector<128x128xf32>
    %max3A_238 = vector.broadcast %slice3A_236 : vector<1x128xf32> to vector<128x128xf32>
    %max3A_239 = arith.maximumf %max3A_237, %max3A_238 : vector<128x128xf32>
    %slice3A_240 = vector.extract_strided_slice %slice3A_30 {offsets = [0, 512], sizes = [1, 128], strides = [1, 1]} : vector<1x1024xf32> to vector<1x128xf32>
    %max3A_241 = vector.broadcast %slice3A_59 : vector<128x1xf32> to vector<128x128xf32>
    %max3A_242 = vector.broadcast %slice3A_240 : vector<1x128xf32> to vector<128x128xf32>
    %max3A_243 = arith.maximumf %max3A_241, %max3A_242 : vector<128x128xf32>
    %slice3A_244 = vector.extract_strided_slice %slice3A_31 {offsets = [0, 512], sizes = [1, 128], strides = [1, 1]} : vector<1x1024xf32> to vector<1x128xf32>
    %min3A_245 = vector.broadcast %slice3A_60 : vector<128x1xf32> to vector<128x128xf32>
    %min3A_246 = vector.broadcast %slice3A_244 : vector<1x128xf32> to vector<128x128xf32>
    %min3A_247 = arith.minimumf %min3A_245, %min3A_246 : vector<128x128xf32>
    %slice3A_248 = vector.extract_strided_slice %slice3A_32 {offsets = [0, 512], sizes = [1, 128], strides = [1, 1]} : vector<1x1024xf32> to vector<1x128xf32>
    %min3A_249 = vector.broadcast %slice3A_61 : vector<128x1xf32> to vector<128x128xf32>
    %min3A_250 = vector.broadcast %slice3A_248 : vector<1x128xf32> to vector<128x128xf32>
    %min3A_251 = arith.minimumf %min3A_249, %min3A_250 : vector<128x128xf32>
    %sub3A_252 = arith.subf %min3A_247, %max3A_239 : vector<128x128xf32>
    %jit3A_253 = arith.constant 0.000000e+00 : f32
    %max3A_254 = vector.broadcast %jit3A_253 : f32 to vector<128x128xf32>
    %max3A_255 = arith.maximumf %max3A_254, %sub3A_252 : vector<128x128xf32>
    %sub3A_256 = arith.subf %min3A_251, %max3A_243 : vector<128x128xf32>
    %jit3A_257 = arith.constant 0.000000e+00 : f32
    %max3A_258 = vector.broadcast %jit3A_257 : f32 to vector<128x128xf32>
    %max3A_259 = arith.maximumf %max3A_258, %sub3A_256 : vector<128x128xf32>
    %mul3A_260 = arith.mulf %max3A_255, %max3A_259 : vector<128x128xf32>
    %slice3A_261 = vector.extract_strided_slice %mul3A_48 {offsets = [0, 512], sizes = [1, 128], strides = [1, 1]} : vector<1x1024xf32> to vector<1x128xf32>
    %add3A_262 = vector.broadcast %slice3A_62 : vector<128x1xf32> to vector<128x128xf32>
    %add3A_263 = vector.broadcast %slice3A_261 : vector<1x128xf32> to vector<128x128xf32>
    %add3A_264 = arith.addf %add3A_262, %add3A_263 : vector<128x128xf32>
    %sub3A_265 = arith.subf %add3A_264, %mul3A_260 : vector<128x128xf32>
    %max3A_266 = arith.constant 9.99999971E-10 : f32
    %max3A_267 = vector.broadcast %max3A_266 : f32 to vector<128x128xf32>
    %max3A_268 = arith.maximumf %sub3A_265, %max3A_267 : vector<128x128xf32>
    %div3A_269 = arith.divf %mul3A_260, %max3A_268 : vector<128x128xf32>
    %gt3A_270 = arith.constant 3.000000e-01 : f32
    %gt3A_271 = vector.broadcast %gt3A_270 : f32 to vector<128x128xf32>
    %gt3A_272 = arith.cmpf ogt, %div3A_269, %gt3A_271 : vector<128x128xf32>
    %convert_element_type3A_273 = arith.extui %gt3A_272 : vector<128x128xi1> to vector<128x128xi8>
    %swap3A_274 = arith.index_cast %arg0 : i32 to index
    %swap3A_275 = arith.constant 0 : index
    %swap3A_276 = arith.constant 512 : index
    %swap3A_277 = vector.load %arg7[%swap3A_274, %swap3A_275, %swap3A_276] : memref<20x1024x1024xi8, #tpu.memory_space<vmem>>, vector<1x128x128xi8>
    %swap3A_278 = vector.shape_cast %swap3A_277 : vector<1x128x128xi8> to vector<128x128xi8>
    %swap3A_279 = vector.shape_cast %convert_element_type3A_273 : vector<128x128xi8> to vector<1x128x128xi8>
    tpu.vector_store %arg7[%swap3A_274, %swap3A_275, %swap3A_276], %swap3A_279 {strides = array<i32>} : memref<20x1024x1024xi8, #tpu.memory_space<vmem>>, vector<1x128x128xi8>,
    %slice3A_280 = vector.extract_strided_slice %slice3A_29 {offsets = [0, 640], sizes = [1, 128], strides = [1, 1]} : vector<1x1024xf32> to vector<1x128xf32>
    %max3A_281 = vector.broadcast %slice3A_58 : vector<128x1xf32> to vector<128x128xf32>
    %max3A_282 = vector.broadcast %slice3A_280 : vector<1x128xf32> to vector<128x128xf32>
    %max3A_283 = arith.maximumf %max3A_281, %max3A_282 : vector<128x128xf32>
    %slice3A_284 = vector.extract_strided_slice %slice3A_30 {offsets = [0, 640], sizes = [1, 128], strides = [1, 1]} : vector<1x1024xf32> to vector<1x128xf32>
    %max3A_285 = vector.broadcast %slice3A_59 : vector<128x1xf32> to vector<128x128xf32>
    %max3A_286 = vector.broadcast %slice3A_284 : vector<1x128xf32> to vector<128x128xf32>
    %max3A_287 = arith.maximumf %max3A_285, %max3A_286 : vector<128x128xf32>
    %slice3A_288 = vector.extract_strided_slice %slice3A_31 {offsets = [0, 640], sizes = [1, 128], strides = [1, 1]} : vector<1x1024xf32> to vector<1x128xf32>
    %min3A_289 = vector.broadcast %slice3A_60 : vector<128x1xf32> to vector<128x128xf32>
    %min3A_290 = vector.broadcast %slice3A_288 : vector<1x128xf32> to vector<128x128xf32>
    %min3A_291 = arith.minimumf %min3A_289, %min3A_290 : vector<128x128xf32>
    %slice3A_292 = vector.extract_strided_slice %slice3A_32 {offsets = [0, 640], sizes = [1, 128], strides = [1, 1]} : vector<1x1024xf32> to vector<1x128xf32>
    %min3A_293 = vector.broadcast %slice3A_61 : vector<128x1xf32> to vector<128x128xf32>
    %min3A_294 = vector.broadcast %slice3A_292 : vector<1x128xf32> to vector<128x128xf32>
    %min3A_295 = arith.minimumf %min3A_293, %min3A_294 : vector<128x128xf32>
    %sub3A_296 = arith.subf %min3A_291, %max3A_283 : vector<128x128xf32>
    %jit3A_297 = arith.constant 0.000000e+00 : f32
    %max3A_298 = vector.broadcast %jit3A_297 : f32 to vector<128x128xf32>
    %max3A_299 = arith.maximumf %max3A_298, %sub3A_296 : vector<128x128xf32>
    %sub3A_300 = arith.subf %min3A_295, %max3A_287 : vector<128x128xf32>
    %jit3A_301 = arith.constant 0.000000e+00 : f32
    %max3A_302 = vector.broadcast %jit3A_301 : f32 to vector<128x128xf32>
    %max3A_303 = arith.maximumf %max3A_302, %sub3A_300 : vector<128x128xf32>
    %mul3A_304 = arith.mulf %max3A_299, %max3A_303 : vector<128x128xf32>
    %slice3A_305 = vector.extract_strided_slice %mul3A_48 {offsets = [0, 640], sizes = [1, 128], strides = [1, 1]} : vector<1x1024xf32> to vector<1x128xf32>
    %add3A_306 = vector.broadcast %slice3A_62 : vector<128x1xf32> to vector<128x128xf32>
    %add3A_307 = vector.broadcast %slice3A_305 : vector<1x128xf32> to vector<128x128xf32>
    %add3A_308 = arith.addf %add3A_306, %add3A_307 : vector<128x128xf32>
    %sub3A_309 = arith.subf %add3A_308, %mul3A_304 : vector<128x128xf32>
    %max3A_310 = arith.constant 9.99999971E-10 : f32
    %max3A_311 = vector.broadcast %max3A_310 : f32 to vector<128x128xf32>
    %max3A_312 = arith.maximumf %sub3A_309, %max3A_311 : vector<128x128xf32>
    %div3A_313 = arith.divf %mul3A_304, %max3A_312 : vector<128x128xf32>
    %gt3A_314 = arith.constant 3.000000e-01 : f32
    %gt3A_315 = vector.broadcast %gt3A_314 : f32 to vector<128x128xf32>
    %gt3A_316 = arith.cmpf ogt, %div3A_313, %gt3A_315 : vector<128x128xf32>
    %convert_element_type3A_317 = arith.extui %gt3A_316 : vector<128x128xi1> to vector<128x128xi8>
    %swap3A_318 = arith.index_cast %arg0 : i32 to index
    %swap3A_319 = arith.constant 0 : index
    %swap3A_320 = arith.constant 640 : index
    %swap3A_321 = vector.load %arg7[%swap3A_318, %swap3A_319, %swap3A_320] : memref<20x1024x1024xi8, #tpu.memory_space<vmem>>, vector<1x128x128xi8>
    %swap3A_322 = vector.shape_cast %swap3A_321 : vector<1x128x128xi8> to vector<128x128xi8>
    %swap3A_323 = vector.shape_cast %convert_element_type3A_317 : vector<128x128xi8> to vector<1x128x128xi8>
    tpu.vector_store %arg7[%swap3A_318, %swap3A_319, %swap3A_320], %swap3A_323 {strides = array<i32>} : memref<20x1024x1024xi8, #tpu.memory_space<vmem>>, vector<1x128x128xi8>,
    %slice3A_324 = vector.extract_strided_slice %slice3A_29 {offsets = [0, 768], sizes = [1, 128], strides = [1, 1]} : vector<1x1024xf32> to vector<1x128xf32>
    %max3A_325 = vector.broadcast %slice3A_58 : vector<128x1xf32> to vector<128x128xf32>
    %max3A_326 = vector.broadcast %slice3A_324 : vector<1x128xf32> to vector<128x128xf32>
    %max3A_327 = arith.maximumf %max3A_325, %max3A_326 : vector<128x128xf32>
    %slice3A_328 = vector.extract_strided_slice %slice3A_30 {offsets = [0, 768], sizes = [1, 128], strides = [1, 1]} : vector<1x1024xf32> to vector<1x128xf32>
    %max3A_329 = vector.broadcast %slice3A_59 : vector<128x1xf32> to vector<128x128xf32>
    %max3A_330 = vector.broadcast %slice3A_328 : vector<1x128xf32> to vector<128x128xf32>
    %max3A_331 = arith.maximumf %max3A_329, %max3A_330 : vector<128x128xf32>
    %slice3A_332 = vector.extract_strided_slice %slice3A_31 {offsets = [0, 768], sizes = [1, 128], strides = [1, 1]} : vector<1x1024xf32> to vector<1x128xf32>
    %min3A_333 = vector.broadcast %slice3A_60 : vector<128x1xf32> to vector<128x128xf32>
    %min3A_334 = vector.broadcast %slice3A_332 : vector<1x128xf32> to vector<128x128xf32>
    %min3A_335 = arith.minimumf %min3A_333, %min3A_334 : vector<128x128xf32>
    %slice3A_336 = vector.extract_strided_slice %slice3A_32 {offsets = [0, 768], sizes = [1, 128], strides = [1, 1]} : vector<1x1024xf32> to vector<1x128xf32>
    %min3A_337 = vector.broadcast %slice3A_61 : vector<128x1xf32> to vector<128x128xf32>
    %min3A_338 = vector.broadcast %slice3A_336 : vector<1x128xf32> to vector<128x128xf32>
    %min3A_339 = arith.minimumf %min3A_337, %min3A_338 : vector<128x128xf32>
    %sub3A_340 = arith.subf %min3A_335, %max3A_327 : vector<128x128xf32>
    %jit3A_341 = arith.constant 0.000000e+00 : f32
    %max3A_342 = vector.broadcast %jit3A_341 : f32 to vector<128x128xf32>
    %max3A_343 = arith.maximumf %max3A_342, %sub3A_340 : vector<128x128xf32>
    %sub3A_344 = arith.subf %min3A_339, %max3A_331 : vector<128x128xf32>
    %jit3A_345 = arith.constant 0.000000e+00 : f32
    %max3A_346 = vector.broadcast %jit3A_345 : f32 to vector<128x128xf32>
    %max3A_347 = arith.maximumf %max3A_346, %sub3A_344 : vector<128x128xf32>
    %mul3A_348 = arith.mulf %max3A_343, %max3A_347 : vector<128x128xf32>
    %slice3A_349 = vector.extract_strided_slice %mul3A_48 {offsets = [0, 768], sizes = [1, 128], strides = [1, 1]} : vector<1x1024xf32> to vector<1x128xf32>
    %add3A_350 = vector.broadcast %slice3A_62 : vector<128x1xf32> to vector<128x128xf32>
    %add3A_351 = vector.broadcast %slice3A_349 : vector<1x128xf32> to vector<128x128xf32>
    %add3A_352 = arith.addf %add3A_350, %add3A_351 : vector<128x128xf32>
    %sub3A_353 = arith.subf %add3A_352, %mul3A_348 : vector<128x128xf32>
    %max3A_354 = arith.constant 9.99999971E-10 : f32
    %max3A_355 = vector.broadcast %max3A_354 : f32 to vector<128x128xf32>
    %max3A_356 = arith.maximumf %sub3A_353, %max3A_355 : vector<128x128xf32>
    %div3A_357 = arith.divf %mul3A_348, %max3A_356 : vector<128x128xf32>
    %gt3A_358 = arith.constant 3.000000e-01 : f32
    %gt3A_359 = vector.broadcast %gt3A_358 : f32 to vector<128x128xf32>
    %gt3A_360 = arith.cmpf ogt, %div3A_357, %gt3A_359 : vector<128x128xf32>
    %convert_element_type3A_361 = arith.extui %gt3A_360 : vector<128x128xi1> to vector<128x128xi8>
    %swap3A_362 = arith.index_cast %arg0 : i32 to index
    %swap3A_363 = arith.constant 0 : index
    %swap3A_364 = arith.constant 768 : index
    %swap3A_365 = vector.load %arg7[%swap3A_362, %swap3A_363, %swap3A_364] : memref<20x1024x1024xi8, #tpu.memory_space<vmem>>, vector<1x128x128xi8>
    %swap3A_366 = vector.shape_cast %swap3A_365 : vector<1x128x128xi8> to vector<128x128xi8>
    %swap3A_367 = vector.shape_cast %convert_element_type3A_361 : vector<128x128xi8> to vector<1x128x128xi8>
    tpu.vector_store %arg7[%swap3A_362, %swap3A_363, %swap3A_364], %swap3A_367 {strides = array<i32>} : memref<20x1024x1024xi8, #tpu.memory_space<vmem>>, vector<1x128x128xi8>,
    %slice3A_368 = vector.extract_strided_slice %slice3A_29 {offsets = [0, 896], sizes = [1, 128], strides = [1, 1]} : vector<1x1024xf32> to vector<1x128xf32>
    %max3A_369 = vector.broadcast %slice3A_58 : vector<128x1xf32> to vector<128x128xf32>
    %max3A_370 = vector.broadcast %slice3A_368 : vector<1x128xf32> to vector<128x128xf32>
    %max3A_371 = arith.maximumf %max3A_369, %max3A_370 : vector<128x128xf32>
    %slice3A_372 = vector.extract_strided_slice %slice3A_30 {offsets = [0, 896], sizes = [1, 128], strides = [1, 1]} : vector<1x1024xf32> to vector<1x128xf32>
    %max3A_373 = vector.broadcast %slice3A_59 : vector<128x1xf32> to vector<128x128xf32>
    %max3A_374 = vector.broadcast %slice3A_372 : vector<1x128xf32> to vector<128x128xf32>
    %max3A_375 = arith.maximumf %max3A_373, %max3A_374 : vector<128x128xf32>
    %slice3A_376 = vector.extract_strided_slice %slice3A_31 {offsets = [0, 896], sizes = [1, 128], strides = [1, 1]} : vector<1x1024xf32> to vector<1x128xf32>
    %min3A_377 = vector.broadcast %slice3A_60 : vector<128x1xf32> to vector<128x128xf32>
    %min3A_378 = vector.broadcast %slice3A_376 : vector<1x128xf32> to vector<128x128xf32>
    %min3A_379 = arith.minimumf %min3A_377, %min3A_378 : vector<128x128xf32>
    %slice3A_380 = vector.extract_strided_slice %slice3A_32 {offsets = [0, 896], sizes = [1, 128], strides = [1, 1]} : vector<1x1024xf32> to vector<1x128xf32>
    %min3A_381 = vector.broadcast %slice3A_61 : vector<128x1xf32> to vector<128x128xf32>
    %min3A_382 = vector.broadcast %slice3A_380 : vector<1x128xf32> to vector<128x128xf32>
    %min3A_383 = arith.minimumf %min3A_381, %min3A_382 : vector<128x128xf32>
    %sub3A_384 = arith.subf %min3A_379, %max3A_371 : vector<128x128xf32>
    %jit3A_385 = arith.constant 0.000000e+00 : f32
    %max3A_386 = vector.broadcast %jit3A_385 : f32 to vector<128x128xf32>
    %max3A_387 = arith.maximumf %max3A_386, %sub3A_384 : vector<128x128xf32>
    %sub3A_388 = arith.subf %min3A_383, %max3A_375 : vector<128x128xf32>
    %jit3A_389 = arith.constant 0.000000e+00 : f32
    %max3A_390 = vector.broadcast %jit3A_389 : f32 to vector<128x128xf32>
    %max3A_391 = arith.maximumf %max3A_390, %sub3A_388 : vector<128x128xf32>
    %mul3A_392 = arith.mulf %max3A_387, %max3A_391 : vector<128x128xf32>
    %slice3A_393 = vector.extract_strided_slice %mul3A_48 {offsets = [0, 896], sizes = [1, 128], strides = [1, 1]} : vector<1x1024xf32> to vector<1x128xf32>
    %add3A_394 = vector.broadcast %slice3A_62 : vector<128x1xf32> to vector<128x128xf32>
    %add3A_395 = vector.broadcast %slice3A_393 : vector<1x128xf32> to vector<128x128xf32>
    %add3A_396 = arith.addf %add3A_394, %add3A_395 : vector<128x128xf32>
    %sub3A_397 = arith.subf %add3A_396, %mul3A_392 : vector<128x128xf32>
    %max3A_398 = arith.constant 9.99999971E-10 : f32
    %max3A_399 = vector.broadcast %max3A_398 : f32 to vector<128x128xf32>
    %max3A_400 = arith.maximumf %sub3A_397, %max3A_399 : vector<128x128xf32>
    %div3A_401 = arith.divf %mul3A_392, %max3A_400 : vector<128x128xf32>
    %gt3A_402 = arith.constant 3.000000e-01 : f32
    %gt3A_403 = vector.broadcast %gt3A_402 : f32 to vector<128x128xf32>
    %gt3A_404 = arith.cmpf ogt, %div3A_401, %gt3A_403 : vector<128x128xf32>
    %convert_element_type3A_405 = arith.extui %gt3A_404 : vector<128x128xi1> to vector<128x128xi8>
    %swap3A_406 = arith.index_cast %arg0 : i32 to index
    %swap3A_407 = arith.constant 0 : index
    %swap3A_408 = arith.constant 896 : index
    %swap3A_409 = vector.load %arg7[%swap3A_406, %swap3A_407, %swap3A_408] : memref<20x1024x1024xi8, #tpu.memory_space<vmem>>, vector<1x128x128xi8>
    %swap3A_410 = vector.shape_cast %swap3A_409 : vector<1x128x128xi8> to vector<128x128xi8>
    %swap3A_411 = vector.shape_cast %convert_element_type3A_405 : vector<128x128xi8> to vector<1x128x128xi8>
    tpu.vector_store %arg7[%swap3A_406, %swap3A_407, %swap3A_408], %swap3A_411 {strides = array<i32>} : memref<20x1024x1024xi8, #tpu.memory_space<vmem>>, vector<1x128x128xi8>,
    %slice3A_412 = vector.extract_strided_slice %slice3A_33 {offsets = [128, 0], sizes = [128, 1], strides = [1, 1]} : vector<1024x1xf32> to vector<128x1xf32>
    %slice3A_413 = vector.extract_strided_slice %slice3A_34 {offsets = [128, 0], sizes = [128, 1], strides = [1, 1]} : vector<1024x1xf32> to vector<128x1xf32>
    %slice3A_414 = vector.extract_strided_slice %slice3A_35 {offsets = [128, 0], sizes = [128, 1], strides = [1, 1]} : vector<1024x1xf32> to vector<128x1xf32>
    %slice3A_415 = vector.extract_strided_slice %slice3A_36 {offsets = [128, 0], sizes = [128, 1], strides = [1, 1]} : vector<1024x1xf32> to vector<128x1xf32>
    %slice3A_416 = vector.extract_strided_slice %mul3A {offsets = [128, 0], sizes = [128, 1], strides = [1, 1]} : vector<1024x1xf32> to vector<128x1xf32>
    %slice3A_417 = vector.extract_strided_slice %slice3A_29 {offsets = [0, 128], sizes = [1, 128], strides = [1, 1]} : vector<1x1024xf32> to vector<1x128xf32>
    %max3A_418 = vector.broadcast %slice3A_412 : vector<128x1xf32> to vector<128x128xf32>
    %max3A_419 = vector.broadcast %slice3A_417 : vector<1x128xf32> to vector<128x128xf32>
    %max3A_420 = arith.maximumf %max3A_418, %max3A_419 : vector<128x128xf32>
    %slice3A_421 = vector.extract_strided_slice %slice3A_30 {offsets = [0, 128], sizes = [1, 128], strides = [1, 1]} : vector<1x1024xf32> to vector<1x128xf32>
    %max3A_422 = vector.broadcast %slice3A_413 : vector<128x1xf32> to vector<128x128xf32>
    %max3A_423 = vector.broadcast %slice3A_421 : vector<1x128xf32> to vector<128x128xf32>
    %max3A_424 = arith.maximumf %max3A_422, %max3A_423 : vector<128x128xf32>
    %slice3A_425 = vector.extract_strided_slice %slice3A_31 {offsets = [0, 128], sizes = [1, 128], strides = [1, 1]} : vector<1x1024xf32> to vector<1x128xf32>
    %min3A_426 = vector.broadcast %slice3A_414 : vector<128x1xf32> to vector<128x128xf32>
    %min3A_427 = vector.broadcast %slice3A_425 : vector<1x128xf32> to vector<128x128xf32>
    %min3A_428 = arith.minimumf %min3A_426, %min3A_427 : vector<128x128xf32>
    %slice3A_429 = vector.extract_strided_slice %slice3A_32 {offsets = [0, 128], sizes = [1, 128], strides = [1, 1]} : vector<1x1024xf32> to vector<1x128xf32>
    %min3A_430 = vector.broadcast %slice3A_415 : vector<128x1xf32> to vector<128x128xf32>
    %min3A_431 = vector.broadcast %slice3A_429 : vector<1x128xf32> to vector<128x128xf32>
    %min3A_432 = arith.minimumf %min3A_430, %min3A_431 : vector<128x128xf32>
    %sub3A_433 = arith.subf %min3A_428, %max3A_420 : vector<128x128xf32>
    %jit3A_434 = arith.constant 0.000000e+00 : f32
    %max3A_435 = vector.broadcast %jit3A_434 : f32 to vector<128x128xf32>
    %max3A_436 = arith.maximumf %max3A_435, %sub3A_433 : vector<128x128xf32>
    %sub3A_437 = arith.subf %min3A_432, %max3A_424 : vector<128x128xf32>
    %jit3A_438 = arith.constant 0.000000e+00 : f32
    %max3A_439 = vector.broadcast %jit3A_438 : f32 to vector<128x128xf32>
    %max3A_440 = arith.maximumf %max3A_439, %sub3A_437 : vector<128x128xf32>
    %mul3A_441 = arith.mulf %max3A_436, %max3A_440 : vector<128x128xf32>
    %slice3A_442 = vector.extract_strided_slice %mul3A_48 {offsets = [0, 128], sizes = [1, 128], strides = [1, 1]} : vector<1x1024xf32> to vector<1x128xf32>
    %add3A_443 = vector.broadcast %slice3A_416 : vector<128x1xf32> to vector<128x128xf32>
    %add3A_444 = vector.broadcast %slice3A_442 : vector<1x128xf32> to vector<128x128xf32>
    %add3A_445 = arith.addf %add3A_443, %add3A_444 : vector<128x128xf32>
    %sub3A_446 = arith.subf %add3A_445, %mul3A_441 : vector<128x128xf32>
    %max3A_447 = arith.constant 9.99999971E-10 : f32
    %max3A_448 = vector.broadcast %max3A_447 : f32 to vector<128x128xf32>
    %max3A_449 = arith.maximumf %sub3A_446, %max3A_448 : vector<128x128xf32>
    %div3A_450 = arith.divf %mul3A_441, %max3A_449 : vector<128x128xf32>
    %gt3A_451 = arith.constant 3.000000e-01 : f32
    %gt3A_452 = vector.broadcast %gt3A_451 : f32 to vector<128x128xf32>
    %gt3A_453 = arith.cmpf ogt, %div3A_450, %gt3A_452 : vector<128x128xf32>
    %gt3A_454 = arith.cmpi sgt, %iota3A_57, %iota3A_56 : vector<128x128xi32>
    %and3A_455 = arith.andi %gt3A_453, %gt3A_454 : vector<128x128xi1>
    %convert_element_type3A_456 = arith.extui %and3A_455 : vector<128x128xi1> to vector<128x128xi8>
    %swap3A_457 = arith.index_cast %arg0 : i32 to index
    %swap3A_458 = arith.constant 128 : index
    %swap3A_459 = arith.constant 128 : index
    %swap3A_460 = vector.load %arg7[%swap3A_457, %swap3A_458, %swap3A_459] : memref<20x1024x1024xi8, #tpu.memory_space<vmem>>, vector<1x128x128xi8>
    %swap3A_461 = vector.shape_cast %swap3A_460 : vector<1x128x128xi8> to vector<128x128xi8>
    %swap3A_462 = vector.shape_cast %convert_element_type3A_456 : vector<128x128xi8> to vector<1x128x128xi8>
    tpu.vector_store %arg7[%swap3A_457, %swap3A_458, %swap3A_459], %swap3A_462 {strides = array<i32>} : memref<20x1024x1024xi8, #tpu.memory_space<vmem>>, vector<1x128x128xi8>,
    %slice3A_463 = vector.extract_strided_slice %slice3A_29 {offsets = [0, 256], sizes = [1, 128], strides = [1, 1]} : vector<1x1024xf32> to vector<1x128xf32>
    %max3A_464 = vector.broadcast %slice3A_412 : vector<128x1xf32> to vector<128x128xf32>
    %max3A_465 = vector.broadcast %slice3A_463 : vector<1x128xf32> to vector<128x128xf32>
    %max3A_466 = arith.maximumf %max3A_464, %max3A_465 : vector<128x128xf32>
    %slice3A_467 = vector.extract_strided_slice %slice3A_30 {offsets = [0, 256], sizes = [1, 128], strides = [1, 1]} : vector<1x1024xf32> to vector<1x128xf32>
    %max3A_468 = vector.broadcast %slice3A_413 : vector<128x1xf32> to vector<128x128xf32>
    %max3A_469 = vector.broadcast %slice3A_467 : vector<1x128xf32> to vector<128x128xf32>
    %max3A_470 = arith.maximumf %max3A_468, %max3A_469 : vector<128x128xf32>
    %slice3A_471 = vector.extract_strided_slice %slice3A_31 {offsets = [0, 256], sizes = [1, 128], strides = [1, 1]} : vector<1x1024xf32> to vector<1x128xf32>
    %min3A_472 = vector.broadcast %slice3A_414 : vector<128x1xf32> to vector<128x128xf32>
    %min3A_473 = vector.broadcast %slice3A_471 : vector<1x128xf32> to vector<128x128xf32>
    %min3A_474 = arith.minimumf %min3A_472, %min3A_473 : vector<128x128xf32>
    %slice3A_475 = vector.extract_strided_slice %slice3A_32 {offsets = [0, 256], sizes = [1, 128], strides = [1, 1]} : vector<1x1024xf32> to vector<1x128xf32>
    %min3A_476 = vector.broadcast %slice3A_415 : vector<128x1xf32> to vector<128x128xf32>
    %min3A_477 = vector.broadcast %slice3A_475 : vector<1x128xf32> to vector<128x128xf32>
    %min3A_478 = arith.minimumf %min3A_476, %min3A_477 : vector<128x128xf32>
    %sub3A_479 = arith.subf %min3A_474, %max3A_466 : vector<128x128xf32>
    %jit3A_480 = arith.constant 0.000000e+00 : f32
    %max3A_481 = vector.broadcast %jit3A_480 : f32 to vector<128x128xf32>
    %max3A_482 = arith.maximumf %max3A_481, %sub3A_479 : vector<128x128xf32>
    %sub3A_483 = arith.subf %min3A_478, %max3A_470 : vector<128x128xf32>
    %jit3A_484 = arith.constant 0.000000e+00 : f32
    %max3A_485 = vector.broadcast %jit3A_484 : f32 to vector<128x128xf32>
    %max3A_486 = arith.maximumf %max3A_485, %sub3A_483 : vector<128x128xf32>
    %mul3A_487 = arith.mulf %max3A_482, %max3A_486 : vector<128x128xf32>
    %slice3A_488 = vector.extract_strided_slice %mul3A_48 {offsets = [0, 256], sizes = [1, 128], strides = [1, 1]} : vector<1x1024xf32> to vector<1x128xf32>
    %add3A_489 = vector.broadcast %slice3A_416 : vector<128x1xf32> to vector<128x128xf32>
    %add3A_490 = vector.broadcast %slice3A_488 : vector<1x128xf32> to vector<128x128xf32>
    %add3A_491 = arith.addf %add3A_489, %add3A_490 : vector<128x128xf32>
    %sub3A_492 = arith.subf %add3A_491, %mul3A_487 : vector<128x128xf32>
    %max3A_493 = arith.constant 9.99999971E-10 : f32
    %max3A_494 = vector.broadcast %max3A_493 : f32 to vector<128x128xf32>
    %max3A_495 = arith.maximumf %sub3A_492, %max3A_494 : vector<128x128xf32>
    %div3A_496 = arith.divf %mul3A_487, %max3A_495 : vector<128x128xf32>
    %gt3A_497 = arith.constant 3.000000e-01 : f32
    %gt3A_498 = vector.broadcast %gt3A_497 : f32 to vector<128x128xf32>
    %gt3A_499 = arith.cmpf ogt, %div3A_496, %gt3A_498 : vector<128x128xf32>
    %convert_element_type3A_500 = arith.extui %gt3A_499 : vector<128x128xi1> to vector<128x128xi8>
    %swap3A_501 = arith.index_cast %arg0 : i32 to index
    %swap3A_502 = arith.constant 128 : index
    %swap3A_503 = arith.constant 256 : index
    %swap3A_504 = vector.load %arg7[%swap3A_501, %swap3A_502, %swap3A_503] : memref<20x1024x1024xi8, #tpu.memory_space<vmem>>, vector<1x128x128xi8>
    %swap3A_505 = vector.shape_cast %swap3A_504 : vector<1x128x128xi8> to vector<128x128xi8>
    %swap3A_506 = vector.shape_cast %convert_element_type3A_500 : vector<128x128xi8> to vector<1x128x128xi8>
    tpu.vector_store %arg7[%swap3A_501, %swap3A_502, %swap3A_503], %swap3A_506 {strides = array<i32>} : memref<20x1024x1024xi8, #tpu.memory_space<vmem>>, vector<1x128x128xi8>,
    %slice3A_507 = vector.extract_strided_slice %slice3A_29 {offsets = [0, 384], sizes = [1, 128], strides = [1, 1]} : vector<1x1024xf32> to vector<1x128xf32>
    %max3A_508 = vector.broadcast %slice3A_412 : vector<128x1xf32> to vector<128x128xf32>
    %max3A_509 = vector.broadcast %slice3A_507 : vector<1x128xf32> to vector<128x128xf32>
    %max3A_510 = arith.maximumf %max3A_508, %max3A_509 : vector<128x128xf32>
    %slice3A_511 = vector.extract_strided_slice %slice3A_30 {offsets = [0, 384], sizes = [1, 128], strides = [1, 1]} : vector<1x1024xf32> to vector<1x128xf32>
    %max3A_512 = vector.broadcast %slice3A_413 : vector<128x1xf32> to vector<128x128xf32>
    %max3A_513 = vector.broadcast %slice3A_511 : vector<1x128xf32> to vector<128x128xf32>
    %max3A_514 = arith.maximumf %max3A_512, %max3A_513 : vector<128x128xf32>
    %slice3A_515 = vector.extract_strided_slice %slice3A_31 {offsets = [0, 384], sizes = [1, 128], strides = [1, 1]} : vector<1x1024xf32> to vector<1x128xf32>
    %min3A_516 = vector.broadcast %slice3A_414 : vector<128x1xf32> to vector<128x128xf32>
    %min3A_517 = vector.broadcast %slice3A_515 : vector<1x128xf32> to vector<128x128xf32>
    %min3A_518 = arith.minimumf %min3A_516, %min3A_517 : vector<128x128xf32>
    %slice3A_519 = vector.extract_strided_slice %slice3A_32 {offsets = [0, 384], sizes = [1, 128], strides = [1, 1]} : vector<1x1024xf32> to vector<1x128xf32>
    %min3A_520 = vector.broadcast %slice3A_415 : vector<128x1xf32> to vector<128x128xf32>
    %min3A_521 = vector.broadcast %slice3A_519 : vector<1x128xf32> to vector<128x128xf32>
    %min3A_522 = arith.minimumf %min3A_520, %min3A_521 : vector<128x128xf32>
    %sub3A_523 = arith.subf %min3A_518, %max3A_510 : vector<128x128xf32>
    %jit3A_524 = arith.constant 0.000000e+00 : f32
    %max3A_525 = vector.broadcast %jit3A_524 : f32 to vector<128x128xf32>
    %max3A_526 = arith.maximumf %max3A_525, %sub3A_523 : vector<128x128xf32>
    %sub3A_527 = arith.subf %min3A_522, %max3A_514 : vector<128x128xf32>
    %jit3A_528 = arith.constant 0.000000e+00 : f32
    %max3A_529 = vector.broadcast %jit3A_528 : f32 to vector<128x128xf32>
    %max3A_530 = arith.maximumf %max3A_529, %sub3A_527 : vector<128x128xf32>
    %mul3A_531 = arith.mulf %max3A_526, %max3A_530 : vector<128x128xf32>
    %slice3A_532 = vector.extract_strided_slice %mul3A_48 {offsets = [0, 384], sizes = [1, 128], strides = [1, 1]} : vector<1x1024xf32> to vector<1x128xf32>
    %add3A_533 = vector.broadcast %slice3A_416 : vector<128x1xf32> to vector<128x128xf32>
    %add3A_534 = vector.broadcast %slice3A_532 : vector<1x128xf32> to vector<128x128xf32>
    %add3A_535 = arith.addf %add3A_533, %add3A_534 : vector<128x128xf32>
    %sub3A_536 = arith.subf %add3A_535, %mul3A_531 : vector<128x128xf32>
    %max3A_537 = arith.constant 9.99999971E-10 : f32
    %max3A_538 = vector.broadcast %max3A_537 : f32 to vector<128x128xf32>
    %max3A_539 = arith.maximumf %sub3A_536, %max3A_538 : vector<128x128xf32>
    %div3A_540 = arith.divf %mul3A_531, %max3A_539 : vector<128x128xf32>
    %gt3A_541 = arith.constant 3.000000e-01 : f32
    %gt3A_542 = vector.broadcast %gt3A_541 : f32 to vector<128x128xf32>
    %gt3A_543 = arith.cmpf ogt, %div3A_540, %gt3A_542 : vector<128x128xf32>
    %convert_element_type3A_544 = arith.extui %gt3A_543 : vector<128x128xi1> to vector<128x128xi8>
    %swap3A_545 = arith.index_cast %arg0 : i32 to index
    %swap3A_546 = arith.constant 128 : index
    %swap3A_547 = arith.constant 384 : index
    %swap3A_548 = vector.load %arg7[%swap3A_545, %swap3A_546, %swap3A_547] : memref<20x1024x1024xi8, #tpu.memory_space<vmem>>, vector<1x128x128xi8>
    %swap3A_549 = vector.shape_cast %swap3A_548 : vector<1x128x128xi8> to vector<128x128xi8>
    %swap3A_550 = vector.shape_cast %convert_element_type3A_544 : vector<128x128xi8> to vector<1x128x128xi8>
    tpu.vector_store %arg7[%swap3A_545, %swap3A_546, %swap3A_547], %swap3A_550 {strides = array<i32>} : memref<20x1024x1024xi8, #tpu.memory_space<vmem>>, vector<1x128x128xi8>,
    %slice3A_551 = vector.extract_strided_slice %slice3A_29 {offsets = [0, 512], sizes = [1, 128], strides = [1, 1]} : vector<1x1024xf32> to vector<1x128xf32>
    %max3A_552 = vector.broadcast %slice3A_412 : vector<128x1xf32> to vector<128x128xf32>
    %max3A_553 = vector.broadcast %slice3A_551 : vector<1x128xf32> to vector<128x128xf32>
    %max3A_554 = arith.maximumf %max3A_552, %max3A_553 : vector<128x128xf32>
    %slice3A_555 = vector.extract_strided_slice %slice3A_30 {offsets = [0, 512], sizes = [1, 128], strides = [1, 1]} : vector<1x1024xf32> to vector<1x128xf32>
    %max3A_556 = vector.broadcast %slice3A_413 : vector<128x1xf32> to vector<128x128xf32>
    %max3A_557 = vector.broadcast %slice3A_555 : vector<1x128xf32> to vector<128x128xf32>
    %max3A_558 = arith.maximumf %max3A_556, %max3A_557 : vector<128x128xf32>
    %slice3A_559 = vector.extract_strided_slice %slice3A_31 {offsets = [0, 512], sizes = [1, 128], strides = [1, 1]} : vector<1x1024xf32> to vector<1x128xf32>
    %min3A_560 = vector.broadcast %slice3A_414 : vector<128x1xf32> to vector<128x128xf32>
    %min3A_561 = vector.broadcast %slice3A_559 : vector<1x128xf32> to vector<128x128xf32>
    %min3A_562 = arith.minimumf %min3A_560, %min3A_561 : vector<128x128xf32>
    %slice3A_563 = vector.extract_strided_slice %slice3A_32 {offsets = [0, 512], sizes = [1, 128], strides = [1, 1]} : vector<1x1024xf32> to vector<1x128xf32>
    %min3A_564 = vector.broadcast %slice3A_415 : vector<128x1xf32> to vector<128x128xf32>
    %min3A_565 = vector.broadcast %slice3A_563 : vector<1x128xf32> to vector<128x128xf32>
    %min3A_566 = arith.minimumf %min3A_564, %min3A_565 : vector<128x128xf32>
    %sub3A_567 = arith.subf %min3A_562, %max3A_554 : vector<128x128xf32>
    %jit3A_568 = arith.constant 0.000000e+00 : f32
    %max3A_569 = vector.broadcast %jit3A_568 : f32 to vector<128x128xf32>
    %max3A_570 = arith.maximumf %max3A_569, %sub3A_567 : vector<128x128xf32>
    %sub3A_571 = arith.subf %min3A_566, %max3A_558 : vector<128x128xf32>
    %jit3A_572 = arith.constant 0.000000e+00 : f32
    %max3A_573 = vector.broadcast %jit3A_572 : f32 to vector<128x128xf32>
    %max3A_574 = arith.maximumf %max3A_573, %sub3A_571 : vector<128x128xf32>
    %mul3A_575 = arith.mulf %max3A_570, %max3A_574 : vector<128x128xf32>
    %slice3A_576 = vector.extract_strided_slice %mul3A_48 {offsets = [0, 512], sizes = [1, 128], strides = [1, 1]} : vector<1x1024xf32> to vector<1x128xf32>
    %add3A_577 = vector.broadcast %slice3A_416 : vector<128x1xf32> to vector<128x128xf32>
    %add3A_578 = vector.broadcast %slice3A_576 : vector<1x128xf32> to vector<128x128xf32>
    %add3A_579 = arith.addf %add3A_577, %add3A_578 : vector<128x128xf32>
    %sub3A_580 = arith.subf %add3A_579, %mul3A_575 : vector<128x128xf32>
    %max3A_581 = arith.constant 9.99999971E-10 : f32
    %max3A_582 = vector.broadcast %max3A_581 : f32 to vector<128x128xf32>
    %max3A_583 = arith.maximumf %sub3A_580, %max3A_582 : vector<128x128xf32>
    %div3A_584 = arith.divf %mul3A_575, %max3A_583 : vector<128x128xf32>
    %gt3A_585 = arith.constant 3.000000e-01 : f32
    %gt3A_586 = vector.broadcast %gt3A_585 : f32 to vector<128x128xf32>
    %gt3A_587 = arith.cmpf ogt, %div3A_584, %gt3A_586 : vector<128x128xf32>
    %convert_element_type3A_588 = arith.extui %gt3A_587 : vector<128x128xi1> to vector<128x128xi8>
    %swap3A_589 = arith.index_cast %arg0 : i32 to index
    %swap3A_590 = arith.constant 128 : index
    %swap3A_591 = arith.constant 512 : index
    %swap3A_592 = vector.load %arg7[%swap3A_589, %swap3A_590, %swap3A_591] : memref<20x1024x1024xi8, #tpu.memory_space<vmem>>, vector<1x128x128xi8>
    %swap3A_593 = vector.shape_cast %swap3A_592 : vector<1x128x128xi8> to vector<128x128xi8>
    %swap3A_594 = vector.shape_cast %convert_element_type3A_588 : vector<128x128xi8> to vector<1x128x128xi8>
    tpu.vector_store %arg7[%swap3A_589, %swap3A_590, %swap3A_591], %swap3A_594 {strides = array<i32>} : memref<20x1024x1024xi8, #tpu.memory_space<vmem>>, vector<1x128x128xi8>,
    %slice3A_595 = vector.extract_strided_slice %slice3A_29 {offsets = [0, 640], sizes = [1, 128], strides = [1, 1]} : vector<1x1024xf32> to vector<1x128xf32>
    %max3A_596 = vector.broadcast %slice3A_412 : vector<128x1xf32> to vector<128x128xf32>
    %max3A_597 = vector.broadcast %slice3A_595 : vector<1x128xf32> to vector<128x128xf32>
    %max3A_598 = arith.maximumf %max3A_596, %max3A_597 : vector<128x128xf32>
    %slice3A_599 = vector.extract_strided_slice %slice3A_30 {offsets = [0, 640], sizes = [1, 128], strides = [1, 1]} : vector<1x1024xf32> to vector<1x128xf32>
    %max3A_600 = vector.broadcast %slice3A_413 : vector<128x1xf32> to vector<128x128xf32>
    %max3A_601 = vector.broadcast %slice3A_599 : vector<1x128xf32> to vector<128x128xf32>
    %max3A_602 = arith.maximumf %max3A_600, %max3A_601 : vector<128x128xf32>
    %slice3A_603 = vector.extract_strided_slice %slice3A_31 {offsets = [0, 640], sizes = [1, 128], strides = [1, 1]} : vector<1x1024xf32> to vector<1x128xf32>
    %min3A_604 = vector.broadcast %slice3A_414 : vector<128x1xf32> to vector<128x128xf32>
    %min3A_605 = vector.broadcast %slice3A_603 : vector<1x128xf32> to vector<128x128xf32>
    %min3A_606 = arith.minimumf %min3A_604, %min3A_605 : vector<128x128xf32>
    %slice3A_607 = vector.extract_strided_slice %slice3A_32 {offsets = [0, 640], sizes = [1, 128], strides = [1, 1]} : vector<1x1024xf32> to vector<1x128xf32>
    %min3A_608 = vector.broadcast %slice3A_415 : vector<128x1xf32> to vector<128x128xf32>
    %min3A_609 = vector.broadcast %slice3A_607 : vector<1x128xf32> to vector<128x128xf32>
    %min3A_610 = arith.minimumf %min3A_608, %min3A_609 : vector<128x128xf32>
    %sub3A_611 = arith.subf %min3A_606, %max3A_598 : vector<128x128xf32>
    %jit3A_612 = arith.constant 0.000000e+00 : f32
    %max3A_613 = vector.broadcast %jit3A_612 : f32 to vector<128x128xf32>
    %max3A_614 = arith.maximumf %max3A_613, %sub3A_611 : vector<128x128xf32>
    %sub3A_615 = arith.subf %min3A_610, %max3A_602 : vector<128x128xf32>
    %jit3A_616 = arith.constant 0.000000e+00 : f32
    %max3A_617 = vector.broadcast %jit3A_616 : f32 to vector<128x128xf32>
    %max3A_618 = arith.maximumf %max3A_617, %sub3A_615 : vector<128x128xf32>
    %mul3A_619 = arith.mulf %max3A_614, %max3A_618 : vector<128x128xf32>
    %slice3A_620 = vector.extract_strided_slice %mul3A_48 {offsets = [0, 640], sizes = [1, 128], strides = [1, 1]} : vector<1x1024xf32> to vector<1x128xf32>
    %add3A_621 = vector.broadcast %slice3A_416 : vector<128x1xf32> to vector<128x128xf32>
    %add3A_622 = vector.broadcast %slice3A_620 : vector<1x128xf32> to vector<128x128xf32>
    %add3A_623 = arith.addf %add3A_621, %add3A_622 : vector<128x128xf32>
    %sub3A_624 = arith.subf %add3A_623, %mul3A_619 : vector<128x128xf32>
    %max3A_625 = arith.constant 9.99999971E-10 : f32
    %max3A_626 = vector.broadcast %max3A_625 : f32 to vector<128x128xf32>
    %max3A_627 = arith.maximumf %sub3A_624, %max3A_626 : vector<128x128xf32>
    %div3A_628 = arith.divf %mul3A_619, %max3A_627 : vector<128x128xf32>
    %gt3A_629 = arith.constant 3.000000e-01 : f32
    %gt3A_630 = vector.broadcast %gt3A_629 : f32 to vector<128x128xf32>
    %gt3A_631 = arith.cmpf ogt, %div3A_628, %gt3A_630 : vector<128x128xf32>
    %convert_element_type3A_632 = arith.extui %gt3A_631 : vector<128x128xi1> to vector<128x128xi8>
    %swap3A_633 = arith.index_cast %arg0 : i32 to index
    %swap3A_634 = arith.constant 128 : index
    %swap3A_635 = arith.constant 640 : index
    %swap3A_636 = vector.load %arg7[%swap3A_633, %swap3A_634, %swap3A_635] : memref<20x1024x1024xi8, #tpu.memory_space<vmem>>, vector<1x128x128xi8>
    %swap3A_637 = vector.shape_cast %swap3A_636 : vector<1x128x128xi8> to vector<128x128xi8>
    %swap3A_638 = vector.shape_cast %convert_element_type3A_632 : vector<128x128xi8> to vector<1x128x128xi8>
    tpu.vector_store %arg7[%swap3A_633, %swap3A_634, %swap3A_635], %swap3A_638 {strides = array<i32>} : memref<20x1024x1024xi8, #tpu.memory_space<vmem>>, vector<1x128x128xi8>,
    %slice3A_639 = vector.extract_strided_slice %slice3A_29 {offsets = [0, 768], sizes = [1, 128], strides = [1, 1]} : vector<1x1024xf32> to vector<1x128xf32>
    %max3A_640 = vector.broadcast %slice3A_412 : vector<128x1xf32> to vector<128x128xf32>
    %max3A_641 = vector.broadcast %slice3A_639 : vector<1x128xf32> to vector<128x128xf32>
    %max3A_642 = arith.maximumf %max3A_640, %max3A_641 : vector<128x128xf32>
    %slice3A_643 = vector.extract_strided_slice %slice3A_30 {offsets = [0, 768], sizes = [1, 128], strides = [1, 1]} : vector<1x1024xf32> to vector<1x128xf32>
    %max3A_644 = vector.broadcast %slice3A_413 : vector<128x1xf32> to vector<128x128xf32>
    %max3A_645 = vector.broadcast %slice3A_643 : vector<1x128xf32> to vector<128x128xf32>
    %max3A_646 = arith.maximumf %max3A_644, %max3A_645 : vector<128x128xf32>
    %slice3A_647 = vector.extract_strided_slice %slice3A_31 {offsets = [0, 768], sizes = [1, 128], strides = [1, 1]} : vector<1x1024xf32> to vector<1x128xf32>
    %min3A_648 = vector.broadcast %slice3A_414 : vector<128x1xf32> to vector<128x128xf32>
    %min3A_649 = vector.broadcast %slice3A_647 : vector<1x128xf32> to vector<128x128xf32>
    %min3A_650 = arith.minimumf %min3A_648, %min3A_649 : vector<128x128xf32>
    %slice3A_651 = vector.extract_strided_slice %slice3A_32 {offsets = [0, 768], sizes = [1, 128], strides = [1, 1]} : vector<1x1024xf32> to vector<1x128xf32>
    %min3A_652 = vector.broadcast %slice3A_415 : vector<128x1xf32> to vector<128x128xf32>
    %min3A_653 = vector.broadcast %slice3A_651 : vector<1x128xf32> to vector<128x128xf32>
    %min3A_654 = arith.minimumf %min3A_652, %min3A_653 : vector<128x128xf32>
    %sub3A_655 = arith.subf %min3A_650, %max3A_642 : vector<128x128xf32>
    %jit3A_656 = arith.constant 0.000000e+00 : f32
    %max3A_657 = vector.broadcast %jit3A_656 : f32 to vector<128x128xf32>
    %max3A_658 = arith.maximumf %max3A_657, %sub3A_655 : vector<128x128xf32>
    %sub3A_659 = arith.subf %min3A_654, %max3A_646 : vector<128x128xf32>
    %jit3A_660 = arith.constant 0.000000e+00 : f32
    %max3A_661 = vector.broadcast %jit3A_660 : f32 to vector<128x128xf32>
    %max3A_662 = arith.maximumf %max3A_661, %sub3A_659 : vector<128x128xf32>
    %mul3A_663 = arith.mulf %max3A_658, %max3A_662 : vector<128x128xf32>
    %slice3A_664 = vector.extract_strided_slice %mul3A_48 {offsets = [0, 768], sizes = [1, 128], strides = [1, 1]} : vector<1x1024xf32> to vector<1x128xf32>
    %add3A_665 = vector.broadcast %slice3A_416 : vector<128x1xf32> to vector<128x128xf32>
    %add3A_666 = vector.broadcast %slice3A_664 : vector<1x128xf32> to vector<128x128xf32>
    %add3A_667 = arith.addf %add3A_665, %add3A_666 : vector<128x128xf32>
    %sub3A_668 = arith.subf %add3A_667, %mul3A_663 : vector<128x128xf32>
    %max3A_669 = arith.constant 9.99999971E-10 : f32
    %max3A_670 = vector.broadcast %max3A_669 : f32 to vector<128x128xf32>
    %max3A_671 = arith.maximumf %sub3A_668, %max3A_670 : vector<128x128xf32>
    %div3A_672 = arith.divf %mul3A_663, %max3A_671 : vector<128x128xf32>
    %gt3A_673 = arith.constant 3.000000e-01 : f32
    %gt3A_674 = vector.broadcast %gt3A_673 : f32 to vector<128x128xf32>
    %gt3A_675 = arith.cmpf ogt, %div3A_672, %gt3A_674 : vector<128x128xf32>
    %convert_element_type3A_676 = arith.extui %gt3A_675 : vector<128x128xi1> to vector<128x128xi8>
    %swap3A_677 = arith.index_cast %arg0 : i32 to index
    %swap3A_678 = arith.constant 128 : index
    %swap3A_679 = arith.constant 768 : index
    %swap3A_680 = vector.load %arg7[%swap3A_677, %swap3A_678, %swap3A_679] : memref<20x1024x1024xi8, #tpu.memory_space<vmem>>, vector<1x128x128xi8>
    %swap3A_681 = vector.shape_cast %swap3A_680 : vector<1x128x128xi8> to vector<128x128xi8>
    %swap3A_682 = vector.shape_cast %convert_element_type3A_676 : vector<128x128xi8> to vector<1x128x128xi8>
    tpu.vector_store %arg7[%swap3A_677, %swap3A_678, %swap3A_679], %swap3A_682 {strides = array<i32>} : memref<20x1024x1024xi8, #tpu.memory_space<vmem>>, vector<1x128x128xi8>,
    %slice3A_683 = vector.extract_strided_slice %slice3A_29 {offsets = [0, 896], sizes = [1, 128], strides = [1, 1]} : vector<1x1024xf32> to vector<1x128xf32>
    %max3A_684 = vector.broadcast %slice3A_412 : vector<128x1xf32> to vector<128x128xf32>
    %max3A_685 = vector.broadcast %slice3A_683 : vector<1x128xf32> to vector<128x128xf32>
    %max3A_686 = arith.maximumf %max3A_684, %max3A_685 : vector<128x128xf32>
    %slice3A_687 = vector.extract_strided_slice %slice3A_30 {offsets = [0, 896], sizes = [1, 128], strides = [1, 1]} : vector<1x1024xf32> to vector<1x128xf32>
    %max3A_688 = vector.broadcast %slice3A_413 : vector<128x1xf32> to vector<128x128xf32>
    %max3A_689 = vector.broadcast %slice3A_687 : vector<1x128xf32> to vector<128x128xf32>
    %max3A_690 = arith.maximumf %max3A_688, %max3A_689 : vector<128x128xf32>
    %slice3A_691 = vector.extract_strided_slice %slice3A_31 {offsets = [0, 896], sizes = [1, 128], strides = [1, 1]} : vector<1x1024xf32> to vector<1x128xf32>
    %min3A_692 = vector.broadcast %slice3A_414 : vector<128x1xf32> to vector<128x128xf32>
    %min3A_693 = vector.broadcast %slice3A_691 : vector<1x128xf32> to vector<128x128xf32>
    %min3A_694 = arith.minimumf %min3A_692, %min3A_693 : vector<128x128xf32>
    %slice3A_695 = vector.extract_strided_slice %slice3A_32 {offsets = [0, 896], sizes = [1, 128], strides = [1, 1]} : vector<1x1024xf32> to vector<1x128xf32>
    %min3A_696 = vector.broadcast %slice3A_415 : vector<128x1xf32> to vector<128x128xf32>
    %min3A_697 = vector.broadcast %slice3A_695 : vector<1x128xf32> to vector<128x128xf32>
    %min3A_698 = arith.minimumf %min3A_696, %min3A_697 : vector<128x128xf32>
    %sub3A_699 = arith.subf %min3A_694, %max3A_686 : vector<128x128xf32>
    %jit3A_700 = arith.constant 0.000000e+00 : f32
    %max3A_701 = vector.broadcast %jit3A_700 : f32 to vector<128x128xf32>
    %max3A_702 = arith.maximumf %max3A_701, %sub3A_699 : vector<128x128xf32>
    %sub3A_703 = arith.subf %min3A_698, %max3A_690 : vector<128x128xf32>
    %jit3A_704 = arith.constant 0.000000e+00 : f32
    %max3A_705 = vector.broadcast %jit3A_704 : f32 to vector<128x128xf32>
    %max3A_706 = arith.maximumf %max3A_705, %sub3A_703 : vector<128x128xf32>
    %mul3A_707 = arith.mulf %max3A_702, %max3A_706 : vector<128x128xf32>
    %slice3A_708 = vector.extract_strided_slice %mul3A_48 {offsets = [0, 896], sizes = [1, 128], strides = [1, 1]} : vector<1x1024xf32> to vector<1x128xf32>
    %add3A_709 = vector.broadcast %slice3A_416 : vector<128x1xf32> to vector<128x128xf32>
    %add3A_710 = vector.broadcast %slice3A_708 : vector<1x128xf32> to vector<128x128xf32>
    %add3A_711 = arith.addf %add3A_709, %add3A_710 : vector<128x128xf32>
    %sub3A_712 = arith.subf %add3A_711, %mul3A_707 : vector<128x128xf32>
    %max3A_713 = arith.constant 9.99999971E-10 : f32
    %max3A_714 = vector.broadcast %max3A_713 : f32 to vector<128x128xf32>
    %max3A_715 = arith.maximumf %sub3A_712, %max3A_714 : vector<128x128xf32>
    %div3A_716 = arith.divf %mul3A_707, %max3A_715 : vector<128x128xf32>
    %gt3A_717 = arith.constant 3.000000e-01 : f32
    %gt3A_718 = vector.broadcast %gt3A_717 : f32 to vector<128x128xf32>
    %gt3A_719 = arith.cmpf ogt, %div3A_716, %gt3A_718 : vector<128x128xf32>
    %convert_element_type3A_720 = arith.extui %gt3A_719 : vector<128x128xi1> to vector<128x128xi8>
    %swap3A_721 = arith.index_cast %arg0 : i32 to index
    %swap3A_722 = arith.constant 128 : index
    %swap3A_723 = arith.constant 896 : index
    %swap3A_724 = vector.load %arg7[%swap3A_721, %swap3A_722, %swap3A_723] : memref<20x1024x1024xi8, #tpu.memory_space<vmem>>, vector<1x128x128xi8>
    %swap3A_725 = vector.shape_cast %swap3A_724 : vector<1x128x128xi8> to vector<128x128xi8>
    %swap3A_726 = vector.shape_cast %convert_element_type3A_720 : vector<128x128xi8> to vector<1x128x128xi8>
    tpu.vector_store %arg7[%swap3A_721, %swap3A_722, %swap3A_723], %swap3A_726 {strides = array<i32>} : memref<20x1024x1024xi8, #tpu.memory_space<vmem>>, vector<1x128x128xi8>,
    %slice3A_727 = vector.extract_strided_slice %slice3A_33 {offsets = [256, 0], sizes = [128, 1], strides = [1, 1]} : vector<1024x1xf32> to vector<128x1xf32>
    %slice3A_728 = vector.extract_strided_slice %slice3A_34 {offsets = [256, 0], sizes = [128, 1], strides = [1, 1]} : vector<1024x1xf32> to vector<128x1xf32>
    %slice3A_729 = vector.extract_strided_slice %slice3A_35 {offsets = [256, 0], sizes = [128, 1], strides = [1, 1]} : vector<1024x1xf32> to vector<128x1xf32>
    %slice3A_730 = vector.extract_strided_slice %slice3A_36 {offsets = [256, 0], sizes = [128, 1], strides = [1, 1]} : vector<1024x1xf32> to vector<128x1xf32>
    %slice3A_731 = vector.extract_strided_slice %mul3A {offsets = [256, 0], sizes = [128, 1], strides = [1, 1]} : vector<1024x1xf32> to vector<128x1xf32>
    %slice3A_732 = vector.extract_strided_slice %slice3A_29 {offsets = [0, 256], sizes = [1, 128], strides = [1, 1]} : vector<1x1024xf32> to vector<1x128xf32>
    %max3A_733 = vector.broadcast %slice3A_727 : vector<128x1xf32> to vector<128x128xf32>
    %max3A_734 = vector.broadcast %slice3A_732 : vector<1x128xf32> to vector<128x128xf32>
    %max3A_735 = arith.maximumf %max3A_733, %max3A_734 : vector<128x128xf32>
    %slice3A_736 = vector.extract_strided_slice %slice3A_30 {offsets = [0, 256], sizes = [1, 128], strides = [1, 1]} : vector<1x1024xf32> to vector<1x128xf32>
    %max3A_737 = vector.broadcast %slice3A_728 : vector<128x1xf32> to vector<128x128xf32>
    %max3A_738 = vector.broadcast %slice3A_736 : vector<1x128xf32> to vector<128x128xf32>
    %max3A_739 = arith.maximumf %max3A_737, %max3A_738 : vector<128x128xf32>
    %slice3A_740 = vector.extract_strided_slice %slice3A_31 {offsets = [0, 256], sizes = [1, 128], strides = [1, 1]} : vector<1x1024xf32> to vector<1x128xf32>
    %min3A_741 = vector.broadcast %slice3A_729 : vector<128x1xf32> to vector<128x128xf32>
    %min3A_742 = vector.broadcast %slice3A_740 : vector<1x128xf32> to vector<128x128xf32>
    %min3A_743 = arith.minimumf %min3A_741, %min3A_742 : vector<128x128xf32>
    %slice3A_744 = vector.extract_strided_slice %slice3A_32 {offsets = [0, 256], sizes = [1, 128], strides = [1, 1]} : vector<1x1024xf32> to vector<1x128xf32>
    %min3A_745 = vector.broadcast %slice3A_730 : vector<128x1xf32> to vector<128x128xf32>
    %min3A_746 = vector.broadcast %slice3A_744 : vector<1x128xf32> to vector<128x128xf32>
    %min3A_747 = arith.minimumf %min3A_745, %min3A_746 : vector<128x128xf32>
    %sub3A_748 = arith.subf %min3A_743, %max3A_735 : vector<128x128xf32>
    %jit3A_749 = arith.constant 0.000000e+00 : f32
    %max3A_750 = vector.broadcast %jit3A_749 : f32 to vector<128x128xf32>
    %max3A_751 = arith.maximumf %max3A_750, %sub3A_748 : vector<128x128xf32>
    %sub3A_752 = arith.subf %min3A_747, %max3A_739 : vector<128x128xf32>
    %jit3A_753 = arith.constant 0.000000e+00 : f32
    %max3A_754 = vector.broadcast %jit3A_753 : f32 to vector<128x128xf32>
    %max3A_755 = arith.maximumf %max3A_754, %sub3A_752 : vector<128x128xf32>
    %mul3A_756 = arith.mulf %max3A_751, %max3A_755 : vector<128x128xf32>
    %slice3A_757 = vector.extract_strided_slice %mul3A_48 {offsets = [0, 256], sizes = [1, 128], strides = [1, 1]} : vector<1x1024xf32> to vector<1x128xf32>
    %add3A_758 = vector.broadcast %slice3A_731 : vector<128x1xf32> to vector<128x128xf32>
    %add3A_759 = vector.broadcast %slice3A_757 : vector<1x128xf32> to vector<128x128xf32>
    %add3A_760 = arith.addf %add3A_758, %add3A_759 : vector<128x128xf32>
    %sub3A_761 = arith.subf %add3A_760, %mul3A_756 : vector<128x128xf32>
    %max3A_762 = arith.constant 9.99999971E-10 : f32
    %max3A_763 = vector.broadcast %max3A_762 : f32 to vector<128x128xf32>
    %max3A_764 = arith.maximumf %sub3A_761, %max3A_763 : vector<128x128xf32>
    %div3A_765 = arith.divf %mul3A_756, %max3A_764 : vector<128x128xf32>
    %gt3A_766 = arith.constant 3.000000e-01 : f32
    %gt3A_767 = vector.broadcast %gt3A_766 : f32 to vector<128x128xf32>
    %gt3A_768 = arith.cmpf ogt, %div3A_765, %gt3A_767 : vector<128x128xf32>
    %gt3A_769 = arith.cmpi sgt, %iota3A_57, %iota3A_56 : vector<128x128xi32>
    %and3A_770 = arith.andi %gt3A_768, %gt3A_769 : vector<128x128xi1>
    %convert_element_type3A_771 = arith.extui %and3A_770 : vector<128x128xi1> to vector<128x128xi8>
    %swap3A_772 = arith.index_cast %arg0 : i32 to index
    %swap3A_773 = arith.constant 256 : index
    %swap3A_774 = arith.constant 256 : index
    %swap3A_775 = vector.load %arg7[%swap3A_772, %swap3A_773, %swap3A_774] : memref<20x1024x1024xi8, #tpu.memory_space<vmem>>, vector<1x128x128xi8>
    %swap3A_776 = vector.shape_cast %swap3A_775 : vector<1x128x128xi8> to vector<128x128xi8>
    %swap3A_777 = vector.shape_cast %convert_element_type3A_771 : vector<128x128xi8> to vector<1x128x128xi8>
    tpu.vector_store %arg7[%swap3A_772, %swap3A_773, %swap3A_774], %swap3A_777 {strides = array<i32>} : memref<20x1024x1024xi8, #tpu.memory_space<vmem>>, vector<1x128x128xi8>,
    %slice3A_778 = vector.extract_strided_slice %slice3A_29 {offsets = [0, 384], sizes = [1, 128], strides = [1, 1]} : vector<1x1024xf32> to vector<1x128xf32>
    %max3A_779 = vector.broadcast %slice3A_727 : vector<128x1xf32> to vector<128x128xf32>
    %max3A_780 = vector.broadcast %slice3A_778 : vector<1x128xf32> to vector<128x128xf32>
    %max3A_781 = arith.maximumf %max3A_779, %max3A_780 : vector<128x128xf32>
    %slice3A_782 = vector.extract_strided_slice %slice3A_30 {offsets = [0, 384], sizes = [1, 128], strides = [1, 1]} : vector<1x1024xf32> to vector<1x128xf32>
    %max3A_783 = vector.broadcast %slice3A_728 : vector<128x1xf32> to vector<128x128xf32>
    %max3A_784 = vector.broadcast %slice3A_782 : vector<1x128xf32> to vector<128x128xf32>
    %max3A_785 = arith.maximumf %max3A_783, %max3A_784 : vector<128x128xf32>
    %slice3A_786 = vector.extract_strided_slice %slice3A_31 {offsets = [0, 384], sizes = [1, 128], strides = [1, 1]} : vector<1x1024xf32> to vector<1x128xf32>
    %min3A_787 = vector.broadcast %slice3A_729 : vector<128x1xf32> to vector<128x128xf32>
    %min3A_788 = vector.broadcast %slice3A_786 : vector<1x128xf32> to vector<128x128xf32>
    %min3A_789 = arith.minimumf %min3A_787, %min3A_788 : vector<128x128xf32>
    %slice3A_790 = vector.extract_strided_slice %slice3A_32 {offsets = [0, 384], sizes = [1, 128], strides = [1, 1]} : vector<1x1024xf32> to vector<1x128xf32>
    %min3A_791 = vector.broadcast %slice3A_730 : vector<128x1xf32> to vector<128x128xf32>
    %min3A_792 = vector.broadcast %slice3A_790 : vector<1x128xf32> to vector<128x128xf32>
    %min3A_793 = arith.minimumf %min3A_791, %min3A_792 : vector<128x128xf32>
    %sub3A_794 = arith.subf %min3A_789, %max3A_781 : vector<128x128xf32>
    %jit3A_795 = arith.constant 0.000000e+00 : f32
    %max3A_796 = vector.broadcast %jit3A_795 : f32 to vector<128x128xf32>
    %max3A_797 = arith.maximumf %max3A_796, %sub3A_794 : vector<128x128xf32>
    %sub3A_798 = arith.subf %min3A_793, %max3A_785 : vector<128x128xf32>
    %jit3A_799 = arith.constant 0.000000e+00 : f32
    %max3A_800 = vector.broadcast %jit3A_799 : f32 to vector<128x128xf32>
    %max3A_801 = arith.maximumf %max3A_800, %sub3A_798 : vector<128x128xf32>
    %mul3A_802 = arith.mulf %max3A_797, %max3A_801 : vector<128x128xf32>
    %slice3A_803 = vector.extract_strided_slice %mul3A_48 {offsets = [0, 384], sizes = [1, 128], strides = [1, 1]} : vector<1x1024xf32> to vector<1x128xf32>
    %add3A_804 = vector.broadcast %slice3A_731 : vector<128x1xf32> to vector<128x128xf32>
    %add3A_805 = vector.broadcast %slice3A_803 : vector<1x128xf32> to vector<128x128xf32>
    %add3A_806 = arith.addf %add3A_804, %add3A_805 : vector<128x128xf32>
    %sub3A_807 = arith.subf %add3A_806, %mul3A_802 : vector<128x128xf32>
    %max3A_808 = arith.constant 9.99999971E-10 : f32
    %max3A_809 = vector.broadcast %max3A_808 : f32 to vector<128x128xf32>
    %max3A_810 = arith.maximumf %sub3A_807, %max3A_809 : vector<128x128xf32>
    %div3A_811 = arith.divf %mul3A_802, %max3A_810 : vector<128x128xf32>
    %gt3A_812 = arith.constant 3.000000e-01 : f32
    %gt3A_813 = vector.broadcast %gt3A_812 : f32 to vector<128x128xf32>
    %gt3A_814 = arith.cmpf ogt, %div3A_811, %gt3A_813 : vector<128x128xf32>
    %convert_element_type3A_815 = arith.extui %gt3A_814 : vector<128x128xi1> to vector<128x128xi8>
    %swap3A_816 = arith.index_cast %arg0 : i32 to index
    %swap3A_817 = arith.constant 256 : index
    %swap3A_818 = arith.constant 384 : index
    %swap3A_819 = vector.load %arg7[%swap3A_816, %swap3A_817, %swap3A_818] : memref<20x1024x1024xi8, #tpu.memory_space<vmem>>, vector<1x128x128xi8>
    %swap3A_820 = vector.shape_cast %swap3A_819 : vector<1x128x128xi8> to vector<128x128xi8>
    %swap3A_821 = vector.shape_cast %convert_element_type3A_815 : vector<128x128xi8> to vector<1x128x128xi8>
    tpu.vector_store %arg7[%swap3A_816, %swap3A_817, %swap3A_818], %swap3A_821 {strides = array<i32>} : memref<20x1024x1024xi8, #tpu.memory_space<vmem>>, vector<1x128x128xi8>,
    %slice3A_822 = vector.extract_strided_slice %slice3A_29 {offsets = [0, 512], sizes = [1, 128], strides = [1, 1]} : vector<1x1024xf32> to vector<1x128xf32>
    %max3A_823 = vector.broadcast %slice3A_727 : vector<128x1xf32> to vector<128x128xf32>
    %max3A_824 = vector.broadcast %slice3A_822 : vector<1x128xf32> to vector<128x128xf32>
    %max3A_825 = arith.maximumf %max3A_823, %max3A_824 : vector<128x128xf32>
    %slice3A_826 = vector.extract_strided_slice %slice3A_30 {offsets = [0, 512], sizes = [1, 128], strides = [1, 1]} : vector<1x1024xf32> to vector<1x128xf32>
    %max3A_827 = vector.broadcast %slice3A_728 : vector<128x1xf32> to vector<128x128xf32>
    %max3A_828 = vector.broadcast %slice3A_826 : vector<1x128xf32> to vector<128x128xf32>
    %max3A_829 = arith.maximumf %max3A_827, %max3A_828 : vector<128x128xf32>
    %slice3A_830 = vector.extract_strided_slice %slice3A_31 {offsets = [0, 512], sizes = [1, 128], strides = [1, 1]} : vector<1x1024xf32> to vector<1x128xf32>
    %min3A_831 = vector.broadcast %slice3A_729 : vector<128x1xf32> to vector<128x128xf32>
    %min3A_832 = vector.broadcast %slice3A_830 : vector<1x128xf32> to vector<128x128xf32>
    %min3A_833 = arith.minimumf %min3A_831, %min3A_832 : vector<128x128xf32>
    %slice3A_834 = vector.extract_strided_slice %slice3A_32 {offsets = [0, 512], sizes = [1, 128], strides = [1, 1]} : vector<1x1024xf32> to vector<1x128xf32>
    %min3A_835 = vector.broadcast %slice3A_730 : vector<128x1xf32> to vector<128x128xf32>
    %min3A_836 = vector.broadcast %slice3A_834 : vector<1x128xf32> to vector<128x128xf32>
    %min3A_837 = arith.minimumf %min3A_835, %min3A_836 : vector<128x128xf32>
    %sub3A_838 = arith.subf %min3A_833, %max3A_825 : vector<128x128xf32>
    %jit3A_839 = arith.constant 0.000000e+00 : f32
    %max3A_840 = vector.broadcast %jit3A_839 : f32 to vector<128x128xf32>
    %max3A_841 = arith.maximumf %max3A_840, %sub3A_838 : vector<128x128xf32>
    %sub3A_842 = arith.subf %min3A_837, %max3A_829 : vector<128x128xf32>
    %jit3A_843 = arith.constant 0.000000e+00 : f32
    %max3A_844 = vector.broadcast %jit3A_843 : f32 to vector<128x128xf32>
    %max3A_845 = arith.maximumf %max3A_844, %sub3A_842 : vector<128x128xf32>
    %mul3A_846 = arith.mulf %max3A_841, %max3A_845 : vector<128x128xf32>
    %slice3A_847 = vector.extract_strided_slice %mul3A_48 {offsets = [0, 512], sizes = [1, 128], strides = [1, 1]} : vector<1x1024xf32> to vector<1x128xf32>
    %add3A_848 = vector.broadcast %slice3A_731 : vector<128x1xf32> to vector<128x128xf32>
    %add3A_849 = vector.broadcast %slice3A_847 : vector<1x128xf32> to vector<128x128xf32>
    %add3A_850 = arith.addf %add3A_848, %add3A_849 : vector<128x128xf32>
    %sub3A_851 = arith.subf %add3A_850, %mul3A_846 : vector<128x128xf32>
    %max3A_852 = arith.constant 9.99999971E-10 : f32
    %max3A_853 = vector.broadcast %max3A_852 : f32 to vector<128x128xf32>
    %max3A_854 = arith.maximumf %sub3A_851, %max3A_853 : vector<128x128xf32>
    %div3A_855 = arith.divf %mul3A_846, %max3A_854 : vector<128x128xf32>
    %gt3A_856 = arith.constant 3.000000e-01 : f32
    %gt3A_857 = vector.broadcast %gt3A_856 : f32 to vector<128x128xf32>
    %gt3A_858 = arith.cmpf ogt, %div3A_855, %gt3A_857 : vector<128x128xf32>
    %convert_element_type3A_859 = arith.extui %gt3A_858 : vector<128x128xi1> to vector<128x128xi8>
    %swap3A_860 = arith.index_cast %arg0 : i32 to index
    %swap3A_861 = arith.constant 256 : index
    %swap3A_862 = arith.constant 512 : index
    %swap3A_863 = vector.load %arg7[%swap3A_860, %swap3A_861, %swap3A_862] : memref<20x1024x1024xi8, #tpu.memory_space<vmem>>, vector<1x128x128xi8>
    %swap3A_864 = vector.shape_cast %swap3A_863 : vector<1x128x128xi8> to vector<128x128xi8>
    %swap3A_865 = vector.shape_cast %convert_element_type3A_859 : vector<128x128xi8> to vector<1x128x128xi8>
    tpu.vector_store %arg7[%swap3A_860, %swap3A_861, %swap3A_862], %swap3A_865 {strides = array<i32>} : memref<20x1024x1024xi8, #tpu.memory_space<vmem>>, vector<1x128x128xi8>,
    %slice3A_866 = vector.extract_strided_slice %slice3A_29 {offsets = [0, 640], sizes = [1, 128], strides = [1, 1]} : vector<1x1024xf32> to vector<1x128xf32>
    %max3A_867 = vector.broadcast %slice3A_727 : vector<128x1xf32> to vector<128x128xf32>
    %max3A_868 = vector.broadcast %slice3A_866 : vector<1x128xf32> to vector<128x128xf32>
    %max3A_869 = arith.maximumf %max3A_867, %max3A_868 : vector<128x128xf32>
    %slice3A_870 = vector.extract_strided_slice %slice3A_30 {offsets = [0, 640], sizes = [1, 128], strides = [1, 1]} : vector<1x1024xf32> to vector<1x128xf32>
    %max3A_871 = vector.broadcast %slice3A_728 : vector<128x1xf32> to vector<128x128xf32>
    %max3A_872 = vector.broadcast %slice3A_870 : vector<1x128xf32> to vector<128x128xf32>
    %max3A_873 = arith.maximumf %max3A_871, %max3A_872 : vector<128x128xf32>
    %slice3A_874 = vector.extract_strided_slice %slice3A_31 {offsets = [0, 640], sizes = [1, 128], strides = [1, 1]} : vector<1x1024xf32> to vector<1x128xf32>
    %min3A_875 = vector.broadcast %slice3A_729 : vector<128x1xf32> to vector<128x128xf32>
    %min3A_876 = vector.broadcast %slice3A_874 : vector<1x128xf32> to vector<128x128xf32>
    %min3A_877 = arith.minimumf %min3A_875, %min3A_876 : vector<128x128xf32>
    %slice3A_878 = vector.extract_strided_slice %slice3A_32 {offsets = [0, 640], sizes = [1, 128], strides = [1, 1]} : vector<1x1024xf32> to vector<1x128xf32>
    %min3A_879 = vector.broadcast %slice3A_730 : vector<128x1xf32> to vector<128x128xf32>
    %min3A_880 = vector.broadcast %slice3A_878 : vector<1x128xf32> to vector<128x128xf32>
    %min3A_881 = arith.minimumf %min3A_879, %min3A_880 : vector<128x128xf32>
    %sub3A_882 = arith.subf %min3A_877, %max3A_869 : vector<128x128xf32>
    %jit3A_883 = arith.constant 0.000000e+00 : f32
    %max3A_884 = vector.broadcast %jit3A_883 : f32 to vector<128x128xf32>
    %max3A_885 = arith.maximumf %max3A_884, %sub3A_882 : vector<128x128xf32>
    %sub3A_886 = arith.subf %min3A_881, %max3A_873 : vector<128x128xf32>
    %jit3A_887 = arith.constant 0.000000e+00 : f32
    %max3A_888 = vector.broadcast %jit3A_887 : f32 to vector<128x128xf32>
    %max3A_889 = arith.maximumf %max3A_888, %sub3A_886 : vector<128x128xf32>
    %mul3A_890 = arith.mulf %max3A_885, %max3A_889 : vector<128x128xf32>
    %slice3A_891 = vector.extract_strided_slice %mul3A_48 {offsets = [0, 640], sizes = [1, 128], strides = [1, 1]} : vector<1x1024xf32> to vector<1x128xf32>
    %add3A_892 = vector.broadcast %slice3A_731 : vector<128x1xf32> to vector<128x128xf32>
    %add3A_893 = vector.broadcast %slice3A_891 : vector<1x128xf32> to vector<128x128xf32>
    %add3A_894 = arith.addf %add3A_892, %add3A_893 : vector<128x128xf32>
    %sub3A_895 = arith.subf %add3A_894, %mul3A_890 : vector<128x128xf32>
    %max3A_896 = arith.constant 9.99999971E-10 : f32
    %max3A_897 = vector.broadcast %max3A_896 : f32 to vector<128x128xf32>
    %max3A_898 = arith.maximumf %sub3A_895, %max3A_897 : vector<128x128xf32>
    %div3A_899 = arith.divf %mul3A_890, %max3A_898 : vector<128x128xf32>
    %gt3A_900 = arith.constant 3.000000e-01 : f32
    %gt3A_901 = vector.broadcast %gt3A_900 : f32 to vector<128x128xf32>
    %gt3A_902 = arith.cmpf ogt, %div3A_899, %gt3A_901 : vector<128x128xf32>
    %convert_element_type3A_903 = arith.extui %gt3A_902 : vector<128x128xi1> to vector<128x128xi8>
    %swap3A_904 = arith.index_cast %arg0 : i32 to index
    %swap3A_905 = arith.constant 256 : index
    %swap3A_906 = arith.constant 640 : index
    %swap3A_907 = vector.load %arg7[%swap3A_904, %swap3A_905, %swap3A_906] : memref<20x1024x1024xi8, #tpu.memory_space<vmem>>, vector<1x128x128xi8>
    %swap3A_908 = vector.shape_cast %swap3A_907 : vector<1x128x128xi8> to vector<128x128xi8>
    %swap3A_909 = vector.shape_cast %convert_element_type3A_903 : vector<128x128xi8> to vector<1x128x128xi8>
    tpu.vector_store %arg7[%swap3A_904, %swap3A_905, %swap3A_906], %swap3A_909 {strides = array<i32>} : memref<20x1024x1024xi8, #tpu.memory_space<vmem>>, vector<1x128x128xi8>,
    %slice3A_910 = vector.extract_strided_slice %slice3A_29 {offsets = [0, 768], sizes = [1, 128], strides = [1, 1]} : vector<1x1024xf32> to vector<1x128xf32>
    %max3A_911 = vector.broadcast %slice3A_727 : vector<128x1xf32> to vector<128x128xf32>
    %max3A_912 = vector.broadcast %slice3A_910 : vector<1x128xf32> to vector<128x128xf32>
    %max3A_913 = arith.maximumf %max3A_911, %max3A_912 : vector<128x128xf32>
    %slice3A_914 = vector.extract_strided_slice %slice3A_30 {offsets = [0, 768], sizes = [1, 128], strides = [1, 1]} : vector<1x1024xf32> to vector<1x128xf32>
    %max3A_915 = vector.broadcast %slice3A_728 : vector<128x1xf32> to vector<128x128xf32>
    %max3A_916 = vector.broadcast %slice3A_914 : vector<1x128xf32> to vector<128x128xf32>
    %max3A_917 = arith.maximumf %max3A_915, %max3A_916 : vector<128x128xf32>
    %slice3A_918 = vector.extract_strided_slice %slice3A_31 {offsets = [0, 768], sizes = [1, 128], strides = [1, 1]} : vector<1x1024xf32> to vector<1x128xf32>
    %min3A_919 = vector.broadcast %slice3A_729 : vector<128x1xf32> to vector<128x128xf32>
    %min3A_920 = vector.broadcast %slice3A_918 : vector<1x128xf32> to vector<128x128xf32>
    %min3A_921 = arith.minimumf %min3A_919, %min3A_920 : vector<128x128xf32>
    %slice3A_922 = vector.extract_strided_slice %slice3A_32 {offsets = [0, 768], sizes = [1, 128], strides = [1, 1]} : vector<1x1024xf32> to vector<1x128xf32>
    %min3A_923 = vector.broadcast %slice3A_730 : vector<128x1xf32> to vector<128x128xf32>
    %min3A_924 = vector.broadcast %slice3A_922 : vector<1x128xf32> to vector<128x128xf32>
    %min3A_925 = arith.minimumf %min3A_923, %min3A_924 : vector<128x128xf32>
    %sub3A_926 = arith.subf %min3A_921, %max3A_913 : vector<128x128xf32>
    %jit3A_927 = arith.constant 0.000000e+00 : f32
    %max3A_928 = vector.broadcast %jit3A_927 : f32 to vector<128x128xf32>
    %max3A_929 = arith.maximumf %max3A_928, %sub3A_926 : vector<128x128xf32>
    %sub3A_930 = arith.subf %min3A_925, %max3A_917 : vector<128x128xf32>
    %jit3A_931 = arith.constant 0.000000e+00 : f32
    %max3A_932 = vector.broadcast %jit3A_931 : f32 to vector<128x128xf32>
    %max3A_933 = arith.maximumf %max3A_932, %sub3A_930 : vector<128x128xf32>
    %mul3A_934 = arith.mulf %max3A_929, %max3A_933 : vector<128x128xf32>
    %slice3A_935 = vector.extract_strided_slice %mul3A_48 {offsets = [0, 768], sizes = [1, 128], strides = [1, 1]} : vector<1x1024xf32> to vector<1x128xf32>
    %add3A_936 = vector.broadcast %slice3A_731 : vector<128x1xf32> to vector<128x128xf32>
    %add3A_937 = vector.broadcast %slice3A_935 : vector<1x128xf32> to vector<128x128xf32>
    %add3A_938 = arith.addf %add3A_936, %add3A_937 : vector<128x128xf32>
    %sub3A_939 = arith.subf %add3A_938, %mul3A_934 : vector<128x128xf32>
    %max3A_940 = arith.constant 9.99999971E-10 : f32
    %max3A_941 = vector.broadcast %max3A_940 : f32 to vector<128x128xf32>
    %max3A_942 = arith.maximumf %sub3A_939, %max3A_941 : vector<128x128xf32>
    %div3A_943 = arith.divf %mul3A_934, %max3A_942 : vector<128x128xf32>
    %gt3A_944 = arith.constant 3.000000e-01 : f32
    %gt3A_945 = vector.broadcast %gt3A_944 : f32 to vector<128x128xf32>
    %gt3A_946 = arith.cmpf ogt, %div3A_943, %gt3A_945 : vector<128x128xf32>
    %convert_element_type3A_947 = arith.extui %gt3A_946 : vector<128x128xi1> to vector<128x128xi8>
    %swap3A_948 = arith.index_cast %arg0 : i32 to index
    %swap3A_949 = arith.constant 256 : index
    %swap3A_950 = arith.constant 768 : index
    %swap3A_951 = vector.load %arg7[%swap3A_948, %swap3A_949, %swap3A_950] : memref<20x1024x1024xi8, #tpu.memory_space<vmem>>, vector<1x128x128xi8>
    %swap3A_952 = vector.shape_cast %swap3A_951 : vector<1x128x128xi8> to vector<128x128xi8>
    %swap3A_953 = vector.shape_cast %convert_element_type3A_947 : vector<128x128xi8> to vector<1x128x128xi8>
    tpu.vector_store %arg7[%swap3A_948, %swap3A_949, %swap3A_950], %swap3A_953 {strides = array<i32>} : memref<20x1024x1024xi8, #tpu.memory_space<vmem>>, vector<1x128x128xi8>,
    %slice3A_954 = vector.extract_strided_slice %slice3A_29 {offsets = [0, 896], sizes = [1, 128], strides = [1, 1]} : vector<1x1024xf32> to vector<1x128xf32>
    %max3A_955 = vector.broadcast %slice3A_727 : vector<128x1xf32> to vector<128x128xf32>
    %max3A_956 = vector.broadcast %slice3A_954 : vector<1x128xf32> to vector<128x128xf32>
    %max3A_957 = arith.maximumf %max3A_955, %max3A_956 : vector<128x128xf32>
    %slice3A_958 = vector.extract_strided_slice %slice3A_30 {offsets = [0, 896], sizes = [1, 128], strides = [1, 1]} : vector<1x1024xf32> to vector<1x128xf32>
    %max3A_959 = vector.broadcast %slice3A_728 : vector<128x1xf32> to vector<128x128xf32>
    %max3A_960 = vector.broadcast %slice3A_958 : vector<1x128xf32> to vector<128x128xf32>
    %max3A_961 = arith.maximumf %max3A_959, %max3A_960 : vector<128x128xf32>
    %slice3A_962 = vector.extract_strided_slice %slice3A_31 {offsets = [0, 896], sizes = [1, 128], strides = [1, 1]} : vector<1x1024xf32> to vector<1x128xf32>
    %min3A_963 = vector.broadcast %slice3A_729 : vector<128x1xf32> to vector<128x128xf32>
    %min3A_964 = vector.broadcast %slice3A_962 : vector<1x128xf32> to vector<128x128xf32>
    %min3A_965 = arith.minimumf %min3A_963, %min3A_964 : vector<128x128xf32>
    %slice3A_966 = vector.extract_strided_slice %slice3A_32 {offsets = [0, 896], sizes = [1, 128], strides = [1, 1]} : vector<1x1024xf32> to vector<1x128xf32>
    %min3A_967 = vector.broadcast %slice3A_730 : vector<128x1xf32> to vector<128x128xf32>
    %min3A_968 = vector.broadcast %slice3A_966 : vector<1x128xf32> to vector<128x128xf32>
    %min3A_969 = arith.minimumf %min3A_967, %min3A_968 : vector<128x128xf32>
    %sub3A_970 = arith.subf %min3A_965, %max3A_957 : vector<128x128xf32>
    %jit3A_971 = arith.constant 0.000000e+00 : f32
    %max3A_972 = vector.broadcast %jit3A_971 : f32 to vector<128x128xf32>
    %max3A_973 = arith.maximumf %max3A_972, %sub3A_970 : vector<128x128xf32>
    %sub3A_974 = arith.subf %min3A_969, %max3A_961 : vector<128x128xf32>
    %jit3A_975 = arith.constant 0.000000e+00 : f32
    %max3A_976 = vector.broadcast %jit3A_975 : f32 to vector<128x128xf32>
    %max3A_977 = arith.maximumf %max3A_976, %sub3A_974 : vector<128x128xf32>
    %mul3A_978 = arith.mulf %max3A_973, %max3A_977 : vector<128x128xf32>
    %slice3A_979 = vector.extract_strided_slice %mul3A_48 {offsets = [0, 896], sizes = [1, 128], strides = [1, 1]} : vector<1x1024xf32> to vector<1x128xf32>
    %add3A_980 = vector.broadcast %slice3A_731 : vector<128x1xf32> to vector<128x128xf32>
    %add3A_981 = vector.broadcast %slice3A_979 : vector<1x128xf32> to vector<128x128xf32>
    %add3A_982 = arith.addf %add3A_980, %add3A_981 : vector<128x128xf32>
    %sub3A_983 = arith.subf %add3A_982, %mul3A_978 : vector<128x128xf32>
    %max3A_984 = arith.constant 9.99999971E-10 : f32
    %max3A_985 = vector.broadcast %max3A_984 : f32 to vector<128x128xf32>
    %max3A_986 = arith.maximumf %sub3A_983, %max3A_985 : vector<128x128xf32>
    %div3A_987 = arith.divf %mul3A_978, %max3A_986 : vector<128x128xf32>
    %gt3A_988 = arith.constant 3.000000e-01 : f32
    %gt3A_989 = vector.broadcast %gt3A_988 : f32 to vector<128x128xf32>
    %gt3A_990 = arith.cmpf ogt, %div3A_987, %gt3A_989 : vector<128x128xf32>
    %convert_element_type3A_991 = arith.extui %gt3A_990 : vector<128x128xi1> to vector<128x128xi8>
    %swap3A_992 = arith.index_cast %arg0 : i32 to index
    %swap3A_993 = arith.constant 256 : index
    %swap3A_994 = arith.constant 896 : index
    %swap3A_995 = vector.load %arg7[%swap3A_992, %swap3A_993, %swap3A_994] : memref<20x1024x1024xi8, #tpu.memory_space<vmem>>, vector<1x128x128xi8>
    %swap3A_996 = vector.shape_cast %swap3A_995 : vector<1x128x128xi8> to vector<128x128xi8>
    %swap3A_997 = vector.shape_cast %convert_element_type3A_991 : vector<128x128xi8> to vector<1x128x128xi8>
    tpu.vector_store %arg7[%swap3A_992, %swap3A_993, %swap3A_994], %swap3A_997 {strides = array<i32>} : memref<20x1024x1024xi8, #tpu.memory_space<vmem>>, vector<1x128x128xi8>,
    %slice3A_998 = vector.extract_strided_slice %slice3A_33 {offsets = [384, 0], sizes = [128, 1], strides = [1, 1]} : vector<1024x1xf32> to vector<128x1xf32>
    %slice3A_999 = vector.extract_strided_slice %slice3A_34 {offsets = [384, 0], sizes = [128, 1], strides = [1, 1]} : vector<1024x1xf32> to vector<128x1xf32>
    %slice3A_1000 = vector.extract_strided_slice %slice3A_35 {offsets = [384, 0], sizes = [128, 1], strides = [1, 1]} : vector<1024x1xf32> to vector<128x1xf32>
    %slice3A_1001 = vector.extract_strided_slice %slice3A_36 {offsets = [384, 0], sizes = [128, 1], strides = [1, 1]} : vector<1024x1xf32> to vector<128x1xf32>
    %slice3A_1002 = vector.extract_strided_slice %mul3A {offsets = [384, 0], sizes = [128, 1], strides = [1, 1]} : vector<1024x1xf32> to vector<128x1xf32>
    %slice3A_1003 = vector.extract_strided_slice %slice3A_29 {offsets = [0, 384], sizes = [1, 128], strides = [1, 1]} : vector<1x1024xf32> to vector<1x128xf32>
    %max3A_1004 = vector.broadcast %slice3A_998 : vector<128x1xf32> to vector<128x128xf32>
    %max3A_1005 = vector.broadcast %slice3A_1003 : vector<1x128xf32> to vector<128x128xf32>
    %max3A_1006 = arith.maximumf %max3A_1004, %max3A_1005 : vector<128x128xf32>
    %slice3A_1007 = vector.extract_strided_slice %slice3A_30 {offsets = [0, 384], sizes = [1, 128], strides = [1, 1]} : vector<1x1024xf32> to vector<1x128xf32>
    %max3A_1008 = vector.broadcast %slice3A_999 : vector<128x1xf32> to vector<128x128xf32>
    %max3A_1009 = vector.broadcast %slice3A_1007 : vector<1x128xf32> to vector<128x128xf32>
    %max3A_1010 = arith.maximumf %max3A_1008, %max3A_1009 : vector<128x128xf32>
    %slice3A_1011 = vector.extract_strided_slice %slice3A_31 {offsets = [0, 384], sizes = [1, 128], strides = [1, 1]} : vector<1x1024xf32> to vector<1x128xf32>
    %min3A_1012 = vector.broadcast %slice3A_1000 : vector<128x1xf32> to vector<128x128xf32>
    %min3A_1013 = vector.broadcast %slice3A_1011 : vector<1x128xf32> to vector<128x128xf32>
    %min3A_1014 = arith.minimumf %min3A_1012, %min3A_1013 : vector<128x128xf32>
    %slice3A_1015 = vector.extract_strided_slice %slice3A_32 {offsets = [0, 384], sizes = [1, 128], strides = [1, 1]} : vector<1x1024xf32> to vector<1x128xf32>
    %min3A_1016 = vector.broadcast %slice3A_1001 : vector<128x1xf32> to vector<128x128xf32>
    %min3A_1017 = vector.broadcast %slice3A_1015 : vector<1x128xf32> to vector<128x128xf32>
    %min3A_1018 = arith.minimumf %min3A_1016, %min3A_1017 : vector<128x128xf32>
    %sub3A_1019 = arith.subf %min3A_1014, %max3A_1006 : vector<128x128xf32>
    %jit3A_1020 = arith.constant 0.000000e+00 : f32
    %max3A_1021 = vector.broadcast %jit3A_1020 : f32 to vector<128x128xf32>
    %max3A_1022 = arith.maximumf %max3A_1021, %sub3A_1019 : vector<128x128xf32>
    %sub3A_1023 = arith.subf %min3A_1018, %max3A_1010 : vector<128x128xf32>
    %jit3A_1024 = arith.constant 0.000000e+00 : f32
    %max3A_1025 = vector.broadcast %jit3A_1024 : f32 to vector<128x128xf32>
    %max3A_1026 = arith.maximumf %max3A_1025, %sub3A_1023 : vector<128x128xf32>
    %mul3A_1027 = arith.mulf %max3A_1022, %max3A_1026 : vector<128x128xf32>
    %slice3A_1028 = vector.extract_strided_slice %mul3A_48 {offsets = [0, 384], sizes = [1, 128], strides = [1, 1]} : vector<1x1024xf32> to vector<1x128xf32>
    %add3A_1029 = vector.broadcast %slice3A_1002 : vector<128x1xf32> to vector<128x128xf32>
    %add3A_1030 = vector.broadcast %slice3A_1028 : vector<1x128xf32> to vector<128x128xf32>
    %add3A_1031 = arith.addf %add3A_1029, %add3A_1030 : vector<128x128xf32>
    %sub3A_1032 = arith.subf %add3A_1031, %mul3A_1027 : vector<128x128xf32>
    %max3A_1033 = arith.constant 9.99999971E-10 : f32
    %max3A_1034 = vector.broadcast %max3A_1033 : f32 to vector<128x128xf32>
    %max3A_1035 = arith.maximumf %sub3A_1032, %max3A_1034 : vector<128x128xf32>
    %div3A_1036 = arith.divf %mul3A_1027, %max3A_1035 : vector<128x128xf32>
    %gt3A_1037 = arith.constant 3.000000e-01 : f32
    %gt3A_1038 = vector.broadcast %gt3A_1037 : f32 to vector<128x128xf32>
    %gt3A_1039 = arith.cmpf ogt, %div3A_1036, %gt3A_1038 : vector<128x128xf32>
    %gt3A_1040 = arith.cmpi sgt, %iota3A_57, %iota3A_56 : vector<128x128xi32>
    %and3A_1041 = arith.andi %gt3A_1039, %gt3A_1040 : vector<128x128xi1>
    %convert_element_type3A_1042 = arith.extui %and3A_1041 : vector<128x128xi1> to vector<128x128xi8>
    %swap3A_1043 = arith.index_cast %arg0 : i32 to index
    %swap3A_1044 = arith.constant 384 : index
    %swap3A_1045 = arith.constant 384 : index
    %swap3A_1046 = vector.load %arg7[%swap3A_1043, %swap3A_1044, %swap3A_1045] : memref<20x1024x1024xi8, #tpu.memory_space<vmem>>, vector<1x128x128xi8>
    %swap3A_1047 = vector.shape_cast %swap3A_1046 : vector<1x128x128xi8> to vector<128x128xi8>
    %swap3A_1048 = vector.shape_cast %convert_element_type3A_1042 : vector<128x128xi8> to vector<1x128x128xi8>
    tpu.vector_store %arg7[%swap3A_1043, %swap3A_1044, %swap3A_1045], %swap3A_1048 {strides = array<i32>} : memref<20x1024x1024xi8, #tpu.memory_space<vmem>>, vector<1x128x128xi8>,
    %slice3A_1049 = vector.extract_strided_slice %slice3A_29 {offsets = [0, 512], sizes = [1, 128], strides = [1, 1]} : vector<1x1024xf32> to vector<1x128xf32>
    %max3A_1050 = vector.broadcast %slice3A_998 : vector<128x1xf32> to vector<128x128xf32>
    %max3A_1051 = vector.broadcast %slice3A_1049 : vector<1x128xf32> to vector<128x128xf32>
    %max3A_1052 = arith.maximumf %max3A_1050, %max3A_1051 : vector<128x128xf32>
    %slice3A_1053 = vector.extract_strided_slice %slice3A_30 {offsets = [0, 512], sizes = [1, 128], strides = [1, 1]} : vector<1x1024xf32> to vector<1x128xf32>
    %max3A_1054 = vector.broadcast %slice3A_999 : vector<128x1xf32> to vector<128x128xf32>
    %max3A_1055 = vector.broadcast %slice3A_1053 : vector<1x128xf32> to vector<128x128xf32>
    %max3A_1056 = arith.maximumf %max3A_1054, %max3A_1055 : vector<128x128xf32>
    %slice3A_1057 = vector.extract_strided_slice %slice3A_31 {offsets = [0, 512], sizes = [1, 128], strides = [1, 1]} : vector<1x1024xf32> to vector<1x128xf32>
    %min3A_1058 = vector.broadcast %slice3A_1000 : vector<128x1xf32> to vector<128x128xf32>
    %min3A_1059 = vector.broadcast %slice3A_1057 : vector<1x128xf32> to vector<128x128xf32>
    %min3A_1060 = arith.minimumf %min3A_1058, %min3A_1059 : vector<128x128xf32>
    %slice3A_1061 = vector.extract_strided_slice %slice3A_32 {offsets = [0, 512], sizes = [1, 128], strides = [1, 1]} : vector<1x1024xf32> to vector<1x128xf32>
    %min3A_1062 = vector.broadcast %slice3A_1001 : vector<128x1xf32> to vector<128x128xf32>
    %min3A_1063 = vector.broadcast %slice3A_1061 : vector<1x128xf32> to vector<128x128xf32>
    %min3A_1064 = arith.minimumf %min3A_1062, %min3A_1063 : vector<128x128xf32>
    %sub3A_1065 = arith.subf %min3A_1060, %max3A_1052 : vector<128x128xf32>
    %jit3A_1066 = arith.constant 0.000000e+00 : f32
    %max3A_1067 = vector.broadcast %jit3A_1066 : f32 to vector<128x128xf32>
    %max3A_1068 = arith.maximumf %max3A_1067, %sub3A_1065 : vector<128x128xf32>
    %sub3A_1069 = arith.subf %min3A_1064, %max3A_1056 : vector<128x128xf32>
    %jit3A_1070 = arith.constant 0.000000e+00 : f32
    %max3A_1071 = vector.broadcast %jit3A_1070 : f32 to vector<128x128xf32>
    %max3A_1072 = arith.maximumf %max3A_1071, %sub3A_1069 : vector<128x128xf32>
    %mul3A_1073 = arith.mulf %max3A_1068, %max3A_1072 : vector<128x128xf32>
    %slice3A_1074 = vector.extract_strided_slice %mul3A_48 {offsets = [0, 512], sizes = [1, 128], strides = [1, 1]} : vector<1x1024xf32> to vector<1x128xf32>
    %add3A_1075 = vector.broadcast %slice3A_1002 : vector<128x1xf32> to vector<128x128xf32>
    %add3A_1076 = vector.broadcast %slice3A_1074 : vector<1x128xf32> to vector<128x128xf32>
    %add3A_1077 = arith.addf %add3A_1075, %add3A_1076 : vector<128x128xf32>
    %sub3A_1078 = arith.subf %add3A_1077, %mul3A_1073 : vector<128x128xf32>
    %max3A_1079 = arith.constant 9.99999971E-10 : f32
    %max3A_1080 = vector.broadcast %max3A_1079 : f32 to vector<128x128xf32>
    %max3A_1081 = arith.maximumf %sub3A_1078, %max3A_1080 : vector<128x128xf32>
    %div3A_1082 = arith.divf %mul3A_1073, %max3A_1081 : vector<128x128xf32>
    %gt3A_1083 = arith.constant 3.000000e-01 : f32
    %gt3A_1084 = vector.broadcast %gt3A_1083 : f32 to vector<128x128xf32>
    %gt3A_1085 = arith.cmpf ogt, %div3A_1082, %gt3A_1084 : vector<128x128xf32>
    %convert_element_type3A_1086 = arith.extui %gt3A_1085 : vector<128x128xi1> to vector<128x128xi8>
    %swap3A_1087 = arith.index_cast %arg0 : i32 to index
    %swap3A_1088 = arith.constant 384 : index
    %swap3A_1089 = arith.constant 512 : index
    %swap3A_1090 = vector.load %arg7[%swap3A_1087, %swap3A_1088, %swap3A_1089] : memref<20x1024x1024xi8, #tpu.memory_space<vmem>>, vector<1x128x128xi8>
    %swap3A_1091 = vector.shape_cast %swap3A_1090 : vector<1x128x128xi8> to vector<128x128xi8>
    %swap3A_1092 = vector.shape_cast %convert_element_type3A_1086 : vector<128x128xi8> to vector<1x128x128xi8>
    tpu.vector_store %arg7[%swap3A_1087, %swap3A_1088, %swap3A_1089], %swap3A_1092 {strides = array<i32>} : memref<20x1024x1024xi8, #tpu.memory_space<vmem>>, vector<1x128x128xi8>,
    %slice3A_1093 = vector.extract_strided_slice %slice3A_29 {offsets = [0, 640], sizes = [1, 128], strides = [1, 1]} : vector<1x1024xf32> to vector<1x128xf32>
    %max3A_1094 = vector.broadcast %slice3A_998 : vector<128x1xf32> to vector<128x128xf32>
    %max3A_1095 = vector.broadcast %slice3A_1093 : vector<1x128xf32> to vector<128x128xf32>
    %max3A_1096 = arith.maximumf %max3A_1094, %max3A_1095 : vector<128x128xf32>
    %slice3A_1097 = vector.extract_strided_slice %slice3A_30 {offsets = [0, 640], sizes = [1, 128], strides = [1, 1]} : vector<1x1024xf32> to vector<1x128xf32>
    %max3A_1098 = vector.broadcast %slice3A_999 : vector<128x1xf32> to vector<128x128xf32>
    %max3A_1099 = vector.broadcast %slice3A_1097 : vector<1x128xf32> to vector<128x128xf32>
    %max3A_1100 = arith.maximumf %max3A_1098, %max3A_1099 : vector<128x128xf32>
    %slice3A_1101 = vector.extract_strided_slice %slice3A_31 {offsets = [0, 640], sizes = [1, 128], strides = [1, 1]} : vector<1x1024xf32> to vector<1x128xf32>
    %min3A_1102 = vector.broadcast %slice3A_1000 : vector<128x1xf32> to vector<128x128xf32>
    %min3A_1103 = vector.broadcast %slice3A_1101 : vector<1x128xf32> to vector<128x128xf32>
    %min3A_1104 = arith.minimumf %min3A_1102, %min3A_1103 : vector<128x128xf32>
    %slice3A_1105 = vector.extract_strided_slice %slice3A_32 {offsets = [0, 640], sizes = [1, 128], strides = [1, 1]} : vector<1x1024xf32> to vector<1x128xf32>
    %min3A_1106 = vector.broadcast %slice3A_1001 : vector<128x1xf32> to vector<128x128xf32>
    %min3A_1107 = vector.broadcast %slice3A_1105 : vector<1x128xf32> to vector<128x128xf32>
    %min3A_1108 = arith.minimumf %min3A_1106, %min3A_1107 : vector<128x128xf32>
    %sub3A_1109 = arith.subf %min3A_1104, %max3A_1096 : vector<128x128xf32>
    %jit3A_1110 = arith.constant 0.000000e+00 : f32
    %max3A_1111 = vector.broadcast %jit3A_1110 : f32 to vector<128x128xf32>
    %max3A_1112 = arith.maximumf %max3A_1111, %sub3A_1109 : vector<128x128xf32>
    %sub3A_1113 = arith.subf %min3A_1108, %max3A_1100 : vector<128x128xf32>
    %jit3A_1114 = arith.constant 0.000000e+00 : f32
    %max3A_1115 = vector.broadcast %jit3A_1114 : f32 to vector<128x128xf32>
    %max3A_1116 = arith.maximumf %max3A_1115, %sub3A_1113 : vector<128x128xf32>
    %mul3A_1117 = arith.mulf %max3A_1112, %max3A_1116 : vector<128x128xf32>
    %slice3A_1118 = vector.extract_strided_slice %mul3A_48 {offsets = [0, 640], sizes = [1, 128], strides = [1, 1]} : vector<1x1024xf32> to vector<1x128xf32>
    %add3A_1119 = vector.broadcast %slice3A_1002 : vector<128x1xf32> to vector<128x128xf32>
    %add3A_1120 = vector.broadcast %slice3A_1118 : vector<1x128xf32> to vector<128x128xf32>
    %add3A_1121 = arith.addf %add3A_1119, %add3A_1120 : vector<128x128xf32>
    %sub3A_1122 = arith.subf %add3A_1121, %mul3A_1117 : vector<128x128xf32>
    %max3A_1123 = arith.constant 9.99999971E-10 : f32
    %max3A_1124 = vector.broadcast %max3A_1123 : f32 to vector<128x128xf32>
    %max3A_1125 = arith.maximumf %sub3A_1122, %max3A_1124 : vector<128x128xf32>
    %div3A_1126 = arith.divf %mul3A_1117, %max3A_1125 : vector<128x128xf32>
    %gt3A_1127 = arith.constant 3.000000e-01 : f32
    %gt3A_1128 = vector.broadcast %gt3A_1127 : f32 to vector<128x128xf32>
    %gt3A_1129 = arith.cmpf ogt, %div3A_1126, %gt3A_1128 : vector<128x128xf32>
    %convert_element_type3A_1130 = arith.extui %gt3A_1129 : vector<128x128xi1> to vector<128x128xi8>
    %swap3A_1131 = arith.index_cast %arg0 : i32 to index
    %swap3A_1132 = arith.constant 384 : index
    %swap3A_1133 = arith.constant 640 : index
    %swap3A_1134 = vector.load %arg7[%swap3A_1131, %swap3A_1132, %swap3A_1133] : memref<20x1024x1024xi8, #tpu.memory_space<vmem>>, vector<1x128x128xi8>
    %swap3A_1135 = vector.shape_cast %swap3A_1134 : vector<1x128x128xi8> to vector<128x128xi8>
    %swap3A_1136 = vector.shape_cast %convert_element_type3A_1130 : vector<128x128xi8> to vector<1x128x128xi8>
    tpu.vector_store %arg7[%swap3A_1131, %swap3A_1132, %swap3A_1133], %swap3A_1136 {strides = array<i32>} : memref<20x1024x1024xi8, #tpu.memory_space<vmem>>, vector<1x128x128xi8>,
    %slice3A_1137 = vector.extract_strided_slice %slice3A_29 {offsets = [0, 768], sizes = [1, 128], strides = [1, 1]} : vector<1x1024xf32> to vector<1x128xf32>
    %max3A_1138 = vector.broadcast %slice3A_998 : vector<128x1xf32> to vector<128x128xf32>
    %max3A_1139 = vector.broadcast %slice3A_1137 : vector<1x128xf32> to vector<128x128xf32>
    %max3A_1140 = arith.maximumf %max3A_1138, %max3A_1139 : vector<128x128xf32>
    %slice3A_1141 = vector.extract_strided_slice %slice3A_30 {offsets = [0, 768], sizes = [1, 128], strides = [1, 1]} : vector<1x1024xf32> to vector<1x128xf32>
    %max3A_1142 = vector.broadcast %slice3A_999 : vector<128x1xf32> to vector<128x128xf32>
    %max3A_1143 = vector.broadcast %slice3A_1141 : vector<1x128xf32> to vector<128x128xf32>
    %max3A_1144 = arith.maximumf %max3A_1142, %max3A_1143 : vector<128x128xf32>
    %slice3A_1145 = vector.extract_strided_slice %slice3A_31 {offsets = [0, 768], sizes = [1, 128], strides = [1, 1]} : vector<1x1024xf32> to vector<1x128xf32>
    %min3A_1146 = vector.broadcast %slice3A_1000 : vector<128x1xf32> to vector<128x128xf32>
    %min3A_1147 = vector.broadcast %slice3A_1145 : vector<1x128xf32> to vector<128x128xf32>
    %min3A_1148 = arith.minimumf %min3A_1146, %min3A_1147 : vector<128x128xf32>
    %slice3A_1149 = vector.extract_strided_slice %slice3A_32 {offsets = [0, 768], sizes = [1, 128], strides = [1, 1]} : vector<1x1024xf32> to vector<1x128xf32>
    %min3A_1150 = vector.broadcast %slice3A_1001 : vector<128x1xf32> to vector<128x128xf32>
    %min3A_1151 = vector.broadcast %slice3A_1149 : vector<1x128xf32> to vector<128x128xf32>
    %min3A_1152 = arith.minimumf %min3A_1150, %min3A_1151 : vector<128x128xf32>
    %sub3A_1153 = arith.subf %min3A_1148, %max3A_1140 : vector<128x128xf32>
    %jit3A_1154 = arith.constant 0.000000e+00 : f32
    %max3A_1155 = vector.broadcast %jit3A_1154 : f32 to vector<128x128xf32>
    %max3A_1156 = arith.maximumf %max3A_1155, %sub3A_1153 : vector<128x128xf32>
    %sub3A_1157 = arith.subf %min3A_1152, %max3A_1144 : vector<128x128xf32>
    %jit3A_1158 = arith.constant 0.000000e+00 : f32
    %max3A_1159 = vector.broadcast %jit3A_1158 : f32 to vector<128x128xf32>
    %max3A_1160 = arith.maximumf %max3A_1159, %sub3A_1157 : vector<128x128xf32>
    %mul3A_1161 = arith.mulf %max3A_1156, %max3A_1160 : vector<128x128xf32>
    %slice3A_1162 = vector.extract_strided_slice %mul3A_48 {offsets = [0, 768], sizes = [1, 128], strides = [1, 1]} : vector<1x1024xf32> to vector<1x128xf32>
    %add3A_1163 = vector.broadcast %slice3A_1002 : vector<128x1xf32> to vector<128x128xf32>
    %add3A_1164 = vector.broadcast %slice3A_1162 : vector<1x128xf32> to vector<128x128xf32>
    %add3A_1165 = arith.addf %add3A_1163, %add3A_1164 : vector<128x128xf32>
    %sub3A_1166 = arith.subf %add3A_1165, %mul3A_1161 : vector<128x128xf32>
    %max3A_1167 = arith.constant 9.99999971E-10 : f32
    %max3A_1168 = vector.broadcast %max3A_1167 : f32 to vector<128x128xf32>
    %max3A_1169 = arith.maximumf %sub3A_1166, %max3A_1168 : vector<128x128xf32>
    %div3A_1170 = arith.divf %mul3A_1161, %max3A_1169 : vector<128x128xf32>
    %gt3A_1171 = arith.constant 3.000000e-01 : f32
    %gt3A_1172 = vector.broadcast %gt3A_1171 : f32 to vector<128x128xf32>
    %gt3A_1173 = arith.cmpf ogt, %div3A_1170, %gt3A_1172 : vector<128x128xf32>
    %convert_element_type3A_1174 = arith.extui %gt3A_1173 : vector<128x128xi1> to vector<128x128xi8>
    %swap3A_1175 = arith.index_cast %arg0 : i32 to index
    %swap3A_1176 = arith.constant 384 : index
    %swap3A_1177 = arith.constant 768 : index
    %swap3A_1178 = vector.load %arg7[%swap3A_1175, %swap3A_1176, %swap3A_1177] : memref<20x1024x1024xi8, #tpu.memory_space<vmem>>, vector<1x128x128xi8>
    %swap3A_1179 = vector.shape_cast %swap3A_1178 : vector<1x128x128xi8> to vector<128x128xi8>
    %swap3A_1180 = vector.shape_cast %convert_element_type3A_1174 : vector<128x128xi8> to vector<1x128x128xi8>
    tpu.vector_store %arg7[%swap3A_1175, %swap3A_1176, %swap3A_1177], %swap3A_1180 {strides = array<i32>} : memref<20x1024x1024xi8, #tpu.memory_space<vmem>>, vector<1x128x128xi8>,
    %slice3A_1181 = vector.extract_strided_slice %slice3A_29 {offsets = [0, 896], sizes = [1, 128], strides = [1, 1]} : vector<1x1024xf32> to vector<1x128xf32>
    %max3A_1182 = vector.broadcast %slice3A_998 : vector<128x1xf32> to vector<128x128xf32>
    %max3A_1183 = vector.broadcast %slice3A_1181 : vector<1x128xf32> to vector<128x128xf32>
    %max3A_1184 = arith.maximumf %max3A_1182, %max3A_1183 : vector<128x128xf32>
    %slice3A_1185 = vector.extract_strided_slice %slice3A_30 {offsets = [0, 896], sizes = [1, 128], strides = [1, 1]} : vector<1x1024xf32> to vector<1x128xf32>
    %max3A_1186 = vector.broadcast %slice3A_999 : vector<128x1xf32> to vector<128x128xf32>
    %max3A_1187 = vector.broadcast %slice3A_1185 : vector<1x128xf32> to vector<128x128xf32>
    %max3A_1188 = arith.maximumf %max3A_1186, %max3A_1187 : vector<128x128xf32>
    %slice3A_1189 = vector.extract_strided_slice %slice3A_31 {offsets = [0, 896], sizes = [1, 128], strides = [1, 1]} : vector<1x1024xf32> to vector<1x128xf32>
    %min3A_1190 = vector.broadcast %slice3A_1000 : vector<128x1xf32> to vector<128x128xf32>
    %min3A_1191 = vector.broadcast %slice3A_1189 : vector<1x128xf32> to vector<128x128xf32>
    %min3A_1192 = arith.minimumf %min3A_1190, %min3A_1191 : vector<128x128xf32>
    %slice3A_1193 = vector.extract_strided_slice %slice3A_32 {offsets = [0, 896], sizes = [1, 128], strides = [1, 1]} : vector<1x1024xf32> to vector<1x128xf32>
    %min3A_1194 = vector.broadcast %slice3A_1001 : vector<128x1xf32> to vector<128x128xf32>
    %min3A_1195 = vector.broadcast %slice3A_1193 : vector<1x128xf32> to vector<128x128xf32>
    %min3A_1196 = arith.minimumf %min3A_1194, %min3A_1195 : vector<128x128xf32>
    %sub3A_1197 = arith.subf %min3A_1192, %max3A_1184 : vector<128x128xf32>
    %jit3A_1198 = arith.constant 0.000000e+00 : f32
    %max3A_1199 = vector.broadcast %jit3A_1198 : f32 to vector<128x128xf32>
    %max3A_1200 = arith.maximumf %max3A_1199, %sub3A_1197 : vector<128x128xf32>
    %sub3A_1201 = arith.subf %min3A_1196, %max3A_1188 : vector<128x128xf32>
    %jit3A_1202 = arith.constant 0.000000e+00 : f32
    %max3A_1203 = vector.broadcast %jit3A_1202 : f32 to vector<128x128xf32>
    %max3A_1204 = arith.maximumf %max3A_1203, %sub3A_1201 : vector<128x128xf32>
    %mul3A_1205 = arith.mulf %max3A_1200, %max3A_1204 : vector<128x128xf32>
    %slice3A_1206 = vector.extract_strided_slice %mul3A_48 {offsets = [0, 896], sizes = [1, 128], strides = [1, 1]} : vector<1x1024xf32> to vector<1x128xf32>
    %add3A_1207 = vector.broadcast %slice3A_1002 : vector<128x1xf32> to vector<128x128xf32>
    %add3A_1208 = vector.broadcast %slice3A_1206 : vector<1x128xf32> to vector<128x128xf32>
    %add3A_1209 = arith.addf %add3A_1207, %add3A_1208 : vector<128x128xf32>
    %sub3A_1210 = arith.subf %add3A_1209, %mul3A_1205 : vector<128x128xf32>
    %max3A_1211 = arith.constant 9.99999971E-10 : f32
    %max3A_1212 = vector.broadcast %max3A_1211 : f32 to vector<128x128xf32>
    %max3A_1213 = arith.maximumf %sub3A_1210, %max3A_1212 : vector<128x128xf32>
    %div3A_1214 = arith.divf %mul3A_1205, %max3A_1213 : vector<128x128xf32>
    %gt3A_1215 = arith.constant 3.000000e-01 : f32
    %gt3A_1216 = vector.broadcast %gt3A_1215 : f32 to vector<128x128xf32>
    %gt3A_1217 = arith.cmpf ogt, %div3A_1214, %gt3A_1216 : vector<128x128xf32>
    %convert_element_type3A_1218 = arith.extui %gt3A_1217 : vector<128x128xi1> to vector<128x128xi8>
    %swap3A_1219 = arith.index_cast %arg0 : i32 to index
    %swap3A_1220 = arith.constant 384 : index
    %swap3A_1221 = arith.constant 896 : index
    %swap3A_1222 = vector.load %arg7[%swap3A_1219, %swap3A_1220, %swap3A_1221] : memref<20x1024x1024xi8, #tpu.memory_space<vmem>>, vector<1x128x128xi8>
    %swap3A_1223 = vector.shape_cast %swap3A_1222 : vector<1x128x128xi8> to vector<128x128xi8>
    %swap3A_1224 = vector.shape_cast %convert_element_type3A_1218 : vector<128x128xi8> to vector<1x128x128xi8>
    tpu.vector_store %arg7[%swap3A_1219, %swap3A_1220, %swap3A_1221], %swap3A_1224 {strides = array<i32>} : memref<20x1024x1024xi8, #tpu.memory_space<vmem>>, vector<1x128x128xi8>,
    %slice3A_1225 = vector.extract_strided_slice %slice3A_33 {offsets = [512, 0], sizes = [128, 1], strides = [1, 1]} : vector<1024x1xf32> to vector<128x1xf32>
    %slice3A_1226 = vector.extract_strided_slice %slice3A_34 {offsets = [512, 0], sizes = [128, 1], strides = [1, 1]} : vector<1024x1xf32> to vector<128x1xf32>
    %slice3A_1227 = vector.extract_strided_slice %slice3A_35 {offsets = [512, 0], sizes = [128, 1], strides = [1, 1]} : vector<1024x1xf32> to vector<128x1xf32>
    %slice3A_1228 = vector.extract_strided_slice %slice3A_36 {offsets = [512, 0], sizes = [128, 1], strides = [1, 1]} : vector<1024x1xf32> to vector<128x1xf32>
    %slice3A_1229 = vector.extract_strided_slice %mul3A {offsets = [512, 0], sizes = [128, 1], strides = [1, 1]} : vector<1024x1xf32> to vector<128x1xf32>
    %slice3A_1230 = vector.extract_strided_slice %slice3A_29 {offsets = [0, 512], sizes = [1, 128], strides = [1, 1]} : vector<1x1024xf32> to vector<1x128xf32>
    %max3A_1231 = vector.broadcast %slice3A_1225 : vector<128x1xf32> to vector<128x128xf32>
    %max3A_1232 = vector.broadcast %slice3A_1230 : vector<1x128xf32> to vector<128x128xf32>
    %max3A_1233 = arith.maximumf %max3A_1231, %max3A_1232 : vector<128x128xf32>
    %slice3A_1234 = vector.extract_strided_slice %slice3A_30 {offsets = [0, 512], sizes = [1, 128], strides = [1, 1]} : vector<1x1024xf32> to vector<1x128xf32>
    %max3A_1235 = vector.broadcast %slice3A_1226 : vector<128x1xf32> to vector<128x128xf32>
    %max3A_1236 = vector.broadcast %slice3A_1234 : vector<1x128xf32> to vector<128x128xf32>
    %max3A_1237 = arith.maximumf %max3A_1235, %max3A_1236 : vector<128x128xf32>
    %slice3A_1238 = vector.extract_strided_slice %slice3A_31 {offsets = [0, 512], sizes = [1, 128], strides = [1, 1]} : vector<1x1024xf32> to vector<1x128xf32>
    %min3A_1239 = vector.broadcast %slice3A_1227 : vector<128x1xf32> to vector<128x128xf32>
    %min3A_1240 = vector.broadcast %slice3A_1238 : vector<1x128xf32> to vector<128x128xf32>
    %min3A_1241 = arith.minimumf %min3A_1239, %min3A_1240 : vector<128x128xf32>
    %slice3A_1242 = vector.extract_strided_slice %slice3A_32 {offsets = [0, 512], sizes = [1, 128], strides = [1, 1]} : vector<1x1024xf32> to vector<1x128xf32>
    %min3A_1243 = vector.broadcast %slice3A_1228 : vector<128x1xf32> to vector<128x128xf32>
    %min3A_1244 = vector.broadcast %slice3A_1242 : vector<1x128xf32> to vector<128x128xf32>
    %min3A_1245 = arith.minimumf %min3A_1243, %min3A_1244 : vector<128x128xf32>
    %sub3A_1246 = arith.subf %min3A_1241, %max3A_1233 : vector<128x128xf32>
    %jit3A_1247 = arith.constant 0.000000e+00 : f32
    %max3A_1248 = vector.broadcast %jit3A_1247 : f32 to vector<128x128xf32>
    %max3A_1249 = arith.maximumf %max3A_1248, %sub3A_1246 : vector<128x128xf32>
    %sub3A_1250 = arith.subf %min3A_1245, %max3A_1237 : vector<128x128xf32>
    %jit3A_1251 = arith.constant 0.000000e+00 : f32
    %max3A_1252 = vector.broadcast %jit3A_1251 : f32 to vector<128x128xf32>
    %max3A_1253 = arith.maximumf %max3A_1252, %sub3A_1250 : vector<128x128xf32>
    %mul3A_1254 = arith.mulf %max3A_1249, %max3A_1253 : vector<128x128xf32>
    %slice3A_1255 = vector.extract_strided_slice %mul3A_48 {offsets = [0, 512], sizes = [1, 128], strides = [1, 1]} : vector<1x1024xf32> to vector<1x128xf32>
    %add3A_1256 = vector.broadcast %slice3A_1229 : vector<128x1xf32> to vector<128x128xf32>
    %add3A_1257 = vector.broadcast %slice3A_1255 : vector<1x128xf32> to vector<128x128xf32>
    %add3A_1258 = arith.addf %add3A_1256, %add3A_1257 : vector<128x128xf32>
    %sub3A_1259 = arith.subf %add3A_1258, %mul3A_1254 : vector<128x128xf32>
    %max3A_1260 = arith.constant 9.99999971E-10 : f32
    %max3A_1261 = vector.broadcast %max3A_1260 : f32 to vector<128x128xf32>
    %max3A_1262 = arith.maximumf %sub3A_1259, %max3A_1261 : vector<128x128xf32>
    %div3A_1263 = arith.divf %mul3A_1254, %max3A_1262 : vector<128x128xf32>
    %gt3A_1264 = arith.constant 3.000000e-01 : f32
    %gt3A_1265 = vector.broadcast %gt3A_1264 : f32 to vector<128x128xf32>
    %gt3A_1266 = arith.cmpf ogt, %div3A_1263, %gt3A_1265 : vector<128x128xf32>
    %gt3A_1267 = arith.cmpi sgt, %iota3A_57, %iota3A_56 : vector<128x128xi32>
    %and3A_1268 = arith.andi %gt3A_1266, %gt3A_1267 : vector<128x128xi1>
    %convert_element_type3A_1269 = arith.extui %and3A_1268 : vector<128x128xi1> to vector<128x128xi8>
    %swap3A_1270 = arith.index_cast %arg0 : i32 to index
    %swap3A_1271 = arith.constant 512 : index
    %swap3A_1272 = arith.constant 512 : index
    %swap3A_1273 = vector.load %arg7[%swap3A_1270, %swap3A_1271, %swap3A_1272] : memref<20x1024x1024xi8, #tpu.memory_space<vmem>>, vector<1x128x128xi8>
    %swap3A_1274 = vector.shape_cast %swap3A_1273 : vector<1x128x128xi8> to vector<128x128xi8>
    %swap3A_1275 = vector.shape_cast %convert_element_type3A_1269 : vector<128x128xi8> to vector<1x128x128xi8>
    tpu.vector_store %arg7[%swap3A_1270, %swap3A_1271, %swap3A_1272], %swap3A_1275 {strides = array<i32>} : memref<20x1024x1024xi8, #tpu.memory_space<vmem>>, vector<1x128x128xi8>,
    %slice3A_1276 = vector.extract_strided_slice %slice3A_29 {offsets = [0, 640], sizes = [1, 128], strides = [1, 1]} : vector<1x1024xf32> to vector<1x128xf32>
    %max3A_1277 = vector.broadcast %slice3A_1225 : vector<128x1xf32> to vector<128x128xf32>
    %max3A_1278 = vector.broadcast %slice3A_1276 : vector<1x128xf32> to vector<128x128xf32>
    %max3A_1279 = arith.maximumf %max3A_1277, %max3A_1278 : vector<128x128xf32>
    %slice3A_1280 = vector.extract_strided_slice %slice3A_30 {offsets = [0, 640], sizes = [1, 128], strides = [1, 1]} : vector<1x1024xf32> to vector<1x128xf32>
    %max3A_1281 = vector.broadcast %slice3A_1226 : vector<128x1xf32> to vector<128x128xf32>
    %max3A_1282 = vector.broadcast %slice3A_1280 : vector<1x128xf32> to vector<128x128xf32>
    %max3A_1283 = arith.maximumf %max3A_1281, %max3A_1282 : vector<128x128xf32>
    %slice3A_1284 = vector.extract_strided_slice %slice3A_31 {offsets = [0, 640], sizes = [1, 128], strides = [1, 1]} : vector<1x1024xf32> to vector<1x128xf32>
    %min3A_1285 = vector.broadcast %slice3A_1227 : vector<128x1xf32> to vector<128x128xf32>
    %min3A_1286 = vector.broadcast %slice3A_1284 : vector<1x128xf32> to vector<128x128xf32>
    %min3A_1287 = arith.minimumf %min3A_1285, %min3A_1286 : vector<128x128xf32>
    %slice3A_1288 = vector.extract_strided_slice %slice3A_32 {offsets = [0, 640], sizes = [1, 128], strides = [1, 1]} : vector<1x1024xf32> to vector<1x128xf32>
    %min3A_1289 = vector.broadcast %slice3A_1228 : vector<128x1xf32> to vector<128x128xf32>
    %min3A_1290 = vector.broadcast %slice3A_1288 : vector<1x128xf32> to vector<128x128xf32>
    %min3A_1291 = arith.minimumf %min3A_1289, %min3A_1290 : vector<128x128xf32>
    %sub3A_1292 = arith.subf %min3A_1287, %max3A_1279 : vector<128x128xf32>
    %jit3A_1293 = arith.constant 0.000000e+00 : f32
    %max3A_1294 = vector.broadcast %jit3A_1293 : f32 to vector<128x128xf32>
    %max3A_1295 = arith.maximumf %max3A_1294, %sub3A_1292 : vector<128x128xf32>
    %sub3A_1296 = arith.subf %min3A_1291, %max3A_1283 : vector<128x128xf32>
    %jit3A_1297 = arith.constant 0.000000e+00 : f32
    %max3A_1298 = vector.broadcast %jit3A_1297 : f32 to vector<128x128xf32>
    %max3A_1299 = arith.maximumf %max3A_1298, %sub3A_1296 : vector<128x128xf32>
    %mul3A_1300 = arith.mulf %max3A_1295, %max3A_1299 : vector<128x128xf32>
    %slice3A_1301 = vector.extract_strided_slice %mul3A_48 {offsets = [0, 640], sizes = [1, 128], strides = [1, 1]} : vector<1x1024xf32> to vector<1x128xf32>
    %add3A_1302 = vector.broadcast %slice3A_1229 : vector<128x1xf32> to vector<128x128xf32>
    %add3A_1303 = vector.broadcast %slice3A_1301 : vector<1x128xf32> to vector<128x128xf32>
    %add3A_1304 = arith.addf %add3A_1302, %add3A_1303 : vector<128x128xf32>
    %sub3A_1305 = arith.subf %add3A_1304, %mul3A_1300 : vector<128x128xf32>
    %max3A_1306 = arith.constant 9.99999971E-10 : f32
    %max3A_1307 = vector.broadcast %max3A_1306 : f32 to vector<128x128xf32>
    %max3A_1308 = arith.maximumf %sub3A_1305, %max3A_1307 : vector<128x128xf32>
    %div3A_1309 = arith.divf %mul3A_1300, %max3A_1308 : vector<128x128xf32>
    %gt3A_1310 = arith.constant 3.000000e-01 : f32
    %gt3A_1311 = vector.broadcast %gt3A_1310 : f32 to vector<128x128xf32>
    %gt3A_1312 = arith.cmpf ogt, %div3A_1309, %gt3A_1311 : vector<128x128xf32>
    %convert_element_type3A_1313 = arith.extui %gt3A_1312 : vector<128x128xi1> to vector<128x128xi8>
    %swap3A_1314 = arith.index_cast %arg0 : i32 to index
    %swap3A_1315 = arith.constant 512 : index
    %swap3A_1316 = arith.constant 640 : index
    %swap3A_1317 = vector.load %arg7[%swap3A_1314, %swap3A_1315, %swap3A_1316] : memref<20x1024x1024xi8, #tpu.memory_space<vmem>>, vector<1x128x128xi8>
    %swap3A_1318 = vector.shape_cast %swap3A_1317 : vector<1x128x128xi8> to vector<128x128xi8>
    %swap3A_1319 = vector.shape_cast %convert_element_type3A_1313 : vector<128x128xi8> to vector<1x128x128xi8>
    tpu.vector_store %arg7[%swap3A_1314, %swap3A_1315, %swap3A_1316], %swap3A_1319 {strides = array<i32>} : memref<20x1024x1024xi8, #tpu.memory_space<vmem>>, vector<1x128x128xi8>,
    %slice3A_1320 = vector.extract_strided_slice %slice3A_29 {offsets = [0, 768], sizes = [1, 128], strides = [1, 1]} : vector<1x1024xf32> to vector<1x128xf32>
    %max3A_1321 = vector.broadcast %slice3A_1225 : vector<128x1xf32> to vector<128x128xf32>
    %max3A_1322 = vector.broadcast %slice3A_1320 : vector<1x128xf32> to vector<128x128xf32>
    %max3A_1323 = arith.maximumf %max3A_1321, %max3A_1322 : vector<128x128xf32>
    %slice3A_1324 = vector.extract_strided_slice %slice3A_30 {offsets = [0, 768], sizes = [1, 128], strides = [1, 1]} : vector<1x1024xf32> to vector<1x128xf32>
    %max3A_1325 = vector.broadcast %slice3A_1226 : vector<128x1xf32> to vector<128x128xf32>
    %max3A_1326 = vector.broadcast %slice3A_1324 : vector<1x128xf32> to vector<128x128xf32>
    %max3A_1327 = arith.maximumf %max3A_1325, %max3A_1326 : vector<128x128xf32>
    %slice3A_1328 = vector.extract_strided_slice %slice3A_31 {offsets = [0, 768], sizes = [1, 128], strides = [1, 1]} : vector<1x1024xf32> to vector<1x128xf32>
    %min3A_1329 = vector.broadcast %slice3A_1227 : vector<128x1xf32> to vector<128x128xf32>
    %min3A_1330 = vector.broadcast %slice3A_1328 : vector<1x128xf32> to vector<128x128xf32>
    %min3A_1331 = arith.minimumf %min3A_1329, %min3A_1330 : vector<128x128xf32>
    %slice3A_1332 = vector.extract_strided_slice %slice3A_32 {offsets = [0, 768], sizes = [1, 128], strides = [1, 1]} : vector<1x1024xf32> to vector<1x128xf32>
    %min3A_1333 = vector.broadcast %slice3A_1228 : vector<128x1xf32> to vector<128x128xf32>
    %min3A_1334 = vector.broadcast %slice3A_1332 : vector<1x128xf32> to vector<128x128xf32>
    %min3A_1335 = arith.minimumf %min3A_1333, %min3A_1334 : vector<128x128xf32>
    %sub3A_1336 = arith.subf %min3A_1331, %max3A_1323 : vector<128x128xf32>
    %jit3A_1337 = arith.constant 0.000000e+00 : f32
    %max3A_1338 = vector.broadcast %jit3A_1337 : f32 to vector<128x128xf32>
    %max3A_1339 = arith.maximumf %max3A_1338, %sub3A_1336 : vector<128x128xf32>
    %sub3A_1340 = arith.subf %min3A_1335, %max3A_1327 : vector<128x128xf32>
    %jit3A_1341 = arith.constant 0.000000e+00 : f32
    %max3A_1342 = vector.broadcast %jit3A_1341 : f32 to vector<128x128xf32>
    %max3A_1343 = arith.maximumf %max3A_1342, %sub3A_1340 : vector<128x128xf32>
    %mul3A_1344 = arith.mulf %max3A_1339, %max3A_1343 : vector<128x128xf32>
    %slice3A_1345 = vector.extract_strided_slice %mul3A_48 {offsets = [0, 768], sizes = [1, 128], strides = [1, 1]} : vector<1x1024xf32> to vector<1x128xf32>
    %add3A_1346 = vector.broadcast %slice3A_1229 : vector<128x1xf32> to vector<128x128xf32>
    %add3A_1347 = vector.broadcast %slice3A_1345 : vector<1x128xf32> to vector<128x128xf32>
    %add3A_1348 = arith.addf %add3A_1346, %add3A_1347 : vector<128x128xf32>
    %sub3A_1349 = arith.subf %add3A_1348, %mul3A_1344 : vector<128x128xf32>
    %max3A_1350 = arith.constant 9.99999971E-10 : f32
    %max3A_1351 = vector.broadcast %max3A_1350 : f32 to vector<128x128xf32>
    %max3A_1352 = arith.maximumf %sub3A_1349, %max3A_1351 : vector<128x128xf32>
    %div3A_1353 = arith.divf %mul3A_1344, %max3A_1352 : vector<128x128xf32>
    %gt3A_1354 = arith.constant 3.000000e-01 : f32
    %gt3A_1355 = vector.broadcast %gt3A_1354 : f32 to vector<128x128xf32>
    %gt3A_1356 = arith.cmpf ogt, %div3A_1353, %gt3A_1355 : vector<128x128xf32>
    %convert_element_type3A_1357 = arith.extui %gt3A_1356 : vector<128x128xi1> to vector<128x128xi8>
    %swap3A_1358 = arith.index_cast %arg0 : i32 to index
    %swap3A_1359 = arith.constant 512 : index
    %swap3A_1360 = arith.constant 768 : index
    %swap3A_1361 = vector.load %arg7[%swap3A_1358, %swap3A_1359, %swap3A_1360] : memref<20x1024x1024xi8, #tpu.memory_space<vmem>>, vector<1x128x128xi8>
    %swap3A_1362 = vector.shape_cast %swap3A_1361 : vector<1x128x128xi8> to vector<128x128xi8>
    %swap3A_1363 = vector.shape_cast %convert_element_type3A_1357 : vector<128x128xi8> to vector<1x128x128xi8>
    tpu.vector_store %arg7[%swap3A_1358, %swap3A_1359, %swap3A_1360], %swap3A_1363 {strides = array<i32>} : memref<20x1024x1024xi8, #tpu.memory_space<vmem>>, vector<1x128x128xi8>,
    %slice3A_1364 = vector.extract_strided_slice %slice3A_29 {offsets = [0, 896], sizes = [1, 128], strides = [1, 1]} : vector<1x1024xf32> to vector<1x128xf32>
    %max3A_1365 = vector.broadcast %slice3A_1225 : vector<128x1xf32> to vector<128x128xf32>
    %max3A_1366 = vector.broadcast %slice3A_1364 : vector<1x128xf32> to vector<128x128xf32>
    %max3A_1367 = arith.maximumf %max3A_1365, %max3A_1366 : vector<128x128xf32>
    %slice3A_1368 = vector.extract_strided_slice %slice3A_30 {offsets = [0, 896], sizes = [1, 128], strides = [1, 1]} : vector<1x1024xf32> to vector<1x128xf32>
    %max3A_1369 = vector.broadcast %slice3A_1226 : vector<128x1xf32> to vector<128x128xf32>
    %max3A_1370 = vector.broadcast %slice3A_1368 : vector<1x128xf32> to vector<128x128xf32>
    %max3A_1371 = arith.maximumf %max3A_1369, %max3A_1370 : vector<128x128xf32>
    %slice3A_1372 = vector.extract_strided_slice %slice3A_31 {offsets = [0, 896], sizes = [1, 128], strides = [1, 1]} : vector<1x1024xf32> to vector<1x128xf32>
    %min3A_1373 = vector.broadcast %slice3A_1227 : vector<128x1xf32> to vector<128x128xf32>
    %min3A_1374 = vector.broadcast %slice3A_1372 : vector<1x128xf32> to vector<128x128xf32>
    %min3A_1375 = arith.minimumf %min3A_1373, %min3A_1374 : vector<128x128xf32>
    %slice3A_1376 = vector.extract_strided_slice %slice3A_32 {offsets = [0, 896], sizes = [1, 128], strides = [1, 1]} : vector<1x1024xf32> to vector<1x128xf32>
    %min3A_1377 = vector.broadcast %slice3A_1228 : vector<128x1xf32> to vector<128x128xf32>
    %min3A_1378 = vector.broadcast %slice3A_1376 : vector<1x128xf32> to vector<128x128xf32>
    %min3A_1379 = arith.minimumf %min3A_1377, %min3A_1378 : vector<128x128xf32>
    %sub3A_1380 = arith.subf %min3A_1375, %max3A_1367 : vector<128x128xf32>
    %jit3A_1381 = arith.constant 0.000000e+00 : f32
    %max3A_1382 = vector.broadcast %jit3A_1381 : f32 to vector<128x128xf32>
    %max3A_1383 = arith.maximumf %max3A_1382, %sub3A_1380 : vector<128x128xf32>
    %sub3A_1384 = arith.subf %min3A_1379, %max3A_1371 : vector<128x128xf32>
    %jit3A_1385 = arith.constant 0.000000e+00 : f32
    %max3A_1386 = vector.broadcast %jit3A_1385 : f32 to vector<128x128xf32>
    %max3A_1387 = arith.maximumf %max3A_1386, %sub3A_1384 : vector<128x128xf32>
    %mul3A_1388 = arith.mulf %max3A_1383, %max3A_1387 : vector<128x128xf32>
    %slice3A_1389 = vector.extract_strided_slice %mul3A_48 {offsets = [0, 896], sizes = [1, 128], strides = [1, 1]} : vector<1x1024xf32> to vector<1x128xf32>
    %add3A_1390 = vector.broadcast %slice3A_1229 : vector<128x1xf32> to vector<128x128xf32>
    %add3A_1391 = vector.broadcast %slice3A_1389 : vector<1x128xf32> to vector<128x128xf32>
    %add3A_1392 = arith.addf %add3A_1390, %add3A_1391 : vector<128x128xf32>
    %sub3A_1393 = arith.subf %add3A_1392, %mul3A_1388 : vector<128x128xf32>
    %max3A_1394 = arith.constant 9.99999971E-10 : f32
    %max3A_1395 = vector.broadcast %max3A_1394 : f32 to vector<128x128xf32>
    %max3A_1396 = arith.maximumf %sub3A_1393, %max3A_1395 : vector<128x128xf32>
    %div3A_1397 = arith.divf %mul3A_1388, %max3A_1396 : vector<128x128xf32>
    %gt3A_1398 = arith.constant 3.000000e-01 : f32
    %gt3A_1399 = vector.broadcast %gt3A_1398 : f32 to vector<128x128xf32>
    %gt3A_1400 = arith.cmpf ogt, %div3A_1397, %gt3A_1399 : vector<128x128xf32>
    %convert_element_type3A_1401 = arith.extui %gt3A_1400 : vector<128x128xi1> to vector<128x128xi8>
    %swap3A_1402 = arith.index_cast %arg0 : i32 to index
    %swap3A_1403 = arith.constant 512 : index
    %swap3A_1404 = arith.constant 896 : index
    %swap3A_1405 = vector.load %arg7[%swap3A_1402, %swap3A_1403, %swap3A_1404] : memref<20x1024x1024xi8, #tpu.memory_space<vmem>>, vector<1x128x128xi8>
    %swap3A_1406 = vector.shape_cast %swap3A_1405 : vector<1x128x128xi8> to vector<128x128xi8>
    %swap3A_1407 = vector.shape_cast %convert_element_type3A_1401 : vector<128x128xi8> to vector<1x128x128xi8>
    tpu.vector_store %arg7[%swap3A_1402, %swap3A_1403, %swap3A_1404], %swap3A_1407 {strides = array<i32>} : memref<20x1024x1024xi8, #tpu.memory_space<vmem>>, vector<1x128x128xi8>,
    %slice3A_1408 = vector.extract_strided_slice %slice3A_33 {offsets = [640, 0], sizes = [128, 1], strides = [1, 1]} : vector<1024x1xf32> to vector<128x1xf32>
    %slice3A_1409 = vector.extract_strided_slice %slice3A_34 {offsets = [640, 0], sizes = [128, 1], strides = [1, 1]} : vector<1024x1xf32> to vector<128x1xf32>
    %slice3A_1410 = vector.extract_strided_slice %slice3A_35 {offsets = [640, 0], sizes = [128, 1], strides = [1, 1]} : vector<1024x1xf32> to vector<128x1xf32>
    %slice3A_1411 = vector.extract_strided_slice %slice3A_36 {offsets = [640, 0], sizes = [128, 1], strides = [1, 1]} : vector<1024x1xf32> to vector<128x1xf32>
    %slice3A_1412 = vector.extract_strided_slice %mul3A {offsets = [640, 0], sizes = [128, 1], strides = [1, 1]} : vector<1024x1xf32> to vector<128x1xf32>
    %slice3A_1413 = vector.extract_strided_slice %slice3A_29 {offsets = [0, 640], sizes = [1, 128], strides = [1, 1]} : vector<1x1024xf32> to vector<1x128xf32>
    %max3A_1414 = vector.broadcast %slice3A_1408 : vector<128x1xf32> to vector<128x128xf32>
    %max3A_1415 = vector.broadcast %slice3A_1413 : vector<1x128xf32> to vector<128x128xf32>
    %max3A_1416 = arith.maximumf %max3A_1414, %max3A_1415 : vector<128x128xf32>
    %slice3A_1417 = vector.extract_strided_slice %slice3A_30 {offsets = [0, 640], sizes = [1, 128], strides = [1, 1]} : vector<1x1024xf32> to vector<1x128xf32>
    %max3A_1418 = vector.broadcast %slice3A_1409 : vector<128x1xf32> to vector<128x128xf32>
    %max3A_1419 = vector.broadcast %slice3A_1417 : vector<1x128xf32> to vector<128x128xf32>
    %max3A_1420 = arith.maximumf %max3A_1418, %max3A_1419 : vector<128x128xf32>
    %slice3A_1421 = vector.extract_strided_slice %slice3A_31 {offsets = [0, 640], sizes = [1, 128], strides = [1, 1]} : vector<1x1024xf32> to vector<1x128xf32>
    %min3A_1422 = vector.broadcast %slice3A_1410 : vector<128x1xf32> to vector<128x128xf32>
    %min3A_1423 = vector.broadcast %slice3A_1421 : vector<1x128xf32> to vector<128x128xf32>
    %min3A_1424 = arith.minimumf %min3A_1422, %min3A_1423 : vector<128x128xf32>
    %slice3A_1425 = vector.extract_strided_slice %slice3A_32 {offsets = [0, 640], sizes = [1, 128], strides = [1, 1]} : vector<1x1024xf32> to vector<1x128xf32>
    %min3A_1426 = vector.broadcast %slice3A_1411 : vector<128x1xf32> to vector<128x128xf32>
    %min3A_1427 = vector.broadcast %slice3A_1425 : vector<1x128xf32> to vector<128x128xf32>
    %min3A_1428 = arith.minimumf %min3A_1426, %min3A_1427 : vector<128x128xf32>
    %sub3A_1429 = arith.subf %min3A_1424, %max3A_1416 : vector<128x128xf32>
    %jit3A_1430 = arith.constant 0.000000e+00 : f32
    %max3A_1431 = vector.broadcast %jit3A_1430 : f32 to vector<128x128xf32>
    %max3A_1432 = arith.maximumf %max3A_1431, %sub3A_1429 : vector<128x128xf32>
    %sub3A_1433 = arith.subf %min3A_1428, %max3A_1420 : vector<128x128xf32>
    %jit3A_1434 = arith.constant 0.000000e+00 : f32
    %max3A_1435 = vector.broadcast %jit3A_1434 : f32 to vector<128x128xf32>
    %max3A_1436 = arith.maximumf %max3A_1435, %sub3A_1433 : vector<128x128xf32>
    %mul3A_1437 = arith.mulf %max3A_1432, %max3A_1436 : vector<128x128xf32>
    %slice3A_1438 = vector.extract_strided_slice %mul3A_48 {offsets = [0, 640], sizes = [1, 128], strides = [1, 1]} : vector<1x1024xf32> to vector<1x128xf32>
    %add3A_1439 = vector.broadcast %slice3A_1412 : vector<128x1xf32> to vector<128x128xf32>
    %add3A_1440 = vector.broadcast %slice3A_1438 : vector<1x128xf32> to vector<128x128xf32>
    %add3A_1441 = arith.addf %add3A_1439, %add3A_1440 : vector<128x128xf32>
    %sub3A_1442 = arith.subf %add3A_1441, %mul3A_1437 : vector<128x128xf32>
    %max3A_1443 = arith.constant 9.99999971E-10 : f32
    %max3A_1444 = vector.broadcast %max3A_1443 : f32 to vector<128x128xf32>
    %max3A_1445 = arith.maximumf %sub3A_1442, %max3A_1444 : vector<128x128xf32>
    %div3A_1446 = arith.divf %mul3A_1437, %max3A_1445 : vector<128x128xf32>
    %gt3A_1447 = arith.constant 3.000000e-01 : f32
    %gt3A_1448 = vector.broadcast %gt3A_1447 : f32 to vector<128x128xf32>
    %gt3A_1449 = arith.cmpf ogt, %div3A_1446, %gt3A_1448 : vector<128x128xf32>
    %gt3A_1450 = arith.cmpi sgt, %iota3A_57, %iota3A_56 : vector<128x128xi32>
    %and3A_1451 = arith.andi %gt3A_1449, %gt3A_1450 : vector<128x128xi1>
    %convert_element_type3A_1452 = arith.extui %and3A_1451 : vector<128x128xi1> to vector<128x128xi8>
    %swap3A_1453 = arith.index_cast %arg0 : i32 to index
    %swap3A_1454 = arith.constant 640 : index
    %swap3A_1455 = arith.constant 640 : index
    %swap3A_1456 = vector.load %arg7[%swap3A_1453, %swap3A_1454, %swap3A_1455] : memref<20x1024x1024xi8, #tpu.memory_space<vmem>>, vector<1x128x128xi8>
    %swap3A_1457 = vector.shape_cast %swap3A_1456 : vector<1x128x128xi8> to vector<128x128xi8>
    %swap3A_1458 = vector.shape_cast %convert_element_type3A_1452 : vector<128x128xi8> to vector<1x128x128xi8>
    tpu.vector_store %arg7[%swap3A_1453, %swap3A_1454, %swap3A_1455], %swap3A_1458 {strides = array<i32>} : memref<20x1024x1024xi8, #tpu.memory_space<vmem>>, vector<1x128x128xi8>,
    %slice3A_1459 = vector.extract_strided_slice %slice3A_29 {offsets = [0, 768], sizes = [1, 128], strides = [1, 1]} : vector<1x1024xf32> to vector<1x128xf32>
    %max3A_1460 = vector.broadcast %slice3A_1408 : vector<128x1xf32> to vector<128x128xf32>
    %max3A_1461 = vector.broadcast %slice3A_1459 : vector<1x128xf32> to vector<128x128xf32>
    %max3A_1462 = arith.maximumf %max3A_1460, %max3A_1461 : vector<128x128xf32>
    %slice3A_1463 = vector.extract_strided_slice %slice3A_30 {offsets = [0, 768], sizes = [1, 128], strides = [1, 1]} : vector<1x1024xf32> to vector<1x128xf32>
    %max3A_1464 = vector.broadcast %slice3A_1409 : vector<128x1xf32> to vector<128x128xf32>
    %max3A_1465 = vector.broadcast %slice3A_1463 : vector<1x128xf32> to vector<128x128xf32>
    %max3A_1466 = arith.maximumf %max3A_1464, %max3A_1465 : vector<128x128xf32>
    %slice3A_1467 = vector.extract_strided_slice %slice3A_31 {offsets = [0, 768], sizes = [1, 128], strides = [1, 1]} : vector<1x1024xf32> to vector<1x128xf32>
    %min3A_1468 = vector.broadcast %slice3A_1410 : vector<128x1xf32> to vector<128x128xf32>
    %min3A_1469 = vector.broadcast %slice3A_1467 : vector<1x128xf32> to vector<128x128xf32>
    %min3A_1470 = arith.minimumf %min3A_1468, %min3A_1469 : vector<128x128xf32>
    %slice3A_1471 = vector.extract_strided_slice %slice3A_32 {offsets = [0, 768], sizes = [1, 128], strides = [1, 1]} : vector<1x1024xf32> to vector<1x128xf32>
    %min3A_1472 = vector.broadcast %slice3A_1411 : vector<128x1xf32> to vector<128x128xf32>
    %min3A_1473 = vector.broadcast %slice3A_1471 : vector<1x128xf32> to vector<128x128xf32>
    %min3A_1474 = arith.minimumf %min3A_1472, %min3A_1473 : vector<128x128xf32>
    %sub3A_1475 = arith.subf %min3A_1470, %max3A_1462 : vector<128x128xf32>
    %jit3A_1476 = arith.constant 0.000000e+00 : f32
    %max3A_1477 = vector.broadcast %jit3A_1476 : f32 to vector<128x128xf32>
    %max3A_1478 = arith.maximumf %max3A_1477, %sub3A_1475 : vector<128x128xf32>
    %sub3A_1479 = arith.subf %min3A_1474, %max3A_1466 : vector<128x128xf32>
    %jit3A_1480 = arith.constant 0.000000e+00 : f32
    %max3A_1481 = vector.broadcast %jit3A_1480 : f32 to vector<128x128xf32>
    %max3A_1482 = arith.maximumf %max3A_1481, %sub3A_1479 : vector<128x128xf32>
    %mul3A_1483 = arith.mulf %max3A_1478, %max3A_1482 : vector<128x128xf32>
    %slice3A_1484 = vector.extract_strided_slice %mul3A_48 {offsets = [0, 768], sizes = [1, 128], strides = [1, 1]} : vector<1x1024xf32> to vector<1x128xf32>
    %add3A_1485 = vector.broadcast %slice3A_1412 : vector<128x1xf32> to vector<128x128xf32>
    %add3A_1486 = vector.broadcast %slice3A_1484 : vector<1x128xf32> to vector<128x128xf32>
    %add3A_1487 = arith.addf %add3A_1485, %add3A_1486 : vector<128x128xf32>
    %sub3A_1488 = arith.subf %add3A_1487, %mul3A_1483 : vector<128x128xf32>
    %max3A_1489 = arith.constant 9.99999971E-10 : f32
    %max3A_1490 = vector.broadcast %max3A_1489 : f32 to vector<128x128xf32>
    %max3A_1491 = arith.maximumf %sub3A_1488, %max3A_1490 : vector<128x128xf32>
    %div3A_1492 = arith.divf %mul3A_1483, %max3A_1491 : vector<128x128xf32>
    %gt3A_1493 = arith.constant 3.000000e-01 : f32
    %gt3A_1494 = vector.broadcast %gt3A_1493 : f32 to vector<128x128xf32>
    %gt3A_1495 = arith.cmpf ogt, %div3A_1492, %gt3A_1494 : vector<128x128xf32>
    %convert_element_type3A_1496 = arith.extui %gt3A_1495 : vector<128x128xi1> to vector<128x128xi8>
    %swap3A_1497 = arith.index_cast %arg0 : i32 to index
    %swap3A_1498 = arith.constant 640 : index
    %swap3A_1499 = arith.constant 768 : index
    %swap3A_1500 = vector.load %arg7[%swap3A_1497, %swap3A_1498, %swap3A_1499] : memref<20x1024x1024xi8, #tpu.memory_space<vmem>>, vector<1x128x128xi8>
    %swap3A_1501 = vector.shape_cast %swap3A_1500 : vector<1x128x128xi8> to vector<128x128xi8>
    %swap3A_1502 = vector.shape_cast %convert_element_type3A_1496 : vector<128x128xi8> to vector<1x128x128xi8>
    tpu.vector_store %arg7[%swap3A_1497, %swap3A_1498, %swap3A_1499], %swap3A_1502 {strides = array<i32>} : memref<20x1024x1024xi8, #tpu.memory_space<vmem>>, vector<1x128x128xi8>,
    %slice3A_1503 = vector.extract_strided_slice %slice3A_29 {offsets = [0, 896], sizes = [1, 128], strides = [1, 1]} : vector<1x1024xf32> to vector<1x128xf32>
    %max3A_1504 = vector.broadcast %slice3A_1408 : vector<128x1xf32> to vector<128x128xf32>
    %max3A_1505 = vector.broadcast %slice3A_1503 : vector<1x128xf32> to vector<128x128xf32>
    %max3A_1506 = arith.maximumf %max3A_1504, %max3A_1505 : vector<128x128xf32>
    %slice3A_1507 = vector.extract_strided_slice %slice3A_30 {offsets = [0, 896], sizes = [1, 128], strides = [1, 1]} : vector<1x1024xf32> to vector<1x128xf32>
    %max3A_1508 = vector.broadcast %slice3A_1409 : vector<128x1xf32> to vector<128x128xf32>
    %max3A_1509 = vector.broadcast %slice3A_1507 : vector<1x128xf32> to vector<128x128xf32>
    %max3A_1510 = arith.maximumf %max3A_1508, %max3A_1509 : vector<128x128xf32>
    %slice3A_1511 = vector.extract_strided_slice %slice3A_31 {offsets = [0, 896], sizes = [1, 128], strides = [1, 1]} : vector<1x1024xf32> to vector<1x128xf32>
    %min3A_1512 = vector.broadcast %slice3A_1410 : vector<128x1xf32> to vector<128x128xf32>
    %min3A_1513 = vector.broadcast %slice3A_1511 : vector<1x128xf32> to vector<128x128xf32>
    %min3A_1514 = arith.minimumf %min3A_1512, %min3A_1513 : vector<128x128xf32>
    %slice3A_1515 = vector.extract_strided_slice %slice3A_32 {offsets = [0, 896], sizes = [1, 128], strides = [1, 1]} : vector<1x1024xf32> to vector<1x128xf32>
    %min3A_1516 = vector.broadcast %slice3A_1411 : vector<128x1xf32> to vector<128x128xf32>
    %min3A_1517 = vector.broadcast %slice3A_1515 : vector<1x128xf32> to vector<128x128xf32>
    %min3A_1518 = arith.minimumf %min3A_1516, %min3A_1517 : vector<128x128xf32>
    %sub3A_1519 = arith.subf %min3A_1514, %max3A_1506 : vector<128x128xf32>
    %jit3A_1520 = arith.constant 0.000000e+00 : f32
    %max3A_1521 = vector.broadcast %jit3A_1520 : f32 to vector<128x128xf32>
    %max3A_1522 = arith.maximumf %max3A_1521, %sub3A_1519 : vector<128x128xf32>
    %sub3A_1523 = arith.subf %min3A_1518, %max3A_1510 : vector<128x128xf32>
    %jit3A_1524 = arith.constant 0.000000e+00 : f32
    %max3A_1525 = vector.broadcast %jit3A_1524 : f32 to vector<128x128xf32>
    %max3A_1526 = arith.maximumf %max3A_1525, %sub3A_1523 : vector<128x128xf32>
    %mul3A_1527 = arith.mulf %max3A_1522, %max3A_1526 : vector<128x128xf32>
    %slice3A_1528 = vector.extract_strided_slice %mul3A_48 {offsets = [0, 896], sizes = [1, 128], strides = [1, 1]} : vector<1x1024xf32> to vector<1x128xf32>
    %add3A_1529 = vector.broadcast %slice3A_1412 : vector<128x1xf32> to vector<128x128xf32>
    %add3A_1530 = vector.broadcast %slice3A_1528 : vector<1x128xf32> to vector<128x128xf32>
    %add3A_1531 = arith.addf %add3A_1529, %add3A_1530 : vector<128x128xf32>
    %sub3A_1532 = arith.subf %add3A_1531, %mul3A_1527 : vector<128x128xf32>
    %max3A_1533 = arith.constant 9.99999971E-10 : f32
    %max3A_1534 = vector.broadcast %max3A_1533 : f32 to vector<128x128xf32>
    %max3A_1535 = arith.maximumf %sub3A_1532, %max3A_1534 : vector<128x128xf32>
    %div3A_1536 = arith.divf %mul3A_1527, %max3A_1535 : vector<128x128xf32>
    %gt3A_1537 = arith.constant 3.000000e-01 : f32
    %gt3A_1538 = vector.broadcast %gt3A_1537 : f32 to vector<128x128xf32>
    %gt3A_1539 = arith.cmpf ogt, %div3A_1536, %gt3A_1538 : vector<128x128xf32>
    %convert_element_type3A_1540 = arith.extui %gt3A_1539 : vector<128x128xi1> to vector<128x128xi8>
    %swap3A_1541 = arith.index_cast %arg0 : i32 to index
    %swap3A_1542 = arith.constant 640 : index
    %swap3A_1543 = arith.constant 896 : index
    %swap3A_1544 = vector.load %arg7[%swap3A_1541, %swap3A_1542, %swap3A_1543] : memref<20x1024x1024xi8, #tpu.memory_space<vmem>>, vector<1x128x128xi8>
    %swap3A_1545 = vector.shape_cast %swap3A_1544 : vector<1x128x128xi8> to vector<128x128xi8>
    %swap3A_1546 = vector.shape_cast %convert_element_type3A_1540 : vector<128x128xi8> to vector<1x128x128xi8>
    tpu.vector_store %arg7[%swap3A_1541, %swap3A_1542, %swap3A_1543], %swap3A_1546 {strides = array<i32>} : memref<20x1024x1024xi8, #tpu.memory_space<vmem>>, vector<1x128x128xi8>,
    %slice3A_1547 = vector.extract_strided_slice %slice3A_33 {offsets = [768, 0], sizes = [128, 1], strides = [1, 1]} : vector<1024x1xf32> to vector<128x1xf32>
    %slice3A_1548 = vector.extract_strided_slice %slice3A_34 {offsets = [768, 0], sizes = [128, 1], strides = [1, 1]} : vector<1024x1xf32> to vector<128x1xf32>
    %slice3A_1549 = vector.extract_strided_slice %slice3A_35 {offsets = [768, 0], sizes = [128, 1], strides = [1, 1]} : vector<1024x1xf32> to vector<128x1xf32>
    %slice3A_1550 = vector.extract_strided_slice %slice3A_36 {offsets = [768, 0], sizes = [128, 1], strides = [1, 1]} : vector<1024x1xf32> to vector<128x1xf32>
    %slice3A_1551 = vector.extract_strided_slice %mul3A {offsets = [768, 0], sizes = [128, 1], strides = [1, 1]} : vector<1024x1xf32> to vector<128x1xf32>
    %slice3A_1552 = vector.extract_strided_slice %slice3A_29 {offsets = [0, 768], sizes = [1, 128], strides = [1, 1]} : vector<1x1024xf32> to vector<1x128xf32>
    %max3A_1553 = vector.broadcast %slice3A_1547 : vector<128x1xf32> to vector<128x128xf32>
    %max3A_1554 = vector.broadcast %slice3A_1552 : vector<1x128xf32> to vector<128x128xf32>
    %max3A_1555 = arith.maximumf %max3A_1553, %max3A_1554 : vector<128x128xf32>
    %slice3A_1556 = vector.extract_strided_slice %slice3A_30 {offsets = [0, 768], sizes = [1, 128], strides = [1, 1]} : vector<1x1024xf32> to vector<1x128xf32>
    %max3A_1557 = vector.broadcast %slice3A_1548 : vector<128x1xf32> to vector<128x128xf32>
    %max3A_1558 = vector.broadcast %slice3A_1556 : vector<1x128xf32> to vector<128x128xf32>
    %max3A_1559 = arith.maximumf %max3A_1557, %max3A_1558 : vector<128x128xf32>
    %slice3A_1560 = vector.extract_strided_slice %slice3A_31 {offsets = [0, 768], sizes = [1, 128], strides = [1, 1]} : vector<1x1024xf32> to vector<1x128xf32>
    %min3A_1561 = vector.broadcast %slice3A_1549 : vector<128x1xf32> to vector<128x128xf32>
    %min3A_1562 = vector.broadcast %slice3A_1560 : vector<1x128xf32> to vector<128x128xf32>
    %min3A_1563 = arith.minimumf %min3A_1561, %min3A_1562 : vector<128x128xf32>
    %slice3A_1564 = vector.extract_strided_slice %slice3A_32 {offsets = [0, 768], sizes = [1, 128], strides = [1, 1]} : vector<1x1024xf32> to vector<1x128xf32>
    %min3A_1565 = vector.broadcast %slice3A_1550 : vector<128x1xf32> to vector<128x128xf32>
    %min3A_1566 = vector.broadcast %slice3A_1564 : vector<1x128xf32> to vector<128x128xf32>
    %min3A_1567 = arith.minimumf %min3A_1565, %min3A_1566 : vector<128x128xf32>
    %sub3A_1568 = arith.subf %min3A_1563, %max3A_1555 : vector<128x128xf32>
    %jit3A_1569 = arith.constant 0.000000e+00 : f32
    %max3A_1570 = vector.broadcast %jit3A_1569 : f32 to vector<128x128xf32>
    %max3A_1571 = arith.maximumf %max3A_1570, %sub3A_1568 : vector<128x128xf32>
    %sub3A_1572 = arith.subf %min3A_1567, %max3A_1559 : vector<128x128xf32>
    %jit3A_1573 = arith.constant 0.000000e+00 : f32
    %max3A_1574 = vector.broadcast %jit3A_1573 : f32 to vector<128x128xf32>
    %max3A_1575 = arith.maximumf %max3A_1574, %sub3A_1572 : vector<128x128xf32>
    %mul3A_1576 = arith.mulf %max3A_1571, %max3A_1575 : vector<128x128xf32>
    %slice3A_1577 = vector.extract_strided_slice %mul3A_48 {offsets = [0, 768], sizes = [1, 128], strides = [1, 1]} : vector<1x1024xf32> to vector<1x128xf32>
    %add3A_1578 = vector.broadcast %slice3A_1551 : vector<128x1xf32> to vector<128x128xf32>
    %add3A_1579 = vector.broadcast %slice3A_1577 : vector<1x128xf32> to vector<128x128xf32>
    %add3A_1580 = arith.addf %add3A_1578, %add3A_1579 : vector<128x128xf32>
    %sub3A_1581 = arith.subf %add3A_1580, %mul3A_1576 : vector<128x128xf32>
    %max3A_1582 = arith.constant 9.99999971E-10 : f32
    %max3A_1583 = vector.broadcast %max3A_1582 : f32 to vector<128x128xf32>
    %max3A_1584 = arith.maximumf %sub3A_1581, %max3A_1583 : vector<128x128xf32>
    %div3A_1585 = arith.divf %mul3A_1576, %max3A_1584 : vector<128x128xf32>
    %gt3A_1586 = arith.constant 3.000000e-01 : f32
    %gt3A_1587 = vector.broadcast %gt3A_1586 : f32 to vector<128x128xf32>
    %gt3A_1588 = arith.cmpf ogt, %div3A_1585, %gt3A_1587 : vector<128x128xf32>
    %gt3A_1589 = arith.cmpi sgt, %iota3A_57, %iota3A_56 : vector<128x128xi32>
    %and3A_1590 = arith.andi %gt3A_1588, %gt3A_1589 : vector<128x128xi1>
    %convert_element_type3A_1591 = arith.extui %and3A_1590 : vector<128x128xi1> to vector<128x128xi8>
    %swap3A_1592 = arith.index_cast %arg0 : i32 to index
    %swap3A_1593 = arith.constant 768 : index
    %swap3A_1594 = arith.constant 768 : index
    %swap3A_1595 = vector.load %arg7[%swap3A_1592, %swap3A_1593, %swap3A_1594] : memref<20x1024x1024xi8, #tpu.memory_space<vmem>>, vector<1x128x128xi8>
    %swap3A_1596 = vector.shape_cast %swap3A_1595 : vector<1x128x128xi8> to vector<128x128xi8>
    %swap3A_1597 = vector.shape_cast %convert_element_type3A_1591 : vector<128x128xi8> to vector<1x128x128xi8>
    tpu.vector_store %arg7[%swap3A_1592, %swap3A_1593, %swap3A_1594], %swap3A_1597 {strides = array<i32>} : memref<20x1024x1024xi8, #tpu.memory_space<vmem>>, vector<1x128x128xi8>,
    %slice3A_1598 = vector.extract_strided_slice %slice3A_29 {offsets = [0, 896], sizes = [1, 128], strides = [1, 1]} : vector<1x1024xf32> to vector<1x128xf32>
    %max3A_1599 = vector.broadcast %slice3A_1547 : vector<128x1xf32> to vector<128x128xf32>
    %max3A_1600 = vector.broadcast %slice3A_1598 : vector<1x128xf32> to vector<128x128xf32>
    %max3A_1601 = arith.maximumf %max3A_1599, %max3A_1600 : vector<128x128xf32>
    %slice3A_1602 = vector.extract_strided_slice %slice3A_30 {offsets = [0, 896], sizes = [1, 128], strides = [1, 1]} : vector<1x1024xf32> to vector<1x128xf32>
    %max3A_1603 = vector.broadcast %slice3A_1548 : vector<128x1xf32> to vector<128x128xf32>
    %max3A_1604 = vector.broadcast %slice3A_1602 : vector<1x128xf32> to vector<128x128xf32>
    %max3A_1605 = arith.maximumf %max3A_1603, %max3A_1604 : vector<128x128xf32>
    %slice3A_1606 = vector.extract_strided_slice %slice3A_31 {offsets = [0, 896], sizes = [1, 128], strides = [1, 1]} : vector<1x1024xf32> to vector<1x128xf32>
    %min3A_1607 = vector.broadcast %slice3A_1549 : vector<128x1xf32> to vector<128x128xf32>
    %min3A_1608 = vector.broadcast %slice3A_1606 : vector<1x128xf32> to vector<128x128xf32>
    %min3A_1609 = arith.minimumf %min3A_1607, %min3A_1608 : vector<128x128xf32>
    %slice3A_1610 = vector.extract_strided_slice %slice3A_32 {offsets = [0, 896], sizes = [1, 128], strides = [1, 1]} : vector<1x1024xf32> to vector<1x128xf32>
    %min3A_1611 = vector.broadcast %slice3A_1550 : vector<128x1xf32> to vector<128x128xf32>
    %min3A_1612 = vector.broadcast %slice3A_1610 : vector<1x128xf32> to vector<128x128xf32>
    %min3A_1613 = arith.minimumf %min3A_1611, %min3A_1612 : vector<128x128xf32>
    %sub3A_1614 = arith.subf %min3A_1609, %max3A_1601 : vector<128x128xf32>
    %jit3A_1615 = arith.constant 0.000000e+00 : f32
    %max3A_1616 = vector.broadcast %jit3A_1615 : f32 to vector<128x128xf32>
    %max3A_1617 = arith.maximumf %max3A_1616, %sub3A_1614 : vector<128x128xf32>
    %sub3A_1618 = arith.subf %min3A_1613, %max3A_1605 : vector<128x128xf32>
    %jit3A_1619 = arith.constant 0.000000e+00 : f32
    %max3A_1620 = vector.broadcast %jit3A_1619 : f32 to vector<128x128xf32>
    %max3A_1621 = arith.maximumf %max3A_1620, %sub3A_1618 : vector<128x128xf32>
    %mul3A_1622 = arith.mulf %max3A_1617, %max3A_1621 : vector<128x128xf32>
    %slice3A_1623 = vector.extract_strided_slice %mul3A_48 {offsets = [0, 896], sizes = [1, 128], strides = [1, 1]} : vector<1x1024xf32> to vector<1x128xf32>
    %add3A_1624 = vector.broadcast %slice3A_1551 : vector<128x1xf32> to vector<128x128xf32>
    %add3A_1625 = vector.broadcast %slice3A_1623 : vector<1x128xf32> to vector<128x128xf32>
    %add3A_1626 = arith.addf %add3A_1624, %add3A_1625 : vector<128x128xf32>
    %sub3A_1627 = arith.subf %add3A_1626, %mul3A_1622 : vector<128x128xf32>
    %max3A_1628 = arith.constant 9.99999971E-10 : f32
    %max3A_1629 = vector.broadcast %max3A_1628 : f32 to vector<128x128xf32>
    %max3A_1630 = arith.maximumf %sub3A_1627, %max3A_1629 : vector<128x128xf32>
    %div3A_1631 = arith.divf %mul3A_1622, %max3A_1630 : vector<128x128xf32>
    %gt3A_1632 = arith.constant 3.000000e-01 : f32
    %gt3A_1633 = vector.broadcast %gt3A_1632 : f32 to vector<128x128xf32>
    %gt3A_1634 = arith.cmpf ogt, %div3A_1631, %gt3A_1633 : vector<128x128xf32>
    %convert_element_type3A_1635 = arith.extui %gt3A_1634 : vector<128x128xi1> to vector<128x128xi8>
    %swap3A_1636 = arith.index_cast %arg0 : i32 to index
    %swap3A_1637 = arith.constant 768 : index
    %swap3A_1638 = arith.constant 896 : index
    %swap3A_1639 = vector.load %arg7[%swap3A_1636, %swap3A_1637, %swap3A_1638] : memref<20x1024x1024xi8, #tpu.memory_space<vmem>>, vector<1x128x128xi8>
    %swap3A_1640 = vector.shape_cast %swap3A_1639 : vector<1x128x128xi8> to vector<128x128xi8>
    %swap3A_1641 = vector.shape_cast %convert_element_type3A_1635 : vector<128x128xi8> to vector<1x128x128xi8>
    tpu.vector_store %arg7[%swap3A_1636, %swap3A_1637, %swap3A_1638], %swap3A_1641 {strides = array<i32>} : memref<20x1024x1024xi8, #tpu.memory_space<vmem>>, vector<1x128x128xi8>,
    %slice3A_1642 = vector.extract_strided_slice %slice3A_33 {offsets = [896, 0], sizes = [128, 1], strides = [1, 1]} : vector<1024x1xf32> to vector<128x1xf32>
    %slice3A_1643 = vector.extract_strided_slice %slice3A_34 {offsets = [896, 0], sizes = [128, 1], strides = [1, 1]} : vector<1024x1xf32> to vector<128x1xf32>
    %slice3A_1644 = vector.extract_strided_slice %slice3A_35 {offsets = [896, 0], sizes = [128, 1], strides = [1, 1]} : vector<1024x1xf32> to vector<128x1xf32>
    %slice3A_1645 = vector.extract_strided_slice %slice3A_36 {offsets = [896, 0], sizes = [128, 1], strides = [1, 1]} : vector<1024x1xf32> to vector<128x1xf32>
    %slice3A_1646 = vector.extract_strided_slice %mul3A {offsets = [896, 0], sizes = [128, 1], strides = [1, 1]} : vector<1024x1xf32> to vector<128x1xf32>
    %slice3A_1647 = vector.extract_strided_slice %slice3A_29 {offsets = [0, 896], sizes = [1, 128], strides = [1, 1]} : vector<1x1024xf32> to vector<1x128xf32>
    %max3A_1648 = vector.broadcast %slice3A_1642 : vector<128x1xf32> to vector<128x128xf32>
    %max3A_1649 = vector.broadcast %slice3A_1647 : vector<1x128xf32> to vector<128x128xf32>
    %max3A_1650 = arith.maximumf %max3A_1648, %max3A_1649 : vector<128x128xf32>
    %slice3A_1651 = vector.extract_strided_slice %slice3A_30 {offsets = [0, 896], sizes = [1, 128], strides = [1, 1]} : vector<1x1024xf32> to vector<1x128xf32>
    %max3A_1652 = vector.broadcast %slice3A_1643 : vector<128x1xf32> to vector<128x128xf32>
    %max3A_1653 = vector.broadcast %slice3A_1651 : vector<1x128xf32> to vector<128x128xf32>
    %max3A_1654 = arith.maximumf %max3A_1652, %max3A_1653 : vector<128x128xf32>
    %slice3A_1655 = vector.extract_strided_slice %slice3A_31 {offsets = [0, 896], sizes = [1, 128], strides = [1, 1]} : vector<1x1024xf32> to vector<1x128xf32>
    %min3A_1656 = vector.broadcast %slice3A_1644 : vector<128x1xf32> to vector<128x128xf32>
    %min3A_1657 = vector.broadcast %slice3A_1655 : vector<1x128xf32> to vector<128x128xf32>
    %min3A_1658 = arith.minimumf %min3A_1656, %min3A_1657 : vector<128x128xf32>
    %slice3A_1659 = vector.extract_strided_slice %slice3A_32 {offsets = [0, 896], sizes = [1, 128], strides = [1, 1]} : vector<1x1024xf32> to vector<1x128xf32>
    %min3A_1660 = vector.broadcast %slice3A_1645 : vector<128x1xf32> to vector<128x128xf32>
    %min3A_1661 = vector.broadcast %slice3A_1659 : vector<1x128xf32> to vector<128x128xf32>
    %min3A_1662 = arith.minimumf %min3A_1660, %min3A_1661 : vector<128x128xf32>
    %sub3A_1663 = arith.subf %min3A_1658, %max3A_1650 : vector<128x128xf32>
    %jit3A_1664 = arith.constant 0.000000e+00 : f32
    %max3A_1665 = vector.broadcast %jit3A_1664 : f32 to vector<128x128xf32>
    %max3A_1666 = arith.maximumf %max3A_1665, %sub3A_1663 : vector<128x128xf32>
    %sub3A_1667 = arith.subf %min3A_1662, %max3A_1654 : vector<128x128xf32>
    %jit3A_1668 = arith.constant 0.000000e+00 : f32
    %max3A_1669 = vector.broadcast %jit3A_1668 : f32 to vector<128x128xf32>
    %max3A_1670 = arith.maximumf %max3A_1669, %sub3A_1667 : vector<128x128xf32>
    %mul3A_1671 = arith.mulf %max3A_1666, %max3A_1670 : vector<128x128xf32>
    %slice3A_1672 = vector.extract_strided_slice %mul3A_48 {offsets = [0, 896], sizes = [1, 128], strides = [1, 1]} : vector<1x1024xf32> to vector<1x128xf32>
    %add3A_1673 = vector.broadcast %slice3A_1646 : vector<128x1xf32> to vector<128x128xf32>
    %add3A_1674 = vector.broadcast %slice3A_1672 : vector<1x128xf32> to vector<128x128xf32>
    %add3A_1675 = arith.addf %add3A_1673, %add3A_1674 : vector<128x128xf32>
    %sub3A_1676 = arith.subf %add3A_1675, %mul3A_1671 : vector<128x128xf32>
    %max3A_1677 = arith.constant 9.99999971E-10 : f32
    %max3A_1678 = vector.broadcast %max3A_1677 : f32 to vector<128x128xf32>
    %max3A_1679 = arith.maximumf %sub3A_1676, %max3A_1678 : vector<128x128xf32>
    %div3A_1680 = arith.divf %mul3A_1671, %max3A_1679 : vector<128x128xf32>
    %gt3A_1681 = arith.constant 3.000000e-01 : f32
    %gt3A_1682 = vector.broadcast %gt3A_1681 : f32 to vector<128x128xf32>
    %gt3A_1683 = arith.cmpf ogt, %div3A_1680, %gt3A_1682 : vector<128x128xf32>
    %gt3A_1684 = arith.cmpi sgt, %iota3A_57, %iota3A_56 : vector<128x128xi32>
    %and3A_1685 = arith.andi %gt3A_1683, %gt3A_1684 : vector<128x128xi1>
    %convert_element_type3A_1686 = arith.extui %and3A_1685 : vector<128x128xi1> to vector<128x128xi8>
    %swap3A_1687 = arith.index_cast %arg0 : i32 to index
    %swap3A_1688 = arith.constant 896 : index
    %swap3A_1689 = arith.constant 896 : index
    %swap3A_1690 = vector.load %arg7[%swap3A_1687, %swap3A_1688, %swap3A_1689] : memref<20x1024x1024xi8, #tpu.memory_space<vmem>>, vector<1x128x128xi8>
    %swap3A_1691 = vector.shape_cast %swap3A_1690 : vector<1x128x128xi8> to vector<128x128xi8>
    %swap3A_1692 = vector.shape_cast %convert_element_type3A_1686 : vector<128x128xi8> to vector<1x128x128xi8>
    tpu.vector_store %arg7[%swap3A_1687, %swap3A_1688, %swap3A_1689], %swap3A_1692 {strides = array<i32>} : memref<20x1024x1024xi8, #tpu.memory_space<vmem>>, vector<1x128x128xi8>,
    %slice3A_1693 = vector.extract_strided_slice %dot_general3A_27 {offsets = [0, 1], sizes = [1000, 4], strides = [1, 1]} : vector<1024x5xf32> to vector<1000x4xf32>
    %reshape3A_1694 = vector.shape_cast %slice3A_1693 : vector<1000x4xf32> to vector<1x1000x4xf32>
    %swap3A_1695 = arith.constant 0 : index
    %swap3A_1696 = arith.constant 0 : index
    %swap3A_1697 = arith.constant 0 : index
    %swap3A_1698 = vector.load %arg3[%swap3A_1695, %swap3A_1696, %swap3A_1697] : memref<1x1000x4xf32, #tpu.memory_space<vmem>>, vector<1x1000x4xf32>
    tpu.vector_store %arg3[%swap3A_1695, %swap3A_1696, %swap3A_1697], %reshape3A_1694 {strides = array<i32>} : memref<1x1000x4xf32, #tpu.memory_space<vmem>>, vector<1x1000x4xf32>,
    %broadcast_in_dim3A_1699 = vector.broadcast %arg0 : i32 to vector<1x1x1000xi32>
    %swap3A_1700 = arith.constant 0 : index
    %swap3A_1701 = arith.constant 0 : index
    %swap3A_1702 = arith.constant 0 : index
    %swap3A_1703 = vector.load %arg4[%swap3A_1700, %swap3A_1701, %swap3A_1702] : memref<1x1x1000xi32, #tpu.memory_space<vmem>>, vector<1x1x1000xi32>
    tpu.vector_store %arg4[%swap3A_1700, %swap3A_1701, %swap3A_1702], %broadcast_in_dim3A_1699 {strides = array<i32>} : memref<1x1x1000xi32, #tpu.memory_space<vmem>>, vector<1x1x1000xi32>,
    %convert_element_type3A_1704 = arith.extui %and3A_44 : vector<1x1024xi1> to vector<1x1024xi8>
    %swap3A_1705 = arith.index_cast %arg0 : i32 to index
    %swap3A_1706 = arith.constant 0 : index
    %swap3A_1707 = arith.constant 0 : index
    %swap3A_1708 = vector.load %arg8[%swap3A_1705, %swap3A_1706, %swap3A_1707] : memref<20x1x1024xi8, #tpu.memory_space<vmem>>, vector<1x1x1024xi8>
    %swap3A_1709 = vector.shape_cast %swap3A_1708 : vector<1x1x1024xi8> to vector<1x1024xi8>
    %swap3A_1710 = vector.shape_cast %convert_element_type3A_1704 : vector<1x1024xi8> to vector<1x1x1024xi8>
    tpu.vector_store %arg8[%swap3A_1705, %swap3A_1706, %swap3A_1707], %swap3A_1710 {strides = array<i32>} : memref<20x1x1024xi8, #tpu.memory_space<vmem>>, vector<1x1x1024xi8>,
    %swap3A_1711 = arith.index_cast %arg0 : i32 to index
    %swap3A_1712 = arith.constant 0 : index
    %swap3A_1713 = arith.constant 0 : index
    %swap3A_1714 = vector.load %arg9[%swap3A_1711, %swap3A_1712, %swap3A_1713] : memref<20x1x1024xf32, #tpu.memory_space<vmem>>, vector<1x1x1024xf32>
    %swap3A_1715 = vector.shape_cast %swap3A_1714 : vector<1x1x1024xf32> to vector<1x1024xf32>
    %swap3A_1716 = vector.shape_cast %slice3A_28 : vector<1x1024xf32> to vector<1x1x1024xf32>
    tpu.vector_store %arg9[%swap3A_1711, %swap3A_1712, %swap3A_1713], %swap3A_1716 {strides = array<i32>} : memref<20x1x1024xf32, #tpu.memory_space<vmem>>, vector<1x1x1024xf32>,
    %eq3A_1717 = arith.constant 19 : i32
    %eq3A_1718 = arith.cmpi eq, %arg0, %eq3A_1717 : i32
    %convert_element_type3A_1719 = arith.extui %eq3A_1718 : i1 to i32
    %cond3A = arith.constant 0 : i32
    %cond3A_1720 = arith.cmpi ne, %convert_element_type3A_1719, %cond3A : i32
    scf.if %cond3A_1720 {
      %get3A_1721 = arith.constant 0 : index
      %get3A_1722 = arith.constant 0 : index
      %get3A_1723 = arith.constant 0 : index
      %get3A_1724 = vector.load %arg7[%get3A_1721, %get3A_1722, %get3A_1723] : memref<20x1024x1024xi8, #tpu.memory_space<vmem>>, vector<20x1024x1024xi8>
      %get3A_1725 = arith.constant 0 : index
      %get3A_1726 = arith.constant 0 : index
      %get3A_1727 = arith.constant 0 : index
      %get3A_1728 = vector.load %arg8[%get3A_1725, %get3A_1726, %get3A_1727] : memref<20x1x1024xi8, #tpu.memory_space<vmem>>, vector<20x1x1024xi8>
      %convert_element_type3A_1729 = arith.extsi %get3A_1728 : vector<20x1x1024xi8> to vector<20x1x1024xi32>
      %gt3A_1730 = arith.constant 0 : i32
      %gt3A_1731 = vector.broadcast %gt3A_1730 : i32 to vector<20x1x1024xi32>
      %gt3A_1732 = arith.cmpi sgt, %convert_element_type3A_1729, %gt3A_1731 : vector<20x1x1024xi32>
      %get3A_1733 = arith.constant 0 : index
      %get3A_1734 = arith.constant 0 : index
      %get3A_1735 = arith.constant 0 : index
      %get3A_1736 = vector.load %arg9[%get3A_1733, %get3A_1734, %get3A_1735] : memref<20x1x1024xf32, #tpu.memory_space<vmem>>, vector<20x1x1024xf32>
      %convert_element_type3A_1737 = arith.extui %gt3A_1732 : vector<20x1x1024xi1> to vector<20x1x1024xi8>
      %while3A = arith.constant false
      %while3A_1738:2 = scf.while (%while3A_1756 = %convert_element_type3A_1737, %while3A_1757 = %while3A) : (vector<20x1x1024xi8>, i1) -> (vector<20x1x1024xi8>, i1) {
        %not3A = arith.constant true
        %not3A_1758 = arith.xori %while3A_1757, %not3A : i1
        scf.condition(%not3A_1758) %while3A_1756, %while3A_1757 : vector<20x1x1024xi8>, i1
      } do {
      ^bb0(%while3A_1756: vector<20x1x1024xi8>, %while3A_1757: i1):
        %dot_general3A_1758 = arith.constant dense<0> : vector<20x1x1024xi32>
        %dot_general3A_1759 = tpu.matmul %while3A_1756, %get3A_1724, %dot_general3A_1758 {dimension_numbers = #tpu.dot_dimension_numbers<[2], [1], [1], [2], [0, 0, 0, 1, 1, 2], [0], [0]>, transpose_lhs_hint = false} : vector<20x1x1024xi8>, vector<20x1024x1024xi8>, vector<20x1x1024xi32> -> vector<20x1x1024xi32>
        %eq3A_1760 = arith.constant 0 : i32
        %eq3A_1761 = vector.broadcast %eq3A_1760 : i32 to vector<20x1x1024xi32>
        %eq3A_1762 = arith.cmpi eq, %dot_general3A_1759, %eq3A_1761 : vector<20x1x1024xi32>
        %and3A_1763 = arith.andi %eq3A_1762, %gt3A_1732 : vector<20x1x1024xi1>
        %convert_element_type3A_1764 = arith.extui %and3A_1763 : vector<20x1x1024xi1> to vector<20x1x1024xi8>
        %convert_element_type3A_1765 = arith.extsi %convert_element_type3A_1764 : vector<20x1x1024xi8> to vector<20x1x1024xi32>
        %convert_element_type3A_1766 = arith.extsi %while3A_1756 : vector<20x1x1024xi8> to vector<20x1x1024xi32>
        %sub3A_1767 = arith.subi %convert_element_type3A_1765, %convert_element_type3A_1766 : vector<20x1x1024xi32>
        %abs3A = math.absi %sub3A_1767 : vector<20x1x1024xi32>
        %reduce_sum3A_1768 = vector.shape_cast %abs3A : vector<20x1x1024xi32> to vector<1x20x1x1024xi32>
        %reduce_sum3A_1769 = arith.constant dense<0> : vector<1xi32>
        %reduce_sum3A_1770 = vector.multi_reduction <add>, %reduce_sum3A_1768, %reduce_sum3A_1769 [1, 2, 3] : vector<1x20x1x1024xi32> to vector<1xi32>
        %reduce_sum3A_1771 = vector.shape_cast %reduce_sum3A_1770 : vector<1xi32> to vector<1x1x1x1xi32>
        %reduce_sum3A_1772 = vector.extract %reduce_sum3A_1771[0, 0, 0, 0] : i32 from vector<1x1x1x1xi32>
        %eq3A_1773 = arith.constant 0 : i32
        %eq3A_1774 = arith.cmpi eq, %reduce_sum3A_1772, %eq3A_1773 : i32
        scf.yield %convert_element_type3A_1764, %eq3A_1774 : vector<20x1x1024xi8>, i1
      }
      %convert_element_type3A_1739 = arith.extsi %while3A_1738#0 : vector<20x1x1024xi8> to vector<20x1x1024xi32>
      %gt3A_1740 = arith.constant 0 : i32
      %gt3A_1741 = vector.broadcast %gt3A_1740 : i32 to vector<20x1x1024xi32>
      %gt3A_1742 = arith.cmpi sgt, %convert_element_type3A_1739, %gt3A_1741 : vector<20x1x1024xi32>
      %slice3A_1743 = vector.extract_strided_slice %gt3A_1742 {offsets = [0, 0, 0], sizes = [20, 1, 1000], strides = [1, 1, 1]} : vector<20x1x1024xi1> to vector<20x1x1000xi1>
      %convert_element_type3A_1744 = arith.extui %slice3A_1743 : vector<20x1x1000xi1> to vector<20x1x1000xi32>
      %swap3A_1745 = arith.constant 0 : index
      %swap3A_1746 = arith.constant 0 : index
      %swap3A_1747 = arith.constant 0 : index
      %swap3A_1748 = vector.load %arg5[%swap3A_1745, %swap3A_1746, %swap3A_1747] : memref<20x1x1000xi32, #tpu.memory_space<vmem>>, vector<20x1x1000xi32>
      tpu.vector_store %arg5[%swap3A_1745, %swap3A_1746, %swap3A_1747], %convert_element_type3A_1744 {strides = array<i32>} : memref<20x1x1000xi32, #tpu.memory_space<vmem>>, vector<20x1x1000xi32>,
      %jit3A_1749 = arith.constant 0.000000e+00 : f32
      %broadcast_in_dim3A_1750 = vector.broadcast %jit3A_1749 : f32 to vector<20x1x1024xf32>
      %select_n3A = arith.select %gt3A_1742, %get3A_1736, %broadcast_in_dim3A_1750 : vector<20x1x1024xi1>, vector<20x1x1024xf32>
      %slice3A_1751 = vector.extract_strided_slice %select_n3A {offsets = [0, 0, 0], sizes = [20, 1, 1000], strides = [1, 1, 1]} : vector<20x1x1024xf32> to vector<20x1x1000xf32>
      %swap3A_1752 = arith.constant 0 : index
      %swap3A_1753 = arith.constant 0 : index
      %swap3A_1754 = arith.constant 0 : index
      %swap3A_1755 = vector.load %arg6[%swap3A_1752, %swap3A_1753, %swap3A_1754] : memref<20x1x1000xf32, #tpu.memory_space<vmem>>, vector<20x1x1000xf32>
      tpu.vector_store %arg6[%swap3A_1752, %swap3A_1753, %swap3A_1754], %slice3A_1751 {strides = array<i32>} : memref<20x1x1000xf32, #tpu.memory_space<vmem>>, vector<20x1x1000xf32>,
    } else {
    }
    return
  }
  func.func @transform_0(%arg0: i32) -> (i32, i32, i32) {
    %c0_i32 = arith.constant 0 : i32
    %c0_i32_0 = arith.constant 0 : i32
    %c0_i32_1 = arith.constant 0 : i32
    return %arg0, %c0_i32, %c0_i32_0 : i32, i32, i32
  }
  func.func @transform_1(%arg0: i32) -> (i32, i32, i32) {
    %c0_i32 = arith.constant 0 : i32
    %c0_i32_0 = arith.constant 0 : i32
    %c0_i32_1 = arith.constant 0 : i32
    return %arg0, %c0_i32, %c0_i32_0 : i32, i32, i32
  }
  func.func @transform_2(%arg0: i32) -> (i32, i32, i32) {
    %c0_i32 = arith.constant 0 : i32
    %c0_i32_0 = arith.constant 0 : i32
    %c0_i32_1 = arith.constant 0 : i32
    return %arg0, %c0_i32, %c0_i32_0 : i32, i32, i32
  }
  func.func @transform_3(%arg0: i32) -> (i32, i32, i32) {
    %c0_i32 = arith.constant 0 : i32
    %c0_i32_0 = arith.constant 0 : i32
    %c0_i32_1 = arith.constant 0 : i32
    return %arg0, %c0_i32, %c0_i32_0 : i32, i32, i32
  }
  func.func @transform_4(%arg0: i32) -> (i32, i32, i32) {
    %c0_i32 = arith.constant 0 : i32
    %c0_i32_0 = arith.constant 0 : i32
    %c0_i32_1 = arith.constant 0 : i32
    %c0_i32_2 = arith.constant 0 : i32
    return %c0_i32, %c0_i32_0, %c0_i32_1 : i32, i32, i32
  }
  func.func @transform_5(%arg0: i32) -> (i32, i32, i32) {
    %c0_i32 = arith.constant 0 : i32
    %c0_i32_0 = arith.constant 0 : i32
    %c0_i32_1 = arith.constant 0 : i32
    %c0_i32_2 = arith.constant 0 : i32
    return %c0_i32, %c0_i32_0, %c0_i32_1 : i32, i32, i32
  }
}

</mosaic_0001>

<sc_bundles>
// kernel: kernel.5.cloned.1.call-start
scs
__scs_entry_jumppad:
0x0: {  	(pc) =	sbr.rel $0x88, $3  }
0x1: {  	(tag) =	ssettag $0x0;
	lr =	simm.s32 $0x1  }
0x2: {  	[smem:$0x3F9F] =	sst lr;
	_ =	strace $0xD0000000  }
0x3: {  	_ = 	snop  }
0x4: {  	_ = 	snop  }
0x5: {  	_ = 	snop  }
0x6: {  	_ = 	snop  }
0x7: {  	_ = 	snop  }
__scs_overlays_trampoline_lowered:
0x8: {  	[smem:$0x3FAE] =	sst s0  }
0x9: {  	[smem:$0x3FAF] =	sst s1  }
0xa: {  	[smem:$0x3FB0] =	sst s2  }
0xb: {  	[smem:$0x3FB1] =	sst s3  }
0xc: {  	[smem:$0x3FB2] =	sst s4  }
0xd: {  	[smem:$0x3FB3] =	sst s5  }
0xe: {  	[smem:$0x3FB4] =	sst s6  }
0xf: {  	[smem:$0x3FB5] =	sst s7  }
0x10: {  	[smem:$0x3FB6] =	sst s8  }
0x11: {  	[smem:$0x3FB7] =	sst s9;
	s0 =	simm.s32 @!p0 $0x0  }
0x12: {  	s1 =	sld [smem:$0x3F9D];
	s0 =	simm.s32 @p0 $0x1  }
0x13: {  	[smem:$0x3FB8] =	sst s0;
	s0 =	simm.s32 @!p1 $0x0  }
0x14: {  	s2 =	sld [smem:$0x3F9C];
	s0 =	simm.s32 @p1 $0x1  }
0x15: {  	[smem:$0x3FB9] =	sst s0;
	s0 =	simm.s32 @!p2 $0x0  }
0x16: {  	s3 =	sld [smem:$0x3FDB];
	s0 =	simm.s32 @p2 $0x1  }
0x17: {  	s4 =	simm.s32 $0x1BF5;
	[smem:$0x3FBB] =	sst s0  }
0x18: {  	s0 =	sld [smem:$0x3F9E];
	_ =	swait.ge [sflag:s4], $0x0  }
0x19: {  	s7 =	sld [smem:$0x3F9F]  }
0x1a: {  	s8 =	sadd.s32 $0xFFFFE003, lr  }
0x1b: {  	s9 =	sadd.s32 $0xFFFFFEF7, lr;
	s5 =	simm.s32 $0xFFFFFFFF;
	p2 =	slt.u32 s8, $0xFFFFF086  }
0x1c: {  	p1 =	slt.u32 s9, $0xF7A;
	s5 =	simm.s32 @!p2 $0x0  }
0x1d: {  	s5 =	simm.s32 @p1 $0x1;
	p0 =	seq.s32 s7, s2  }
0x1e: {  	s7 =	smul.u32 @!p0 $0xF7A, s2;
	p2 =	seq.s32 @!p0 s5, $0x0  }
0x1f: {  	s9 =	smul.u32 $0xF7A, s1;
	s8 =	simm.s32 @!p0 $0x1BF5;
	p2 =	por !p2, p0  }
0x20: {  	[sflag:s8] =	ssyncset.s32 @!p0 $0xFFFFF086;
	s6 =	sadd.s32 @!p0 s3, s7;
	s7 =	simm.s32 @!p0 $0x108  }
0x21: {  	s3 =	sadd.s32 s3, s9;
	s6 =	sadd.s32 @!p0 $0x88, s6;
	s7 =	simm.s32 @p2 $0x1082  }
0x22: {  	[simem:s7], [sflag:s8] =	dma.local @!p0 [hbm:s6], $0xF7A  }
0x23: {  	s9 =	sor.u32 $0xD0000000, s2;
	s6 =	simm.s32 $0x108;
	_ =	swait.ge @!p0 [sflag:s8], $0x0  }
0x24: {  	s3 =	sadd.s32 $0x88, s3;
	s6 =	simm.s32 @!p1 $0x1082;
	[sflag:s4] =	ssyncset.s32 $0xFFFFF086  }
0x25: {  	[simem:s6], [sflag:s4] =	dma.local [hbm:s3], $0xF7A  }
0x26: {  	[smem:$0x3F9F] =	sst s1;
	(tag) =	ssettag s2;
	_ =	strace s9  }
0x27: {  	s1 =	sld [smem:$0x3FAF]  }
0x28: {  	s2 =	sld [smem:$0x3FB0]  }
0x29: {  	s4 =	sld [smem:$0x3FB2]  }
0x2a: {  	p0 =	seq.s32 s5, $0x0;
	s5 =	sld [smem:$0x3FB3]  }
0x2b: {  	s6 =	sld [smem:$0x3FB4]  }
0x2c: {  	s7 =	sld [smem:$0x3FB5]  }
0x2d: {  	s3 =	simm.s32 $0x108;
	s8 =	sld [smem:$0x3FB6]  }
0x2e: {  	s3 =	simm.s32 @!p0 $0x1082;
	s9 =	sld [smem:$0x3FB7]  }
0x2f: {  	lr =	sadd.s32 s0, s3;
	s0 =	sld [smem:$0x3FAE]  }
0x30: {  	s3 =	sld [smem:$0x3FB1]  }
0x31: {  	[smem:$0x3FBA] =	sst s10  }
0x32: {  	s10 =	sld [smem:$0x3FB8];
	_ =	sdelay $0x3  }
0x33: {  	p0 =	seq.s32 s10, $0x1;
	s10 =	sld [smem:$0x3FBA];
	_ =	sdelay $0x3  }
0x34: {  	[smem:$0x3FBA] =	sst s10  }
0x35: {  	s10 =	sld [smem:$0x3FB9];
	_ =	sdelay $0x3  }
0x36: {  	p1 =	seq.s32 s10, $0x1;
	s10 =	sld [smem:$0x3FBA];
	_ =	sdelay $0x3  }
0x37: {  	[smem:$0x3FBA] =	sst s10  }
0x38: {  	s10 =	sld [smem:$0x3FBB]  }
0x39: {  	_ = 	snop;
	(pc) =	sbr.ind lr, $3  }
0x3a: {  	_ = 	snop  }
0x3b: {  	_ = 	snop  }
0x3c: {  	p2 =	seq.s32 s10, $0x1;
	s10 =	sld [smem:$0x3FBA]  }
0x3d: {  	_ =	shalt  }
0x3e: {  	_ =	shalt  }
0x3f: {  	_ =	shalt  }
0x40: {  	_ =	shalt  }
0x41: {  	_ =	shalt  }
0x42: {  	_ =	shalt  }
0x43: {  	_ =	shalt  }
0x44: {  	_ =	shalt  }
0x45: {  	_ =	shalt  }
0x46: {  	_ =	shalt  }
0x47: {  	_ =	shalt  }
0x48: {  	_ =	shalt  }
0x49: {  	_ =	shalt  }
0x4a: {  	_ =	shalt  }
0x4b: {  	_ =	shalt  }
0x4c: {  	_ =	shalt  }
0x4d: {  	_ =	shalt  }
0x4e: {  	_ =	shalt  }
0x4f: {  	_ =	shalt  }
0x50: {  	_ =	shalt  }
0x51: {  	_ =	shalt  }
0x52: {  	_ =	shalt  }
0x53: {  	_ =	shalt  }
0x54: {  	_ =	shalt  }
0x55: {  	_ =	shalt  }
0x56: {  	_ =	shalt  }
0x57: {  	_ =	shalt  }
0x58: {  	_ =	shalt  }
0x59: {  	_ =	shalt  }
0x5a: {  	_ =	shalt  }
0x5b: {  	_ =	shalt  }
0x5c: {  	_ =	shalt  }
0x5d: {  	_ =	shalt  }
0x5e: {  	_ =	shalt  }
0x5f: {  	_ =	shalt  }
0x60: {  	_ =	shalt  }
0x61: {  	_ =	shalt  }
0x62: {  	_ =	shalt  }
0x63: {  	_ =	shalt  }
0x64: {  	_ =	shalt  }
0x65: {  	_ =	shalt  }
0x66: {  	_ =	shalt  }
0x67: {  	_ =	shalt  }
0x68: {  	_ =	shalt  }
0x69: {  	_ =	shalt  }
0x6a: {  	_ =	shalt  }
0x6b: {  	_ =	shalt  }
0x6c: {  	_ =	shalt  }
0x6d: {  	_ =	shalt  }
0x6e: {  	_ =	shalt  }
0x6f: {  	_ =	shalt  }
0x70: {  	_ =	shalt  }
0x71: {  	_ =	shalt  }
0x72: {  	_ =	shalt  }
0x73: {  	_ =	shalt  }
0x74: {  	_ =	shalt  }
0x75: {  	_ =	shalt  }
0x76: {  	_ =	shalt  }
0x77: {  	_ =	shalt  }
0x78: {  	_ =	shalt  }
0x79: {  	_ =	shalt  }
0x7a: {  	_ =	shalt  }
0x7b: {  	_ =	shalt  }
0x7c: {  	_ =	shalt  }
0x7d: {  	_ =	shalt  }
0x7e: {  	_ =	shalt  }
0x7f: {  	_ =	shalt  }
0x80: {  	_ =	shalt  }
0x81: {  	_ =	shalt  }
0x82: {  	_ =	shalt  }
0x83: {  	_ =	shalt  }
0x84: {  	_ =	shalt  }
0x85: {  	_ =	shalt  }
0x86: {  	_ =	shalt  }
0x87: {  	_ =	shalt  }
.Lfunc_end0:
.L_simem_size_0:
called_computation_lowered:
.L_overlay_start_0:
0x88: {  	s2 =	sld [smem:$0x3FD9]  }
0x89: {  	s3 =	sld [smem:$0x3FFE];
	_ =	sdelay $0x1  }
0x8a: {  	s1 =	srdreg.scid  }
0x8b: {  	s0 =	sand.u32 $0x1, s1  }
0x8c: {  	s16 =	sshll.u32 s0, $0xA;
	s2 =	sadd.s32 s3, s2  }
0x8d: {  	s2 =	sadd.s32 s2, s16  }
0x8e: {  	[smem:$0x3FC6] =	sst s2  }
0x8f: {  	_ = 	snop  }
0x90: {  	(tm) =	ssettm $0x1  }
0x91: {  	s17 =	sld [smem:$0x3FFB];
	_ =	sdelay $0x3  }
0x92: {  	_ =	strace s17  }
0x93: {  	s2 =	sld [smem:$0x3FFC];
	_ =	sdelay $0x3  }
0x94: {  	_ =	strace s2  }
0x95: {  	s2 =	sld [smem:$0x3FFD];
	_ =	sdelay $0x3  }
0x96: {  	_ =	strace s2  }
0x97: {  	_ =	strace $0x8FFFFFFF  }
0x98: {  	s18 =	sld [smem:$0x3FDB];
	_ =	sdelay $0x1  }
0x99: {  	s19 =	simm.s32 $_scs_section_size  }
0x9a: {  	s4 =	simm.s32 $_size__tile_overlayer_lowered;
	s5 =	simm.s32 $_tile_overlayer_lowered  }
0x9b: {  	s22 =	simm.s32 $0x1BFF;
	s21 =	sshll.u32 s5, $0x1;
	s2 =	sadd.s32 s19, s18  }
0x9c: {  	s6 =	simm.s32 $0x0;
	s20 =	sshll.u32 s4, $0x1;
	s4 =	sadd.s32 s21, s2  }
0x9d: {  	[timem:s6], [sflag:s22] =	dma.local [hbm:s4], s20  }
0x9e: {  	_ =	swait.ge [sflag:s22], s20  }
0x9f: {  	s3 =	ssub.s32 $0x0, s20;
	[sflag:s22] =	ssyncset.done $0x0  }
0xa0: {  	[sflag:s22] =	ssyncadd.s32 s3;
	_ =	sdelay $0x1  }
0xa1: {  	s23 =	simm.s32 $0x1B8B  }
0xa2: {  	_ =	swait.ge [sflag:s23], $0x1  }
0xa3: {  	[sflag:s23] =	ssyncset.done $0x0  }
0xa4: {  	s25 =	simm.s32 $0x1B8E;
	s24 =	sld [smem:$0x3FFE];
	[sflag:s23] =	ssyncadd.s32 $0xFFFFFFFF  }
0xa5: {  	s26 =	simm.s32 $execute0_lowered;
	[smem:$0x3FD2] =	sst s25  }
0xa6: {  	s4 =	sshll.u32 s26, $0x1;
	_ =	strace $0x80000046;
	[dreg:$0x1] =	wrdreg $0xFFFFFFFF  }
0xa7: {  	s28 =	simm.s32 $_size_execute0_lowered;
	s2 =	sadd.s32 s2, s4;
	[dreg:$0x0] =	wrdreg $0x0  }
0xa8: {  	s4 =	sshll.u32 s28, $0x1;
	[dreg:$0x2] =	wrdreg s2  }
0xa9: {  	[dreg:$0x3] =	wrdreg s4  }
0xaa: {  	[dreg:$0x4] =	wrdreg $0xC0  }
0xab: {  	_ =	task [dreg:s6], $0x5FFFF  }
0xac: {  	[dreg:$0x1] =	wrdreg $0xFFFFFFFF  }
0xad: {  	[dreg:$0x0] =	wrdreg $0x60  }
0xae: {  	[dreg:$0x2] =	wrdreg s24  }
0xaf: {  	[dreg:$0x3] =	wrdreg $0x9  }
0xb0: {  	_ =	task.clear_ibuf [dreg:s6], $0x4FFFF;
	_ =	strace $0x90000046  }
0xb1: {  	s29 =	simm.s32 $0x9;
	_ =	strace $0x80000048  }
0xb2: {  	_ =	swait.ge [sflag:s29], $0x1  }
0xb3: {  	[sflag:s29] =	ssyncadd.s32 $0xFFFFFFFF  }
0xb4: {  	_ =	strace $0x90000048  }
0xb5: {  	_ =	sfence  }
0xb6: {  	s30 =	sld [smem:$0x0];
	_ =	sdelay $0x2  }
0xb7: {  	s31 =	sshll.u32 s1, $0xD;
	s1 =	sshrl.u32 s1, $0x2  }
0xb8: {  	s3 =	sand.u32 $0x4000, s31;
	s1 =	sadd.s32 s1, s30  }
0xb9: {  	s0 =	sor.u32 s3, s0;
	s1 =	sshll.u32 s1, $0x11  }
0xba: {  	s0 =	sor.u32 s1, s0  }
0xbb: {  	s0 =	sadd.s32 $0x8F2B, s0  }
0xbc: {  	[sflag:s0] =	ssyncadd.remote.s32 $0x1  }
0xbd: {  	_ =	sfence.sel $0xFFFF  }
0xbe: {  	[dreg:$0x0] =	wrdreg $0xFFFFFFFF;
	(pc) =	sbr.abs _section_cstart, $3  }
0xbf: {  	[dreg:$0x1] =	wrdreg $0xFFFFFFFF  }
0xc0: {  	_ =	task.clear_ibuf [dreg:s6], $0x2FFFF;
	_ =	strace $0x9FFFFFFF  }
0xc1: {  	(tm) =	ssettm $0x7FFFFFFF  }
tec
execute0_lowered:
.L_overlay_start_1:
0x0: {  	(tag) =	ssettag $0x1  }
0x1: {  	s1 =	srdreg.scid  }
0x2: {  	s0 =	stileid.u32;
	s12 =	rddreg [dreg:$0x0]  }
0x3: {  	s2 =	simm.s32 $0x0;
	s3 =	sand.u32 $0x1, s1;
	s1 =	rddreg [dreg:$0x1]  }
0x4: {  	s30 =	sshll.u32 s0, $0x1;
	[smem:$0x7FF] =	sst s2  }
0x5: {  	s9 =	sadd.s32 $0x1600, s12;
	s13 =	sadd.s32 $0x10600, s12;
	s10 =	sor.u32 s3, s30  }
0x6: {  	s14 =	sadd.s32 $0x74600, s12;
	s12 =	sadd.s32 $0xB630, s12;
	s4 =	smul.u32 $0x34, s10  }
0x7: {  	p0 =	sgt.u32 s0, $0x1;
	s3 =	ssub.s32 $0x2, s3;
	s7 =	sor.u32 $0x20, s10  }
0x8: {  	s11 =	sshrl.u32 s3, $0x1;
	s8 =	smul.u32 $0x34, s7;
	s4 =	sshrl.u32 s4, $0x8  }
0x9: {  	_ =	strace $0x80000047;
	s15 =	ssub.s32 s3, s11;
	s5 =	smul.u32 $0xFFFFFFFB, s4  }
0xa: {  	s15 =	smax.u32 s15, $0x1;
	s31 =	sshrl.u32 s8, $0x8;
	s20 =	sshrl.u32 s8, $0xB  }
0xb: {  	s8 =	sshrl.u32 s8, $0x1;
	s18 =	smul.u32 $0xFFFFFFFB, s31;
	s5 =	sadd.s32 s10, s5  }
0xc: {  	s8 =	sand.u32 $0x380, s8;
	s6 =	sshrl.u32 s5, $0x3;
	s5 =	sshll.u32 s5, $0x7  }
0xd: {  	s19 =	sadd.s32 s7, s18;
	s7 =	smul.u32 $0x28000, s20;
	s6 =	sadd.s32 s4, s6  }
0xe: {  	s5 =	sand.u32 $0x380, s5;
	s4 =	sshll.u32 s4, $0x4;
	s16 =	smul.u32 $0x28000, s6  }
0xf: {  	s3 =	sadd.s32 s9, s4;
	s6 =	sshll.u32 s6, $0xD;
	s7 =	sor.u32 s8, s7  }
0x10: {  	s7 =	sshrl.u32 s7, $0x3;
	s17 =	sor.u32 s5, s16;
	s5 =	sor.u32 s5, s6  }
0x11: {  	s16 =	sshrl.u32 s19, $0x3;
	s6 =	sshll.u32 s19, $0x7;
	s4 =	sshrl.u32 s17, $0x3  }
0x12: {  	s5 =	sshrl.u32 s5, $0x3;
	s11 =	sadd.s32 s31, s16;
	s17 =	sor.u32 $0x40, s10  }
0x13: {  	s18 =	sand.u32 $0x380, s6;
	s6 =	sadd.s32 s9, s7;
	s16 =	smul.u32 $0x28000, s11  }
0x14: {  	s10 =	sshll.u32 s10, $0x4;
	s4 =	sadd.s32 s13, s4;
	s21 =	smul.u32 $0x67, s17  }
0x15: {  	s5 =	sadd.s32 s14, s5;
	s11 =	sshll.u32 s11, $0xD;
	s31 =	sadd.s32 $0x10, s10  }
0x16: {  	s11 =	sor.u32 s18, s11;
	s22 =	sor.u32 s18, s16;
	s23 =	sshrl.u32 s21, $0x9  }
0x17: {  	s24 =	sshrl.u32 s21, $0xC;
	s8 =	sshrl.u32 s21, $0x2;
	s19 =	smul.u32 $0xFFFFFFFB, s23  }
0x18: {  	s11 =	sshrl.u32 s11, $0x3;
	s21 =	simm.s32 $0x0;
	s18 =	smul.u32 $0x28000, s24  }
0x19: {  	s7 =	sshrl.u32 s22, $0x3;
	s25 =	sand.u32 $0x380, s8;
	s8 =	sadd.s32 s14, s11  }
0x1a: {  	s7 =	sadd.s32 s13, s7;
	s17 =	sadd.s32 s17, s19;
	s26 =	sor.u32 s25, s18  }
0x1b: {  	s18 =	simm.s32 $0x1;
	s19 =	simm.s32 $0x5000;
	s20 =	sshrl.u32 s17, $0x3  }
0x1c: {  	s11 =	sshrl.u32 s26, $0x3;
	s17 =	sshll.u32 s17, $0x7;
	s16 =	sadd.s32 s23, s20  }
0x1d: {  	s29 =	sand.u32 $0x380, s17;
	s28 =	smul.u32 $0x28000, s16;
	s16 =	sshll.u32 s16, $0xD  }
.Ltmp0:
0x1e: {  	s9 =	sadd.s32 s9, s11;
	s11 =	sor.u32 s29, s16;
	(pc) =	sbr.rel .LBB2_1-.Ltmp0, $4  }
0x1f: {  	s20 =	simm.s32 $0xA000;
	s17 =	sor.u32 s29, s28;
	s11 =	sshrl.u32 s11, $0x3  }
0x20: {  	s16 =	simm.s32 $0x80;
	s30 =	sshrl.u32 s17, $0x3;
	s11 =	sadd.s32 s14, s11  }
0x21: {  	s14 =	sadd.s32 s31, s14;
	s10 =	sadd.s32 s13, s30;
	s13 =	sadd.s32 s31, s13  }
0x22: {  	s17 =	simm.s32 $0x400;
	s14 =	sadd.s32 $0x4C00, s14;
	s13 =	sadd.s32 $0x5F000, s13  }
.LBB2_10:
0x23: {  	_ =	sdelay $0x4  }
0x24: {  	[tilespmem:v3+s20+$0x0] =	vst.idx.msk vm1, v9  }
0x25: {  	[tilespmem:v1+s20+$0x0] =	vst.idx.msk vm2, v7  }
0x26: {  	[tilespmem:v2+s20+$0x0] =	vst.idx.msk vm3, v10  }
0x27: {  	[tilespmem:v5+s20+$0x0] =	vst.idx.msk vm5, v6  }
0x28: {  	[tilespmem:v0+s20+$0x0] =	vst.idx.msk vm0, v8  }
0x29: {  	[tilespmem:v4+s20+$0x0] =	vst.idx.msk vm4, v11  }
0x2a: {  	[hbm4b:s14+s16] =	stream.strided.scatter [tilespmem:s20], [sflag:$0x1], $0x400, s17, s16, $0x38;
	[tilespmem:$0xA400] =	vst v63  }
0x2b: {  	_ =	swait.ge [sflag:s18], $0x400  }
0x2c: {  	[sflag:s18] =	ssyncset.done $0x0  }
0x2d: {  	[sflag:s18] =	ssyncadd.s32 $0xFFFFFC00  }
.LBB2_11:
0x2e: {  	s21 =	sadd.s32 $0x1, s21  }
0x2f: {  	p1 =	sne.s32 s21, s15  }
.Ltmp1:
0x30: {  	_ = 	snop;
	(pc) =	sbr.rel @!p1 .LBB2_12-.Ltmp1, $1  }
0x31: {  	_ =	sdelay $0x3  }
.LBB2_1:
0x32: {  	[tilespmem:s2], [sflag:$0x1] =	stream.strided.gather [hbm4b:s3+s16], $0x5000, s17, s16, $0x38;
	[tilespmem:$0xA400] =	vst v63  }
0x33: {  	_ =	swait.ge [sflag:s18], $0x5000  }
0x34: {  	[sflag:s18] =	ssyncset.done $0x0  }
0x35: {  	[sflag:s18] =	ssyncadd.s32 $0xFFFFB000  }
0x36: {  	[tilespmem:s19], [sflag:$0x1] =	stream.strided.gather [hbm4b:s4+s16], $0x5000, s17, s16, $0x38;
	[tilespmem:$0xA400] =	vst v63  }
0x37: {  	_ =	swait.ge [sflag:s18], $0x5000  }
0x38: {  	[sflag:s18] =	ssyncset.done $0x0  }
0x39: {  	s23 =	simm.s32 $0x40;
	[sflag:s18] =	ssyncadd.s32 $0xFFFFB000  }
0x3a: {  	v8 =	vld [tilespmem:s23+$0x30]  }
0x3b: {  	v11 =	vld [tilespmem:s23+$0xFFFFFFD0]  }
0x3c: {  	v3 =	vld [tilespmem:s23+$0xFFFFFFE0]  }
0x3d: {  	v1 =	vld [tilespmem:s23+$0xFFFFFFF0]  }
0x3e: {  	v2 =	vld [tilespmem:s23+$0x0]  }
0x3f: {  	s22 =	simm.s32 $0x5040;
	v0 =	vld [tilespmem:s23+$0x10]  }
0x40: {  	v12 =	vld [tilespmem:s22+$0x30]  }
0x41: {  	v4 =	vld [tilespmem:s23+$0x20]  }
0x42: {  	v5 =	vld [tilespmem:s23+$0xFFFFFFC0];
	vm0 =	vgt.s32 v8, $0xFFFFFFFF  }
0x43: {  	v6 =	vld [tilespmem:s22+$0xFFFFFFC0];
	vm6 =	vgt.s32 v11, $0xFFFFFFFF  }
0x44: {  	v13 =	vld [tilespmem:s22+$0xFFFFFFD0];
	vm1 =	vgt.s32 v3, $0xFFFFFFFF  }
0x45: {  	v9 =	vld [tilespmem:s22+$0xFFFFFFE0];
	vm2 =	vgt.s32 v1, $0xFFFFFFFF  }
0x46: {  	v7 =	vld [tilespmem:s22+$0xFFFFFFF0];
	vm3 =	vgt.s32 v2, $0xFFFFFFFF  }
0x47: {  	v10 =	vld [tilespmem:s22+$0x0];
	vm5 =	vgt.s32 v5, $0xFFFFFFFF  }
0x48: {  	[tilespmem:v8+s20+$0x0] =	vst.idx.msk vm0, v12;
	v8 =	vld [tilespmem:s22+$0x10];
	vm0 =	vgt.s32 v0, $0xFFFFFFFF  }
0x49: {  	s24 =	simm.s32 $0xC0;
	s23 =	simm.s32 $0x0;
	vm4 =	vgt.s32 v4, $0xFFFFFFFF;
	[tilespmem:v11+s20+$0x0] =	vst.idx.msk vm6, v13;
	v11 =	vld [tilespmem:s22+$0x20]  }
.LBB2_2:
0x4a: {  	v12 =	vld [tilespmem:s24+$0x30];
	s23 =	sadd.s32 $0x8, s23;
	[tilespmem:v3+s20+$0x0] =	vst.idx.msk vm1, v9  }
0x4b: {  	v13 =	vld [tilespmem:s24+$0xFFFFFFD0];
	p1 =	slt.u32 s23, $0x4F8;
	[tilespmem:v1+s20+$0x0] =	vst.idx.msk vm2, v7  }
0x4c: {  	v3 =	vld [tilespmem:s24+$0xFFFFFFE0];
	[tilespmem:v2+s20+$0x0] =	vst.idx.msk vm3, v10  }
0x4d: {  	v1 =	vld [tilespmem:s24+$0xFFFFFFF0];
	[tilespmem:v5+s20+$0x0] =	vst.idx.msk vm5, v6  }
0x4e: {  	v2 =	vld [tilespmem:s24+$0x0];
	[tilespmem:v0+s20+$0x0] =	vst.idx.msk vm0, v8  }
0x4f: {  	s22 =	sadd.s32 $0x80, s22;
	v0 =	vld [tilespmem:s24+$0x10];
	vm5 =	vgt.s32 v12, $0xFFFFFFFF;
	[tilespmem:v4+s20+$0x0] =	vst.idx.msk vm4, v11  }
0x50: {  	vm6 =	vgt.s32 v13, $0xFFFFFFFF;
	v7 =	vld [tilespmem:s22+$0x30]  }
0x51: {  	vm1 =	vgt.s32 v3, $0xFFFFFFFF;
	v4 =	vld [tilespmem:s24+$0x20]  }
0x52: {  	v5 =	vld [tilespmem:s24+$0xFFFFFFC0];
	vm2 =	vgt.s32 v1, $0xFFFFFFFF  }
0x53: {  	v6 =	vld [tilespmem:s22+$0xFFFFFFC0];
	vm3 =	vgt.s32 v2, $0xFFFFFFFF  }
0x54: {  	v11 =	vld [tilespmem:s22+$0xFFFFFFD0];
	vm0 =	vgt.s32 v0, $0xFFFFFFFF  }
.Ltmp2:
0x55: {  	v9 =	vld [tilespmem:s22+$0xFFFFFFE0];
	[tilespmem:v12+s20+$0x0] =	vst.idx.msk vm5, v7;
	(pc) =	sbr.rel @p1 .LBB2_2-.Ltmp2, $4  }
0x56: {  	v7 =	vld [tilespmem:s22+$0xFFFFFFF0];
	vm4 =	vgt.s32 v4, $0xFFFFFFFF  }
0x57: {  	vm5 =	vgt.s32 v5, $0xFFFFFFFF;
	v10 =	vld [tilespmem:s22+$0x0]  }
0x58: {  	v8 =	vld [tilespmem:s22+$0x10]  }
0x59: {  	s24 =	sadd.s32 $0x80, s24;
	[tilespmem:v13+s20+$0x0] =	vst.idx.msk vm6, v11;
	v11 =	vld [tilespmem:s22+$0x20]  }
0x5a: {  	_ =	sdelay $0x4  }
0x5b: {  	[tilespmem:v3+s20+$0x0] =	vst.idx.msk vm1, v9  }
0x5c: {  	[tilespmem:v5+s20+$0x0] =	vst.idx.msk vm5, v6  }
0x5d: {  	[tilespmem:v1+s20+$0x0] =	vst.idx.msk vm2, v7  }
0x5e: {  	[tilespmem:v2+s20+$0x0] =	vst.idx.msk vm3, v10  }
0x5f: {  	[tilespmem:v0+s20+$0x0] =	vst.idx.msk vm0, v8  }
0x60: {  	[tilespmem:v4+s20+$0x0] =	vst.idx.msk vm4, v11  }
0x61: {  	[hbm4b:s5+s16] =	stream.strided.scatter [tilespmem:s20], [sflag:$0x1], $0x400, s17, s16, $0x38;
	[tilespmem:$0xA400] =	vst v63  }
0x62: {  	_ =	swait.ge [sflag:s18], $0x400  }
0x63: {  	[sflag:s18] =	ssyncset.done $0x0  }
0x64: {  	[sflag:s18] =	ssyncadd.s32 $0xFFFFFC00  }
0x65: {  	[tilespmem:s2], [sflag:$0x1] =	stream.strided.gather [hbm4b:s6+s16], $0x5000, s17, s16, $0x38;
	[tilespmem:$0xA400] =	vst v63  }
0x66: {  	_ =	swait.ge [sflag:s18], $0x5000  }
0x67: {  	[sflag:s18] =	ssyncset.done $0x0  }
0x68: {  	[sflag:s18] =	ssyncadd.s32 $0xFFFFB000  }
0x69: {  	[tilespmem:s19], [sflag:$0x1] =	stream.strided.gather [hbm4b:s7+s16], $0x5000, s17, s16, $0x38;
	[tilespmem:$0xA400] =	vst v63  }
0x6a: {  	_ =	swait.ge [sflag:s18], $0x5000  }
0x6b: {  	[sflag:s18] =	ssyncset.done $0x0  }
0x6c: {  	s23 =	simm.s32 $0x40;
	[sflag:s18] =	ssyncadd.s32 $0xFFFFB000  }
0x6d: {  	v8 =	vld [tilespmem:s23+$0x30]  }
0x6e: {  	v11 =	vld [tilespmem:s23+$0xFFFFFFD0]  }
0x6f: {  	v3 =	vld [tilespmem:s23+$0xFFFFFFE0]  }
0x70: {  	v1 =	vld [tilespmem:s23+$0xFFFFFFF0]  }
0x71: {  	v2 =	vld [tilespmem:s23+$0x0]  }
0x72: {  	s22 =	simm.s32 $0x5040;
	v0 =	vld [tilespmem:s23+$0x10]  }
0x73: {  	v12 =	vld [tilespmem:s22+$0x30]  }
0x74: {  	v4 =	vld [tilespmem:s23+$0x20]  }
0x75: {  	v5 =	vld [tilespmem:s23+$0xFFFFFFC0];
	vm0 =	vgt.s32 v8, $0xFFFFFFFF  }
0x76: {  	v6 =	vld [tilespmem:s22+$0xFFFFFFC0];
	vm6 =	vgt.s32 v11, $0xFFFFFFFF  }
0x77: {  	v13 =	vld [tilespmem:s22+$0xFFFFFFD0];
	vm1 =	vgt.s32 v3, $0xFFFFFFFF  }
0x78: {  	v9 =	vld [tilespmem:s22+$0xFFFFFFE0];
	vm2 =	vgt.s32 v1, $0xFFFFFFFF  }
0x79: {  	v7 =	vld [tilespmem:s22+$0xFFFFFFF0];
	vm3 =	vgt.s32 v2, $0xFFFFFFFF  }
0x7a: {  	v10 =	vld [tilespmem:s22+$0x0];
	vm5 =	vgt.s32 v5, $0xFFFFFFFF  }
0x7b: {  	[tilespmem:v8+s20+$0x0] =	vst.idx.msk vm0, v12;
	v8 =	vld [tilespmem:s22+$0x10];
	vm0 =	vgt.s32 v0, $0xFFFFFFFF  }
0x7c: {  	s24 =	simm.s32 $0xC0;
	s23 =	simm.s32 $0x0;
	vm4 =	vgt.s32 v4, $0xFFFFFFFF;
	[tilespmem:v11+s20+$0x0] =	vst.idx.msk vm6, v13;
	v11 =	vld [tilespmem:s22+$0x20]  }
.LBB2_4:
0x7d: {  	v12 =	vld [tilespmem:s24+$0x30];
	s23 =	sadd.s32 $0x8, s23;
	[tilespmem:v3+s20+$0x0] =	vst.idx.msk vm1, v9  }
0x7e: {  	v13 =	vld [tilespmem:s24+$0xFFFFFFD0];
	p1 =	slt.u32 s23, $0x4F8;
	[tilespmem:v1+s20+$0x0] =	vst.idx.msk vm2, v7  }
0x7f: {  	v3 =	vld [tilespmem:s24+$0xFFFFFFE0];
	[tilespmem:v2+s20+$0x0] =	vst.idx.msk vm3, v10  }
0x80: {  	v1 =	vld [tilespmem:s24+$0xFFFFFFF0];
	[tilespmem:v5+s20+$0x0] =	vst.idx.msk vm5, v6  }
0x81: {  	v2 =	vld [tilespmem:s24+$0x0];
	[tilespmem:v0+s20+$0x0] =	vst.idx.msk vm0, v8  }
0x82: {  	s22 =	sadd.s32 $0x80, s22;
	v0 =	vld [tilespmem:s24+$0x10];
	vm5 =	vgt.s32 v12, $0xFFFFFFFF;
	[tilespmem:v4+s20+$0x0] =	vst.idx.msk vm4, v11  }
0x83: {  	vm6 =	vgt.s32 v13, $0xFFFFFFFF;
	v7 =	vld [tilespmem:s22+$0x30]  }
0x84: {  	vm1 =	vgt.s32 v3, $0xFFFFFFFF;
	v4 =	vld [tilespmem:s24+$0x20]  }
0x85: {  	v5 =	vld [tilespmem:s24+$0xFFFFFFC0];
	vm2 =	vgt.s32 v1, $0xFFFFFFFF  }
0x86: {  	v6 =	vld [tilespmem:s22+$0xFFFFFFC0];
	vm3 =	vgt.s32 v2, $0xFFFFFFFF  }
0x87: {  	v11 =	vld [tilespmem:s22+$0xFFFFFFD0];
	vm0 =	vgt.s32 v0, $0xFFFFFFFF  }
.Ltmp3:
0x88: {  	v9 =	vld [tilespmem:s22+$0xFFFFFFE0];
	[tilespmem:v12+s20+$0x0] =	vst.idx.msk vm5, v7;
	(pc) =	sbr.rel @p1 .LBB2_4-.Ltmp3, $4  }
0x89: {  	v7 =	vld [tilespmem:s22+$0xFFFFFFF0];
	vm4 =	vgt.s32 v4, $0xFFFFFFFF  }
0x8a: {  	vm5 =	vgt.s32 v5, $0xFFFFFFFF;
	v10 =	vld [tilespmem:s22+$0x0]  }
0x8b: {  	v8 =	vld [tilespmem:s22+$0x10]  }
0x8c: {  	s24 =	sadd.s32 $0x80, s24;
	[tilespmem:v13+s20+$0x0] =	vst.idx.msk vm6, v11;
	v11 =	vld [tilespmem:s22+$0x20]  }
0x8d: {  	_ =	sdelay $0x4  }
0x8e: {  	[tilespmem:v3+s20+$0x0] =	vst.idx.msk vm1, v9  }
0x8f: {  	[tilespmem:v5+s20+$0x0] =	vst.idx.msk vm5, v6  }
0x90: {  	[tilespmem:v1+s20+$0x0] =	vst.idx.msk vm2, v7  }
0x91: {  	[tilespmem:v2+s20+$0x0] =	vst.idx.msk vm3, v10  }
0x92: {  	[tilespmem:v0+s20+$0x0] =	vst.idx.msk vm0, v8  }
0x93: {  	[tilespmem:v4+s20+$0x0] =	vst.idx.msk vm4, v11  }
0x94: {  	[hbm4b:s8+s16] =	stream.strided.scatter [tilespmem:s20], [sflag:$0x1], $0x400, s17, s16, $0x38;
	[tilespmem:$0xA400] =	vst v63  }
0x95: {  	_ =	swait.ge [sflag:s18], $0x400  }
0x96: {  	[sflag:s18] =	ssyncset.done $0x0  }
0x97: {  	[sflag:s18] =	ssyncadd.s32 $0xFFFFFC00  }
0x98: {  	[tilespmem:s2], [sflag:$0x1] =	stream.strided.gather [hbm4b:s9+s16], $0x5000, s17, s16, $0x38;
	[tilespmem:$0xA400] =	vst v63  }
0x99: {  	_ =	swait.ge [sflag:s18], $0x5000  }
0x9a: {  	[sflag:s18] =	ssyncset.done $0x0  }
0x9b: {  	[sflag:s18] =	ssyncadd.s32 $0xFFFFB000  }
0x9c: {  	[tilespmem:s19], [sflag:$0x1] =	stream.strided.gather [hbm4b:s10+s16], $0x5000, s17, s16, $0x38;
	[tilespmem:$0xA400] =	vst v63  }
0x9d: {  	_ =	swait.ge [sflag:s18], $0x5000  }
0x9e: {  	[sflag:s18] =	ssyncset.done $0x0  }
0x9f: {  	s23 =	simm.s32 $0x40;
	[sflag:s18] =	ssyncadd.s32 $0xFFFFB000  }
0xa0: {  	v8 =	vld [tilespmem:s23+$0x30]  }
0xa1: {  	v11 =	vld [tilespmem:s23+$0xFFFFFFD0]  }
0xa2: {  	v3 =	vld [tilespmem:s23+$0xFFFFFFE0]  }
0xa3: {  	v1 =	vld [tilespmem:s23+$0xFFFFFFF0]  }
0xa4: {  	v2 =	vld [tilespmem:s23+$0x0]  }
0xa5: {  	s22 =	simm.s32 $0x5040;
	v0 =	vld [tilespmem:s23+$0x10]  }
0xa6: {  	v12 =	vld [tilespmem:s22+$0x30]  }
0xa7: {  	v4 =	vld [tilespmem:s23+$0x20]  }
0xa8: {  	v5 =	vld [tilespmem:s23+$0xFFFFFFC0];
	vm0 =	vgt.s32 v8, $0xFFFFFFFF  }
0xa9: {  	v6 =	vld [tilespmem:s22+$0xFFFFFFC0];
	vm6 =	vgt.s32 v11, $0xFFFFFFFF  }
0xaa: {  	v13 =	vld [tilespmem:s22+$0xFFFFFFD0];
	vm1 =	vgt.s32 v3, $0xFFFFFFFF  }
0xab: {  	v9 =	vld [tilespmem:s22+$0xFFFFFFE0];
	vm2 =	vgt.s32 v1, $0xFFFFFFFF  }
0xac: {  	v7 =	vld [tilespmem:s22+$0xFFFFFFF0];
	vm3 =	vgt.s32 v2, $0xFFFFFFFF  }
0xad: {  	v10 =	vld [tilespmem:s22+$0x0];
	vm5 =	vgt.s32 v5, $0xFFFFFFFF  }
0xae: {  	[tilespmem:v8+s20+$0x0] =	vst.idx.msk vm0, v12;
	v8 =	vld [tilespmem:s22+$0x10];
	vm0 =	vgt.s32 v0, $0xFFFFFFFF  }
0xaf: {  	s24 =	simm.s32 $0xC0;
	s23 =	simm.s32 $0x0;
	vm4 =	vgt.s32 v4, $0xFFFFFFFF;
	[tilespmem:v11+s20+$0x0] =	vst.idx.msk vm6, v13;
	v11 =	vld [tilespmem:s22+$0x20]  }
.LBB2_6:
0xb0: {  	v12 =	vld [tilespmem:s24+$0x30];
	s23 =	sadd.s32 $0x8, s23;
	[tilespmem:v3+s20+$0x0] =	vst.idx.msk vm1, v9  }
0xb1: {  	v13 =	vld [tilespmem:s24+$0xFFFFFFD0];
	p1 =	slt.u32 s23, $0x4F8;
	[tilespmem:v1+s20+$0x0] =	vst.idx.msk vm2, v7  }
0xb2: {  	v3 =	vld [tilespmem:s24+$0xFFFFFFE0];
	[tilespmem:v2+s20+$0x0] =	vst.idx.msk vm3, v10  }
0xb3: {  	v1 =	vld [tilespmem:s24+$0xFFFFFFF0];
	[tilespmem:v5+s20+$0x0] =	vst.idx.msk vm5, v6  }
0xb4: {  	v2 =	vld [tilespmem:s24+$0x0];
	[tilespmem:v0+s20+$0x0] =	vst.idx.msk vm0, v8  }
0xb5: {  	s22 =	sadd.s32 $0x80, s22;
	v0 =	vld [tilespmem:s24+$0x10];
	vm5 =	vgt.s32 v12, $0xFFFFFFFF;
	[tilespmem:v4+s20+$0x0] =	vst.idx.msk vm4, v11  }
0xb6: {  	vm6 =	vgt.s32 v13, $0xFFFFFFFF;
	v7 =	vld [tilespmem:s22+$0x30]  }
0xb7: {  	vm1 =	vgt.s32 v3, $0xFFFFFFFF;
	v4 =	vld [tilespmem:s24+$0x20]  }
0xb8: {  	v5 =	vld [tilespmem:s24+$0xFFFFFFC0];
	vm2 =	vgt.s32 v1, $0xFFFFFFFF  }
0xb9: {  	v6 =	vld [tilespmem:s22+$0xFFFFFFC0];
	vm3 =	vgt.s32 v2, $0xFFFFFFFF  }
0xba: {  	v11 =	vld [tilespmem:s22+$0xFFFFFFD0];
	vm0 =	vgt.s32 v0, $0xFFFFFFFF  }
.Ltmp4:
0xbb: {  	v9 =	vld [tilespmem:s22+$0xFFFFFFE0];
	[tilespmem:v12+s20+$0x0] =	vst.idx.msk vm5, v7;
	(pc) =	sbr.rel @p1 .LBB2_6-.Ltmp4, $4  }
0xbc: {  	v7 =	vld [tilespmem:s22+$0xFFFFFFF0];
	vm4 =	vgt.s32 v4, $0xFFFFFFFF  }
0xbd: {  	vm5 =	vgt.s32 v5, $0xFFFFFFFF;
	v10 =	vld [tilespmem:s22+$0x0]  }
0xbe: {  	v8 =	vld [tilespmem:s22+$0x10]  }
0xbf: {  	s24 =	sadd.s32 $0x80, s24;
	[tilespmem:v13+s20+$0x0] =	vst.idx.msk vm6, v11;
	v11 =	vld [tilespmem:s22+$0x20]  }
0xc0: {  	_ =	sdelay $0x4  }
0xc1: {  	[tilespmem:v3+s20+$0x0] =	vst.idx.msk vm1, v9  }
0xc2: {  	[tilespmem:v5+s20+$0x0] =	vst.idx.msk vm5, v6  }
0xc3: {  	[tilespmem:v1+s20+$0x0] =	vst.idx.msk vm2, v7  }
0xc4: {  	[tilespmem:v2+s20+$0x0] =	vst.idx.msk vm3, v10  }
0xc5: {  	[tilespmem:v0+s20+$0x0] =	vst.idx.msk vm0, v8  }
.Ltmp5:
0xc6: {  	[tilespmem:v4+s20+$0x0] =	vst.idx.msk vm4, v11;
	(pc) =	sbr.rel @p0 .LBB2_11-.Ltmp5, $4  }
0xc7: {  	[hbm4b:s11+s16] =	stream.strided.scatter [tilespmem:s20], [sflag:$0x1], $0x400, s17, s16, $0x38;
	[tilespmem:$0xA400] =	vst v63  }
0xc8: {  	_ =	swait.ge [sflag:s18], $0x400  }
0xc9: {  	[sflag:s18] =	ssyncset.done $0x0  }
0xca: {  	[sflag:s18] =	ssyncadd.s32 $0xFFFFFC00  }
0xcb: {  	[tilespmem:s2], [sflag:$0x1] =	stream.strided.gather [hbm4b:s12+s16], $0x5000, s17, s16, $0x38;
	[tilespmem:$0xA400] =	vst v63  }
0xcc: {  	_ =	swait.ge [sflag:s18], $0x5000  }
0xcd: {  	[sflag:s18] =	ssyncset.done $0x0  }
0xce: {  	[sflag:s18] =	ssyncadd.s32 $0xFFFFB000  }
0xcf: {  	[tilespmem:s19], [sflag:$0x1] =	stream.strided.gather [hbm4b:s13+s16], $0x5000, s17, s16, $0x38;
	[tilespmem:$0xA400] =	vst v63  }
0xd0: {  	_ =	swait.ge [sflag:s18], $0x5000  }
0xd1: {  	[sflag:s18] =	ssyncset.done $0x0  }
0xd2: {  	s23 =	simm.s32 $0x40;
	[sflag:s18] =	ssyncadd.s32 $0xFFFFB000  }
0xd3: {  	v8 =	vld [tilespmem:s23+$0x30]  }
0xd4: {  	v11 =	vld [tilespmem:s23+$0xFFFFFFD0]  }
0xd5: {  	v3 =	vld [tilespmem:s23+$0xFFFFFFE0]  }
0xd6: {  	v1 =	vld [tilespmem:s23+$0xFFFFFFF0]  }
0xd7: {  	v2 =	vld [tilespmem:s23+$0x0]  }
0xd8: {  	s22 =	simm.s32 $0x5040;
	v0 =	vld [tilespmem:s23+$0x10]  }
0xd9: {  	v12 =	vld [tilespmem:s22+$0x30]  }
0xda: {  	v4 =	vld [tilespmem:s23+$0x20]  }
0xdb: {  	v5 =	vld [tilespmem:s23+$0xFFFFFFC0];
	vm0 =	vgt.s32 v8, $0xFFFFFFFF  }
0xdc: {  	v6 =	vld [tilespmem:s22+$0xFFFFFFC0];
	vm6 =	vgt.s32 v11, $0xFFFFFFFF  }
0xdd: {  	v13 =	vld [tilespmem:s22+$0xFFFFFFD0];
	vm1 =	vgt.s32 v3, $0xFFFFFFFF  }
0xde: {  	v9 =	vld [tilespmem:s22+$0xFFFFFFE0];
	vm2 =	vgt.s32 v1, $0xFFFFFFFF  }
0xdf: {  	v7 =	vld [tilespmem:s22+$0xFFFFFFF0];
	vm3 =	vgt.s32 v2, $0xFFFFFFFF  }
0xe0: {  	v10 =	vld [tilespmem:s22+$0x0];
	vm5 =	vgt.s32 v5, $0xFFFFFFFF  }
0xe1: {  	[tilespmem:v8+s20+$0x0] =	vst.idx.msk vm0, v12;
	v8 =	vld [tilespmem:s22+$0x10];
	vm0 =	vgt.s32 v0, $0xFFFFFFFF  }
0xe2: {  	s24 =	simm.s32 $0xC0;
	s23 =	simm.s32 $0x0;
	vm4 =	vgt.s32 v4, $0xFFFFFFFF;
	[tilespmem:v11+s20+$0x0] =	vst.idx.msk vm6, v13;
	v11 =	vld [tilespmem:s22+$0x20]  }
.LBB2_9:
0xe3: {  	v12 =	vld [tilespmem:s24+$0x30];
	s23 =	sadd.s32 $0x8, s23;
	[tilespmem:v3+s20+$0x0] =	vst.idx.msk vm1, v9  }
0xe4: {  	v13 =	vld [tilespmem:s24+$0xFFFFFFD0];
	p1 =	slt.u32 s23, $0x4F8;
	[tilespmem:v1+s20+$0x0] =	vst.idx.msk vm2, v7  }
0xe5: {  	v3 =	vld [tilespmem:s24+$0xFFFFFFE0];
	[tilespmem:v2+s20+$0x0] =	vst.idx.msk vm3, v10  }
0xe6: {  	v1 =	vld [tilespmem:s24+$0xFFFFFFF0];
	[tilespmem:v5+s20+$0x0] =	vst.idx.msk vm5, v6  }
0xe7: {  	v2 =	vld [tilespmem:s24+$0x0];
	[tilespmem:v0+s20+$0x0] =	vst.idx.msk vm0, v8  }
0xe8: {  	s22 =	sadd.s32 $0x80, s22;
	v0 =	vld [tilespmem:s24+$0x10];
	vm5 =	vgt.s32 v12, $0xFFFFFFFF;
	[tilespmem:v4+s20+$0x0] =	vst.idx.msk vm4, v11  }
0xe9: {  	vm6 =	vgt.s32 v13, $0xFFFFFFFF;
	v7 =	vld [tilespmem:s22+$0x30]  }
0xea: {  	vm1 =	vgt.s32 v3, $0xFFFFFFFF;
	v4 =	vld [tilespmem:s24+$0x20]  }
0xeb: {  	v5 =	vld [tilespmem:s24+$0xFFFFFFC0];
	vm2 =	vgt.s32 v1, $0xFFFFFFFF  }
0xec: {  	v6 =	vld [tilespmem:s22+$0xFFFFFFC0];
	vm3 =	vgt.s32 v2, $0xFFFFFFFF  }
0xed: {  	v11 =	vld [tilespmem:s22+$0xFFFFFFD0];
	vm0 =	vgt.s32 v0, $0xFFFFFFFF  }
.Ltmp6:
0xee: {  	v9 =	vld [tilespmem:s22+$0xFFFFFFE0];
	[tilespmem:v12+s20+$0x0] =	vst.idx.msk vm5, v7;
	(pc) =	sbr.rel @p1 .LBB2_9-.Ltmp6, $4  }
0xef: {  	v7 =	vld [tilespmem:s22+$0xFFFFFFF0];
	vm4 =	vgt.s32 v4, $0xFFFFFFFF  }
0xf0: {  	vm5 =	vgt.s32 v5, $0xFFFFFFFF;
	v10 =	vld [tilespmem:s22+$0x0]  }
0xf1: {  	v8 =	vld [tilespmem:s22+$0x10]  }
0xf2: {  	s24 =	sadd.s32 $0x80, s24;
	[tilespmem:v13+s20+$0x0] =	vst.idx.msk vm6, v11;
	v11 =	vld [tilespmem:s22+$0x20]  }
.Ltmp7:
0xf3: {  	_ = 	snop;
	(pc) =	sbr.rel .LBB2_10-.Ltmp7, $1  }
0xf4: {  	_ =	sdelay $0x3  }
.LBB2_12:
0xf5: {  	_ =	sfence.sel $0x180000  }
0xf6: {  	[bflag:$0x0] =	sbarrier.arrive $0xFFFF  }
0xf7: {  	p0 =	sne.s32 s0, $0x0;
	_ =	strace $0x90000047  }
0xf8: {  	s0 =	sadd.s32 @!p0 $0x100000, s1;
	[bflag:$0x2] =	sbarrier.arrive $0xFFFF  }
0xf9: {  	[sflag:s0] =	ssyncadd.tile.s32 @!p0 $0x1;
	_ =	shalt  }
.Lfunc_end2:
_tile_overlayer_lowered:
.L_overlay_start_2:
0xfa: {  	(tag) =	ssettag $0x2  }
0xfb: {  	s0 =	rddreg [dreg:$0x0];
	s2 =	stileid.u32  }
0xfc: {  	s1 =	rddreg [dreg:$0x1];
	p0 =	sne.s32 s2, $0x0  }
0xfd: {  	s3 =	rddreg [dreg:$0x2];
	[bflag:$0x3] =	sbarrier.arrive $0xFFFF;
	s2 =	simm.s32 @!p0 $0x1C01  }
0xfe: {  	[timem:s3], [sflag:s2] =	dma.local @!p0 [hbm:s0], s1  }
0xff: {  	s0 =	simm.s32 @!p0 $0x1  }
0x100: {  	_ =	swait.ge @!p0 [sflag:s0], s1  }
0x101: {  	s1 =	ssub.s32 @!p0 $0x0, s1;
	[sflag:s0] =	ssyncset.done @!p0 $0x0  }
0x102: {  	[sflag:s0] =	ssyncadd.s32 @!p0 s1  }
0x103: {  	[bflag:$0x3] =	sbarrier.arrive $0xFFFF  }
0x104: {  	_ =	shalt  }

</sc_bundles>
